<compile_context>
chip_gen: v7x
topology: tpu7x:2x2x1
jax: 0.10.2.dev20260603
libtpu: 0.0.44.dev20260713+nightly
codegen_flags: <defaults>
</compile_context>

<pallas_src>
import jax
import jax.numpy as jnp
from jax import lax
from jax.experimental import pallas as pl
from jax.experimental.pallas import tpu as pltpu
from jax.experimental.pallas import tpu_sc as plsc

D_MODEL = 64
SCALE = float(D_MODEL) ** 0.5
NUM_CORES = 2
NUM_SUBCORES = 16
NUM_WORKERS = NUM_CORES * NUM_SUBCORES
CHUNK = 400
NBUF = 4
AHEAD = 2


def _emb_body(b_per_w, x_hbm, table_hbm, out_hbm, i0, i1, i2, i3,
              r0, r1, r2, r3, g0, g1, g2, g3, o0, o1, o2, o3):
    idx = (i0, i1, i2, i3)
    rows = (r0, r1, r2, r3)
    gsem = (g0, g1, g2, g3)
    osem = (o0, o1, o2, o3)
    wid = lax.axis_index("s") * NUM_CORES + lax.axis_index("c")
    base = wid * b_per_w
    n_chunks = b_per_w // CHUNK

    def gather_copy(g, b):
        return pltpu.make_async_copy(table_hbm.at[idx[b]], rows[b], gsem[b])

    def load_idx(g, b):
        pltpu.sync_copy(x_hbm.at[pl.ds(base + g * CHUNK, CHUNK)], idx[b])

    def out_copy(g, b):
        return pltpu.make_async_copy(
            rows[b], out_hbm.at[pl.ds(base + g * CHUNK, CHUNK)], osem[b])

    def scale(b):
        rv = rows[b]

        @plsc.parallel_loop(0, CHUNK, unroll=8)
        def _(r):
            for j in range(D_MODEL // 16):
                sl = pl.ds(j * 16, 16)
                rv[r, sl] = rv[r, sl] * SCALE

    def unit(g, b, wait_prev_out, issue_next):
        if issue_next:
            bn = (b + AHEAD) % NBUF
            if wait_prev_out:
                out_copy(0, bn).wait()
            load_idx(g + AHEAD, bn)
            gather_copy(g + AHEAD, bn).start()
        gather_copy(g, b).wait()
        scale(b)
        out_copy(g, b).start()

    for g in range(AHEAD):
        load_idx(g, g % NBUF)
        gather_copy(g, g % NBUF).start()
    for g in range(NBUF):
        unit(g, g % NBUF, wait_prev_out=(g >= AHEAD), issue_next=True)

    def pbody(p, carry):
        g0_ = p * NBUF
        for b in range(NBUF):
            unit(g0_ + b, b, wait_prev_out=True, issue_next=True)
        return carry

    lax.fori_loop(1, n_chunks // NBUF - 1, pbody, 0)

    for g in range(n_chunks - NBUF, n_chunks):
        unit(g, g % NBUF, wait_prev_out=True,
             issue_next=(g + AHEAD < n_chunks))
    for b in range(NBUF):
        out_copy(0, b).wait()


@jax.jit
def kernel(x, table):
    batch, seq = x.shape
    n_rows = batch * seq
    assert n_rows % (NUM_WORKERS * CHUNK * NBUF) == 0
    b_per_w = n_rows // NUM_WORKERS
    xf = x.reshape(n_rows).astype(jnp.int32)

    mesh = plsc.VectorSubcoreMesh(
        core_axis_name="c",
        subcore_axis_name="s",
        num_cores=NUM_CORES,
        num_subcores=NUM_SUBCORES,
    )
    out = pl.kernel(
        lambda *refs: _emb_body(b_per_w, *refs),
        out_type=jax.ShapeDtypeStruct((n_rows, D_MODEL), jnp.float32),
        mesh=mesh,
        compiler_params=pltpu.CompilerParams(use_tc_tiling_on_sc=False),
        scratch_types=[pltpu.VMEM((CHUNK,), jnp.int32) for _ in range(NBUF)]
        + [pltpu.VMEM((CHUNK, D_MODEL), jnp.float32) for _ in range(NBUF)]
        + [pltpu.SemaphoreType.DMA for _ in range(2 * NBUF)],
    )(xf, table)
    return out.reshape(batch, seq, D_MODEL)

# --- scband reference (transcript-rebuilt; emitter-appended) ---
"""Pipeline reference for scband-token-embedding-60155311948372 (READ-ONLY COPY).

The authoritative reference and input builder live on the scoring server;
editing this copy changes nothing except your own understanding.
"""

import jax, jax.numpy as jnp
import numpy as np

VOCAB = 1000000
D_MODEL = 64
BATCH = 4096
SEQ = 200


def setup_inputs(seed: int = 0) -> dict:
    key = jax.random.key(seed)
    k_idx, k_tab = jax.random.split(key)
    x = jax.random.randint(k_idx, (BATCH, SEQ), 0, VOCAB, dtype=jnp.int64 if jax.config.jax_enable_x64 else jnp.int32)
    table = jax.random.normal(k_tab, (VOCAB, D_MODEL), dtype=jnp.float32)
    return {"x": x, "table": table}


def reference(x, table):
    # TokenEmbedding.forward: embedding lookup scaled by sqrt(d_model)
    emb = jnp.take(table, x, axis=0)  # [batch, seq, d_model]
    return emb * (D_MODEL ** 0.5)

if __name__ == "__main__":
    import jax
    _d = setup_inputs()
    print(jax.jit(kernel)(*tuple(_d.values())))

</pallas_src>

<mosaic_0001>
#map = affine_map<(d0, d1) -> (0)>
#map1 = affine_map<(d0, d1) -> (0, 0)>
module attributes {stable_mosaic.version = 14 : i64} {
  func.func @_lambda_(%arg0: i32, %arg1: i32, %arg2: memref<819200xi32, #tpu.memory_space<hbm>>, %arg3: memref<1000000x64xf32, #tpu.memory_space<hbm>>, %arg4: memref<819200x64xf32, #tpu.memory_space<hbm>>, %arg5: memref<400xi32, #tpu.memory_space<vmem>>, %arg6: memref<400xi32, #tpu.memory_space<vmem>>, %arg7: memref<400xi32, #tpu.memory_space<vmem>>, %arg8: memref<400xi32, #tpu.memory_space<vmem>>, %arg9: memref<400x64xf32, #tpu.memory_space<vmem>>, %arg10: memref<400x64xf32, #tpu.memory_space<vmem>>, %arg11: memref<400x64xf32, #tpu.memory_space<vmem>>, %arg12: memref<400x64xf32, #tpu.memory_space<vmem>>, %arg13: memref<!tpu.dma_semaphore, #tpu.memory_space<semaphore_mem>>, %arg14: memref<!tpu.dma_semaphore, #tpu.memory_space<semaphore_mem>>, %arg15: memref<!tpu.dma_semaphore, #tpu.memory_space<semaphore_mem>>, %arg16: memref<!tpu.dma_semaphore, #tpu.memory_space<semaphore_mem>>, %arg17: memref<!tpu.dma_semaphore, #tpu.memory_space<semaphore_mem>>, %arg18: memref<!tpu.dma_semaphore, #tpu.memory_space<semaphore_mem>>, %arg19: memref<!tpu.dma_semaphore, #tpu.memory_space<semaphore_mem>>, %arg20: memref<!tpu.dma_semaphore, #tpu.memory_space<semaphore_mem>>) attributes {dimension_semantics = [#tpu.dimension_semantics<core_parallel>, #tpu.dimension_semantics<subcore_parallel>], iteration_bounds = array<i64: 2, 16>, scalar_prefetch = 0 : i64, scratch_operands = 16 : i64, tpu.core_type = #tpu.core_type<sc_vector_subcore>, window_params = [{transform_indices = #map}, {transform_indices = #map1}, {transform_indices = #map1}]} {
    %mul3A = arith.constant 2 : i32
    %mul3A_0 = arith.muli %arg1, %mul3A : i32
    %add3A = arith.addi %mul3A_0, %arg0 : i32
    %mul3A_1 = arith.constant 25600 : i32
    %mul3A_2 = arith.muli %add3A, %mul3A_1 : i32
    %add3A_3 = arith.constant 0 : i32
    %add3A_4 = arith.addi %mul3A_2, %add3A_3 : i32
    "tpu.region"() ({
      %run_scoped3A = tpu.sem_alloc : memref<!tpu.dma_semaphore, #tpu.memory_space<semaphore_mem>>
      %dma_start3A_189 = tpu.memref_slice %arg2[%add3A_4] : memref<819200xi32, #tpu.memory_space<hbm>> -> memref<400xi32, #tpu.memory_space<hbm>>
      %dma_start3A_190 = tpu.memref_slice %arg2[%add3A_4] : memref<819200xi32, #tpu.memory_space<hbm>> -> memref<400xi32, #tpu.memory_space<hbm>>
      tpu.enqueue_dma source(%dma_start3A_190 : memref<400xi32, #tpu.memory_space<hbm>>) target(%arg5 : memref<400xi32, #tpu.memory_space<vmem>>) target_semaphore(%run_scoped3A : memref<!tpu.dma_semaphore, #tpu.memory_space<semaphore_mem>>)
      %dma_wait3A_191 = tpu.memref_slice %arg2[%add3A_4] : memref<819200xi32, #tpu.memory_space<hbm>> -> memref<400xi32, #tpu.memory_space<hbm>>
      %dma_wait3A_192 = tpu.memref_slice %arg2[%add3A_4] : memref<819200xi32, #tpu.memory_space<hbm>> -> memref<400xi32, #tpu.memory_space<hbm>>
      tpu.wait_dma2 semaphore(%run_scoped3A : memref<!tpu.dma_semaphore, #tpu.memory_space<semaphore_mem>>) src(%dma_wait3A_192 : memref<400xi32, #tpu.memory_space<hbm>>) dst(%arg5 : memref<400xi32, #tpu.memory_space<vmem>>)
      tpu.yield
    }) : () -> ()
    %dma_start3A = arith.constant 0 : i32
    %dma_start3A_5 = arith.constant 0 : i32
    %dma_start3A_6 = tpu.memref_slice %arg3[%dma_start3A, %dma_start3A_5] : memref<1000000x64xf32, #tpu.memory_space<hbm>> -> memref<1000000x64xf32, #tpu.memory_space<hbm>>
    tpu.enqueue_indirect_dma source(%dma_start3A_6 : memref<1000000x64xf32, #tpu.memory_space<hbm>>) target(%arg9 : memref<400x64xf32, #tpu.memory_space<vmem>>) offsets(%arg5 : memref<400xi32, #tpu.memory_space<vmem>>) semaphore(%arg13 : memref<!tpu.dma_semaphore, #tpu.memory_space<semaphore_mem>>)
    %add3A_7 = arith.constant 400 : i32
    %add3A_8 = arith.addi %mul3A_2, %add3A_7 : i32
    "tpu.region"() ({
      %run_scoped3A = tpu.sem_alloc : memref<!tpu.dma_semaphore, #tpu.memory_space<semaphore_mem>>
      %dma_start3A_189 = tpu.memref_slice %arg2[%add3A_8] : memref<819200xi32, #tpu.memory_space<hbm>> -> memref<400xi32, #tpu.memory_space<hbm>>
      %dma_start3A_190 = tpu.memref_slice %arg2[%add3A_8] : memref<819200xi32, #tpu.memory_space<hbm>> -> memref<400xi32, #tpu.memory_space<hbm>>
      tpu.enqueue_dma source(%dma_start3A_190 : memref<400xi32, #tpu.memory_space<hbm>>) target(%arg6 : memref<400xi32, #tpu.memory_space<vmem>>) target_semaphore(%run_scoped3A : memref<!tpu.dma_semaphore, #tpu.memory_space<semaphore_mem>>)
      %dma_wait3A_191 = tpu.memref_slice %arg2[%add3A_8] : memref<819200xi32, #tpu.memory_space<hbm>> -> memref<400xi32, #tpu.memory_space<hbm>>
      %dma_wait3A_192 = tpu.memref_slice %arg2[%add3A_8] : memref<819200xi32, #tpu.memory_space<hbm>> -> memref<400xi32, #tpu.memory_space<hbm>>
      tpu.wait_dma2 semaphore(%run_scoped3A : memref<!tpu.dma_semaphore, #tpu.memory_space<semaphore_mem>>) src(%dma_wait3A_192 : memref<400xi32, #tpu.memory_space<hbm>>) dst(%arg6 : memref<400xi32, #tpu.memory_space<vmem>>)
      tpu.yield
    }) : () -> ()
    %dma_start3A_9 = arith.constant 0 : i32
    %dma_start3A_10 = arith.constant 0 : i32
    %dma_start3A_11 = tpu.memref_slice %arg3[%dma_start3A_9, %dma_start3A_10] : memref<1000000x64xf32, #tpu.memory_space<hbm>> -> memref<1000000x64xf32, #tpu.memory_space<hbm>>
    tpu.enqueue_indirect_dma source(%dma_start3A_11 : memref<1000000x64xf32, #tpu.memory_space<hbm>>) target(%arg10 : memref<400x64xf32, #tpu.memory_space<vmem>>) offsets(%arg6 : memref<400xi32, #tpu.memory_space<vmem>>) semaphore(%arg14 : memref<!tpu.dma_semaphore, #tpu.memory_space<semaphore_mem>>)
    %add3A_12 = arith.constant 800 : i32
    %add3A_13 = arith.addi %mul3A_2, %add3A_12 : i32
    "tpu.region"() ({
      %run_scoped3A = tpu.sem_alloc : memref<!tpu.dma_semaphore, #tpu.memory_space<semaphore_mem>>
      %dma_start3A_189 = tpu.memref_slice %arg2[%add3A_13] : memref<819200xi32, #tpu.memory_space<hbm>> -> memref<400xi32, #tpu.memory_space<hbm>>
      %dma_start3A_190 = tpu.memref_slice %arg2[%add3A_13] : memref<819200xi32, #tpu.memory_space<hbm>> -> memref<400xi32, #tpu.memory_space<hbm>>
      tpu.enqueue_dma source(%dma_start3A_190 : memref<400xi32, #tpu.memory_space<hbm>>) target(%arg7 : memref<400xi32, #tpu.memory_space<vmem>>) target_semaphore(%run_scoped3A : memref<!tpu.dma_semaphore, #tpu.memory_space<semaphore_mem>>)
      %dma_wait3A_191 = tpu.memref_slice %arg2[%add3A_13] : memref<819200xi32, #tpu.memory_space<hbm>> -> memref<400xi32, #tpu.memory_space<hbm>>
      %dma_wait3A_192 = tpu.memref_slice %arg2[%add3A_13] : memref<819200xi32, #tpu.memory_space<hbm>> -> memref<400xi32, #tpu.memory_space<hbm>>
      tpu.wait_dma2 semaphore(%run_scoped3A : memref<!tpu.dma_semaphore, #tpu.memory_space<semaphore_mem>>) src(%dma_wait3A_192 : memref<400xi32, #tpu.memory_space<hbm>>) dst(%arg7 : memref<400xi32, #tpu.memory_space<vmem>>)
      tpu.yield
    }) : () -> ()
    %dma_start3A_14 = arith.constant 0 : i32
    %dma_start3A_15 = arith.constant 0 : i32
    %dma_start3A_16 = tpu.memref_slice %arg3[%dma_start3A_14, %dma_start3A_15] : memref<1000000x64xf32, #tpu.memory_space<hbm>> -> memref<1000000x64xf32, #tpu.memory_space<hbm>>
    tpu.enqueue_indirect_dma source(%dma_start3A_16 : memref<1000000x64xf32, #tpu.memory_space<hbm>>) target(%arg11 : memref<400x64xf32, #tpu.memory_space<vmem>>) offsets(%arg7 : memref<400xi32, #tpu.memory_space<vmem>>) semaphore(%arg15 : memref<!tpu.dma_semaphore, #tpu.memory_space<semaphore_mem>>)
    %dma_wait3A = arith.constant 0 : i32
    %dma_wait3A_17 = arith.constant 0 : i32
    %dma_wait3A_18 = tpu.memref_slice %arg3[%dma_wait3A, %dma_wait3A_17] : memref<1000000x64xf32, #tpu.memory_space<hbm>> -> memref<1000000x64xf32, #tpu.memory_space<hbm>>
    tpu.wait_indirect_dma semaphore(%arg13 : memref<!tpu.dma_semaphore, #tpu.memory_space<semaphore_mem>>) src(%dma_wait3A_18 : memref<1000000x64xf32, #tpu.memory_space<hbm>>) dst(%arg9 : memref<400x64xf32, #tpu.memory_space<vmem>>)
    %parallel_loop3A = arith.constant 0 : i32
    %parallel_loop3A_19 = arith.constant 400 : i32
    %parallel_loop3A_20 = arith.constant 1 : i32
    scf.for %parallel_loop3A_189 = %parallel_loop3A to %parallel_loop3A_19 step %parallel_loop3A_20  : i32 {
      %parallel_loop3A_190 = arith.index_cast %parallel_loop3A_189 : i32 to index
      %parallel_loop3A_191 = arith.constant 0 : index
      %parallel_loop3A_192 = tpu.vector_load %arg9[%parallel_loop3A_190, %parallel_loop3A_191] {strides = array<i32>} : memref<400x64xf32, #tpu.memory_space<vmem>>, vector<1x16xf32>,
      %parallel_loop3A_193 = vector.shape_cast %parallel_loop3A_192 : vector<1x16xf32> to vector<16xf32>
      %parallel_loop3A_194 = arith.constant 8.000000e+00 : f32
      %parallel_loop3A_195 = vector.broadcast %parallel_loop3A_194 : f32 to vector<16xf32>
      %parallel_loop3A_196 = arith.mulf %parallel_loop3A_193, %parallel_loop3A_195 : vector<16xf32>
      %parallel_loop3A_197 = arith.index_cast %parallel_loop3A_189 : i32 to index
      %parallel_loop3A_198 = arith.constant 0 : index
      %parallel_loop3A_199 = tpu.vector_load %arg9[%parallel_loop3A_197, %parallel_loop3A_198] {strides = array<i32>} : memref<400x64xf32, #tpu.memory_space<vmem>>, vector<1x16xf32>,
      %parallel_loop3A_200 = vector.shape_cast %parallel_loop3A_199 : vector<1x16xf32> to vector<16xf32>
      %parallel_loop3A_201 = vector.shape_cast %parallel_loop3A_196 : vector<16xf32> to vector<1x16xf32>
      tpu.vector_store %arg9[%parallel_loop3A_197, %parallel_loop3A_198], %parallel_loop3A_201 {strides = array<i32>} : memref<400x64xf32, #tpu.memory_space<vmem>>, vector<1x16xf32>,
      %parallel_loop3A_202 = arith.index_cast %parallel_loop3A_189 : i32 to index
      %parallel_loop3A_203 = arith.constant 16 : index
      %parallel_loop3A_204 = tpu.vector_load %arg9[%parallel_loop3A_202, %parallel_loop3A_203] {strides = array<i32>} : memref<400x64xf32, #tpu.memory_space<vmem>>, vector<1x16xf32>,
      %parallel_loop3A_205 = vector.shape_cast %parallel_loop3A_204 : vector<1x16xf32> to vector<16xf32>
      %parallel_loop3A_206 = arith.constant 8.000000e+00 : f32
      %parallel_loop3A_207 = vector.broadcast %parallel_loop3A_206 : f32 to vector<16xf32>
      %parallel_loop3A_208 = arith.mulf %parallel_loop3A_205, %parallel_loop3A_207 : vector<16xf32>
      %parallel_loop3A_209 = arith.index_cast %parallel_loop3A_189 : i32 to index
      %parallel_loop3A_210 = arith.constant 16 : index
      %parallel_loop3A_211 = tpu.vector_load %arg9[%parallel_loop3A_209, %parallel_loop3A_210] {strides = array<i32>} : memref<400x64xf32, #tpu.memory_space<vmem>>, vector<1x16xf32>,
      %parallel_loop3A_212 = vector.shape_cast %parallel_loop3A_211 : vector<1x16xf32> to vector<16xf32>
      %parallel_loop3A_213 = vector.shape_cast %parallel_loop3A_208 : vector<16xf32> to vector<1x16xf32>
      tpu.vector_store %arg9[%parallel_loop3A_209, %parallel_loop3A_210], %parallel_loop3A_213 {strides = array<i32>} : memref<400x64xf32, #tpu.memory_space<vmem>>, vector<1x16xf32>,
      %parallel_loop3A_214 = arith.index_cast %parallel_loop3A_189 : i32 to index
      %parallel_loop3A_215 = arith.constant 32 : index
      %parallel_loop3A_216 = tpu.vector_load %arg9[%parallel_loop3A_214, %parallel_loop3A_215] {strides = array<i32>} : memref<400x64xf32, #tpu.memory_space<vmem>>, vector<1x16xf32>,
      %parallel_loop3A_217 = vector.shape_cast %parallel_loop3A_216 : vector<1x16xf32> to vector<16xf32>
      %parallel_loop3A_218 = arith.constant 8.000000e+00 : f32
      %parallel_loop3A_219 = vector.broadcast %parallel_loop3A_218 : f32 to vector<16xf32>
      %parallel_loop3A_220 = arith.mulf %parallel_loop3A_217, %parallel_loop3A_219 : vector<16xf32>
      %parallel_loop3A_221 = arith.index_cast %parallel_loop3A_189 : i32 to index
      %parallel_loop3A_222 = arith.constant 32 : index
      %parallel_loop3A_223 = tpu.vector_load %arg9[%parallel_loop3A_221, %parallel_loop3A_222] {strides = array<i32>} : memref<400x64xf32, #tpu.memory_space<vmem>>, vector<1x16xf32>,
      %parallel_loop3A_224 = vector.shape_cast %parallel_loop3A_223 : vector<1x16xf32> to vector<16xf32>
      %parallel_loop3A_225 = vector.shape_cast %parallel_loop3A_220 : vector<16xf32> to vector<1x16xf32>
      tpu.vector_store %arg9[%parallel_loop3A_221, %parallel_loop3A_222], %parallel_loop3A_225 {strides = array<i32>} : memref<400x64xf32, #tpu.memory_space<vmem>>, vector<1x16xf32>,
      %parallel_loop3A_226 = arith.index_cast %parallel_loop3A_189 : i32 to index
      %parallel_loop3A_227 = arith.constant 48 : index
      %parallel_loop3A_228 = tpu.vector_load %arg9[%parallel_loop3A_226, %parallel_loop3A_227] {strides = array<i32>} : memref<400x64xf32, #tpu.memory_space<vmem>>, vector<1x16xf32>,
      %parallel_loop3A_229 = vector.shape_cast %parallel_loop3A_228 : vector<1x16xf32> to vector<16xf32>
      %parallel_loop3A_230 = arith.constant 8.000000e+00 : f32
      %parallel_loop3A_231 = vector.broadcast %parallel_loop3A_230 : f32 to vector<16xf32>
      %parallel_loop3A_232 = arith.mulf %parallel_loop3A_229, %parallel_loop3A_231 : vector<16xf32>
      %parallel_loop3A_233 = arith.index_cast %parallel_loop3A_189 : i32 to index
      %parallel_loop3A_234 = arith.constant 48 : index
      %parallel_loop3A_235 = tpu.vector_load %arg9[%parallel_loop3A_233, %parallel_loop3A_234] {strides = array<i32>} : memref<400x64xf32, #tpu.memory_space<vmem>>, vector<1x16xf32>,
      %parallel_loop3A_236 = vector.shape_cast %parallel_loop3A_235 : vector<1x16xf32> to vector<16xf32>
      %parallel_loop3A_237 = vector.shape_cast %parallel_loop3A_232 : vector<16xf32> to vector<1x16xf32>
      tpu.vector_store %arg9[%parallel_loop3A_233, %parallel_loop3A_234], %parallel_loop3A_237 {strides = array<i32>} : memref<400x64xf32, #tpu.memory_space<vmem>>, vector<1x16xf32>,
    } {sc.loop_unroll_factor = 8 : i64, sc.parallel_access}
    %add3A_21 = arith.constant 0 : i32
    %add3A_22 = arith.addi %mul3A_2, %add3A_21 : i32
    %dma_start3A_23 = arith.constant 0 : i32
    %dma_start3A_24 = tpu.memref_slice %arg4[%add3A_22, %dma_start3A_23] : memref<819200x64xf32, #tpu.memory_space<hbm>> -> memref<400x64xf32, #tpu.memory_space<hbm>>
    %dma_start3A_25 = arith.constant 0 : i32
    %dma_start3A_26 = tpu.memref_slice %arg4[%add3A_22, %dma_start3A_25] : memref<819200x64xf32, #tpu.memory_space<hbm>> -> memref<400x64xf32, #tpu.memory_space<hbm>>
    tpu.enqueue_dma source(%arg9 : memref<400x64xf32, #tpu.memory_space<vmem>>) target(%dma_start3A_26 : memref<400x64xf32, #tpu.memory_space<hbm>>) target_semaphore(%arg17 : memref<!tpu.dma_semaphore, #tpu.memory_space<semaphore_mem>>)
    %add3A_27 = arith.constant 1200 : i32
    %add3A_28 = arith.addi %mul3A_2, %add3A_27 : i32
    "tpu.region"() ({
      %run_scoped3A = tpu.sem_alloc : memref<!tpu.dma_semaphore, #tpu.memory_space<semaphore_mem>>
      %dma_start3A_189 = tpu.memref_slice %arg2[%add3A_28] : memref<819200xi32, #tpu.memory_space<hbm>> -> memref<400xi32, #tpu.memory_space<hbm>>
      %dma_start3A_190 = tpu.memref_slice %arg2[%add3A_28] : memref<819200xi32, #tpu.memory_space<hbm>> -> memref<400xi32, #tpu.memory_space<hbm>>
      tpu.enqueue_dma source(%dma_start3A_190 : memref<400xi32, #tpu.memory_space<hbm>>) target(%arg8 : memref<400xi32, #tpu.memory_space<vmem>>) target_semaphore(%run_scoped3A : memref<!tpu.dma_semaphore, #tpu.memory_space<semaphore_mem>>)
      %dma_wait3A_191 = tpu.memref_slice %arg2[%add3A_28] : memref<819200xi32, #tpu.memory_space<hbm>> -> memref<400xi32, #tpu.memory_space<hbm>>
      %dma_wait3A_192 = tpu.memref_slice %arg2[%add3A_28] : memref<819200xi32, #tpu.memory_space<hbm>> -> memref<400xi32, #tpu.memory_space<hbm>>
      tpu.wait_dma2 semaphore(%run_scoped3A : memref<!tpu.dma_semaphore, #tpu.memory_space<semaphore_mem>>) src(%dma_wait3A_192 : memref<400xi32, #tpu.memory_space<hbm>>) dst(%arg8 : memref<400xi32, #tpu.memory_space<vmem>>)
      tpu.yield
    }) : () -> ()
    %dma_start3A_29 = arith.constant 0 : i32
    %dma_start3A_30 = arith.constant 0 : i32
    %dma_start3A_31 = tpu.memref_slice %arg3[%dma_start3A_29, %dma_start3A_30] : memref<1000000x64xf32, #tpu.memory_space<hbm>> -> memref<1000000x64xf32, #tpu.memory_space<hbm>>
    tpu.enqueue_indirect_dma source(%dma_start3A_31 : memref<1000000x64xf32, #tpu.memory_space<hbm>>) target(%arg12 : memref<400x64xf32, #tpu.memory_space<vmem>>) offsets(%arg8 : memref<400xi32, #tpu.memory_space<vmem>>) semaphore(%arg16 : memref<!tpu.dma_semaphore, #tpu.memory_space<semaphore_mem>>)
    %dma_wait3A_32 = arith.constant 0 : i32
    %dma_wait3A_33 = arith.constant 0 : i32
    %dma_wait3A_34 = tpu.memref_slice %arg3[%dma_wait3A_32, %dma_wait3A_33] : memref<1000000x64xf32, #tpu.memory_space<hbm>> -> memref<1000000x64xf32, #tpu.memory_space<hbm>>
    tpu.wait_indirect_dma semaphore(%arg14 : memref<!tpu.dma_semaphore, #tpu.memory_space<semaphore_mem>>) src(%dma_wait3A_34 : memref<1000000x64xf32, #tpu.memory_space<hbm>>) dst(%arg10 : memref<400x64xf32, #tpu.memory_space<vmem>>)
    %parallel_loop3A_35 = arith.constant 0 : i32
    %parallel_loop3A_36 = arith.constant 400 : i32
    %parallel_loop3A_37 = arith.constant 1 : i32
    scf.for %parallel_loop3A_189 = %parallel_loop3A_35 to %parallel_loop3A_36 step %parallel_loop3A_37  : i32 {
      %parallel_loop3A_190 = arith.index_cast %parallel_loop3A_189 : i32 to index
      %parallel_loop3A_191 = arith.constant 0 : index
      %parallel_loop3A_192 = tpu.vector_load %arg10[%parallel_loop3A_190, %parallel_loop3A_191] {strides = array<i32>} : memref<400x64xf32, #tpu.memory_space<vmem>>, vector<1x16xf32>,
      %parallel_loop3A_193 = vector.shape_cast %parallel_loop3A_192 : vector<1x16xf32> to vector<16xf32>
      %parallel_loop3A_194 = arith.constant 8.000000e+00 : f32
      %parallel_loop3A_195 = vector.broadcast %parallel_loop3A_194 : f32 to vector<16xf32>
      %parallel_loop3A_196 = arith.mulf %parallel_loop3A_193, %parallel_loop3A_195 : vector<16xf32>
      %parallel_loop3A_197 = arith.index_cast %parallel_loop3A_189 : i32 to index
      %parallel_loop3A_198 = arith.constant 0 : index
      %parallel_loop3A_199 = tpu.vector_load %arg10[%parallel_loop3A_197, %parallel_loop3A_198] {strides = array<i32>} : memref<400x64xf32, #tpu.memory_space<vmem>>, vector<1x16xf32>,
      %parallel_loop3A_200 = vector.shape_cast %parallel_loop3A_199 : vector<1x16xf32> to vector<16xf32>
      %parallel_loop3A_201 = vector.shape_cast %parallel_loop3A_196 : vector<16xf32> to vector<1x16xf32>
      tpu.vector_store %arg10[%parallel_loop3A_197, %parallel_loop3A_198], %parallel_loop3A_201 {strides = array<i32>} : memref<400x64xf32, #tpu.memory_space<vmem>>, vector<1x16xf32>,
      %parallel_loop3A_202 = arith.index_cast %parallel_loop3A_189 : i32 to index
      %parallel_loop3A_203 = arith.constant 16 : index
      %parallel_loop3A_204 = tpu.vector_load %arg10[%parallel_loop3A_202, %parallel_loop3A_203] {strides = array<i32>} : memref<400x64xf32, #tpu.memory_space<vmem>>, vector<1x16xf32>,
      %parallel_loop3A_205 = vector.shape_cast %parallel_loop3A_204 : vector<1x16xf32> to vector<16xf32>
      %parallel_loop3A_206 = arith.constant 8.000000e+00 : f32
      %parallel_loop3A_207 = vector.broadcast %parallel_loop3A_206 : f32 to vector<16xf32>
      %parallel_loop3A_208 = arith.mulf %parallel_loop3A_205, %parallel_loop3A_207 : vector<16xf32>
      %parallel_loop3A_209 = arith.index_cast %parallel_loop3A_189 : i32 to index
      %parallel_loop3A_210 = arith.constant 16 : index
      %parallel_loop3A_211 = tpu.vector_load %arg10[%parallel_loop3A_209, %parallel_loop3A_210] {strides = array<i32>} : memref<400x64xf32, #tpu.memory_space<vmem>>, vector<1x16xf32>,
      %parallel_loop3A_212 = vector.shape_cast %parallel_loop3A_211 : vector<1x16xf32> to vector<16xf32>
      %parallel_loop3A_213 = vector.shape_cast %parallel_loop3A_208 : vector<16xf32> to vector<1x16xf32>
      tpu.vector_store %arg10[%parallel_loop3A_209, %parallel_loop3A_210], %parallel_loop3A_213 {strides = array<i32>} : memref<400x64xf32, #tpu.memory_space<vmem>>, vector<1x16xf32>,
      %parallel_loop3A_214 = arith.index_cast %parallel_loop3A_189 : i32 to index
      %parallel_loop3A_215 = arith.constant 32 : index
      %parallel_loop3A_216 = tpu.vector_load %arg10[%parallel_loop3A_214, %parallel_loop3A_215] {strides = array<i32>} : memref<400x64xf32, #tpu.memory_space<vmem>>, vector<1x16xf32>,
      %parallel_loop3A_217 = vector.shape_cast %parallel_loop3A_216 : vector<1x16xf32> to vector<16xf32>
      %parallel_loop3A_218 = arith.constant 8.000000e+00 : f32
      %parallel_loop3A_219 = vector.broadcast %parallel_loop3A_218 : f32 to vector<16xf32>
      %parallel_loop3A_220 = arith.mulf %parallel_loop3A_217, %parallel_loop3A_219 : vector<16xf32>
      %parallel_loop3A_221 = arith.index_cast %parallel_loop3A_189 : i32 to index
      %parallel_loop3A_222 = arith.constant 32 : index
      %parallel_loop3A_223 = tpu.vector_load %arg10[%parallel_loop3A_221, %parallel_loop3A_222] {strides = array<i32>} : memref<400x64xf32, #tpu.memory_space<vmem>>, vector<1x16xf32>,
      %parallel_loop3A_224 = vector.shape_cast %parallel_loop3A_223 : vector<1x16xf32> to vector<16xf32>
      %parallel_loop3A_225 = vector.shape_cast %parallel_loop3A_220 : vector<16xf32> to vector<1x16xf32>
      tpu.vector_store %arg10[%parallel_loop3A_221, %parallel_loop3A_222], %parallel_loop3A_225 {strides = array<i32>} : memref<400x64xf32, #tpu.memory_space<vmem>>, vector<1x16xf32>,
      %parallel_loop3A_226 = arith.index_cast %parallel_loop3A_189 : i32 to index
      %parallel_loop3A_227 = arith.constant 48 : index
      %parallel_loop3A_228 = tpu.vector_load %arg10[%parallel_loop3A_226, %parallel_loop3A_227] {strides = array<i32>} : memref<400x64xf32, #tpu.memory_space<vmem>>, vector<1x16xf32>,
      %parallel_loop3A_229 = vector.shape_cast %parallel_loop3A_228 : vector<1x16xf32> to vector<16xf32>
      %parallel_loop3A_230 = arith.constant 8.000000e+00 : f32
      %parallel_loop3A_231 = vector.broadcast %parallel_loop3A_230 : f32 to vector<16xf32>
      %parallel_loop3A_232 = arith.mulf %parallel_loop3A_229, %parallel_loop3A_231 : vector<16xf32>
      %parallel_loop3A_233 = arith.index_cast %parallel_loop3A_189 : i32 to index
      %parallel_loop3A_234 = arith.constant 48 : index
      %parallel_loop3A_235 = tpu.vector_load %arg10[%parallel_loop3A_233, %parallel_loop3A_234] {strides = array<i32>} : memref<400x64xf32, #tpu.memory_space<vmem>>, vector<1x16xf32>,
      %parallel_loop3A_236 = vector.shape_cast %parallel_loop3A_235 : vector<1x16xf32> to vector<16xf32>
      %parallel_loop3A_237 = vector.shape_cast %parallel_loop3A_232 : vector<16xf32> to vector<1x16xf32>
      tpu.vector_store %arg10[%parallel_loop3A_233, %parallel_loop3A_234], %parallel_loop3A_237 {strides = array<i32>} : memref<400x64xf32, #tpu.memory_space<vmem>>, vector<1x16xf32>,
    } {sc.loop_unroll_factor = 8 : i64, sc.parallel_access}
    %add3A_38 = arith.constant 400 : i32
    %add3A_39 = arith.addi %mul3A_2, %add3A_38 : i32
    %dma_start3A_40 = arith.constant 0 : i32
    %dma_start3A_41 = tpu.memref_slice %arg4[%add3A_39, %dma_start3A_40] : memref<819200x64xf32, #tpu.memory_space<hbm>> -> memref<400x64xf32, #tpu.memory_space<hbm>>
    %dma_start3A_42 = arith.constant 0 : i32
    %dma_start3A_43 = tpu.memref_slice %arg4[%add3A_39, %dma_start3A_42] : memref<819200x64xf32, #tpu.memory_space<hbm>> -> memref<400x64xf32, #tpu.memory_space<hbm>>
    tpu.enqueue_dma source(%arg10 : memref<400x64xf32, #tpu.memory_space<vmem>>) target(%dma_start3A_43 : memref<400x64xf32, #tpu.memory_space<hbm>>) target_semaphore(%arg18 : memref<!tpu.dma_semaphore, #tpu.memory_space<semaphore_mem>>)
    %add3A_44 = arith.constant 0 : i32
    %add3A_45 = arith.addi %mul3A_2, %add3A_44 : i32
    %dma_wait3A_46 = arith.constant 0 : i32
    %dma_wait3A_47 = tpu.memref_slice %arg4[%add3A_45, %dma_wait3A_46] : memref<819200x64xf32, #tpu.memory_space<hbm>> -> memref<400x64xf32, #tpu.memory_space<hbm>>
    %dma_wait3A_48 = arith.constant 0 : i32
    %dma_wait3A_49 = tpu.memref_slice %arg4[%add3A_45, %dma_wait3A_48] : memref<819200x64xf32, #tpu.memory_space<hbm>> -> memref<400x64xf32, #tpu.memory_space<hbm>>
    tpu.wait_dma2 semaphore(%arg17 : memref<!tpu.dma_semaphore, #tpu.memory_space<semaphore_mem>>) src(%arg9 : memref<400x64xf32, #tpu.memory_space<vmem>>) dst(%dma_wait3A_49 : memref<400x64xf32, #tpu.memory_space<hbm>>)
    %add3A_50 = arith.constant 1600 : i32
    %add3A_51 = arith.addi %mul3A_2, %add3A_50 : i32
    "tpu.region"() ({
      %run_scoped3A = tpu.sem_alloc : memref<!tpu.dma_semaphore, #tpu.memory_space<semaphore_mem>>
      %dma_start3A_189 = tpu.memref_slice %arg2[%add3A_51] : memref<819200xi32, #tpu.memory_space<hbm>> -> memref<400xi32, #tpu.memory_space<hbm>>
      %dma_start3A_190 = tpu.memref_slice %arg2[%add3A_51] : memref<819200xi32, #tpu.memory_space<hbm>> -> memref<400xi32, #tpu.memory_space<hbm>>
      tpu.enqueue_dma source(%dma_start3A_190 : memref<400xi32, #tpu.memory_space<hbm>>) target(%arg5 : memref<400xi32, #tpu.memory_space<vmem>>) target_semaphore(%run_scoped3A : memref<!tpu.dma_semaphore, #tpu.memory_space<semaphore_mem>>)
      %dma_wait3A_191 = tpu.memref_slice %arg2[%add3A_51] : memref<819200xi32, #tpu.memory_space<hbm>> -> memref<400xi32, #tpu.memory_space<hbm>>
      %dma_wait3A_192 = tpu.memref_slice %arg2[%add3A_51] : memref<819200xi32, #tpu.memory_space<hbm>> -> memref<400xi32, #tpu.memory_space<hbm>>
      tpu.wait_dma2 semaphore(%run_scoped3A : memref<!tpu.dma_semaphore, #tpu.memory_space<semaphore_mem>>) src(%dma_wait3A_192 : memref<400xi32, #tpu.memory_space<hbm>>) dst(%arg5 : memref<400xi32, #tpu.memory_space<vmem>>)
      tpu.yield
    }) : () -> ()
    %dma_start3A_52 = arith.constant 0 : i32
    %dma_start3A_53 = arith.constant 0 : i32
    %dma_start3A_54 = tpu.memref_slice %arg3[%dma_start3A_52, %dma_start3A_53] : memref<1000000x64xf32, #tpu.memory_space<hbm>> -> memref<1000000x64xf32, #tpu.memory_space<hbm>>
    tpu.enqueue_indirect_dma source(%dma_start3A_54 : memref<1000000x64xf32, #tpu.memory_space<hbm>>) target(%arg9 : memref<400x64xf32, #tpu.memory_space<vmem>>) offsets(%arg5 : memref<400xi32, #tpu.memory_space<vmem>>) semaphore(%arg13 : memref<!tpu.dma_semaphore, #tpu.memory_space<semaphore_mem>>)
    %dma_wait3A_55 = arith.constant 0 : i32
    %dma_wait3A_56 = arith.constant 0 : i32
    %dma_wait3A_57 = tpu.memref_slice %arg3[%dma_wait3A_55, %dma_wait3A_56] : memref<1000000x64xf32, #tpu.memory_space<hbm>> -> memref<1000000x64xf32, #tpu.memory_space<hbm>>
    tpu.wait_indirect_dma semaphore(%arg15 : memref<!tpu.dma_semaphore, #tpu.memory_space<semaphore_mem>>) src(%dma_wait3A_57 : memref<1000000x64xf32, #tpu.memory_space<hbm>>) dst(%arg11 : memref<400x64xf32, #tpu.memory_space<vmem>>)
    %parallel_loop3A_58 = arith.constant 0 : i32
    %parallel_loop3A_59 = arith.constant 400 : i32
    %parallel_loop3A_60 = arith.constant 1 : i32
    scf.for %parallel_loop3A_189 = %parallel_loop3A_58 to %parallel_loop3A_59 step %parallel_loop3A_60  : i32 {
      %parallel_loop3A_190 = arith.index_cast %parallel_loop3A_189 : i32 to index
      %parallel_loop3A_191 = arith.constant 0 : index
      %parallel_loop3A_192 = tpu.vector_load %arg11[%parallel_loop3A_190, %parallel_loop3A_191] {strides = array<i32>} : memref<400x64xf32, #tpu.memory_space<vmem>>, vector<1x16xf32>,
      %parallel_loop3A_193 = vector.shape_cast %parallel_loop3A_192 : vector<1x16xf32> to vector<16xf32>
      %parallel_loop3A_194 = arith.constant 8.000000e+00 : f32
      %parallel_loop3A_195 = vector.broadcast %parallel_loop3A_194 : f32 to vector<16xf32>
      %parallel_loop3A_196 = arith.mulf %parallel_loop3A_193, %parallel_loop3A_195 : vector<16xf32>
      %parallel_loop3A_197 = arith.index_cast %parallel_loop3A_189 : i32 to index
      %parallel_loop3A_198 = arith.constant 0 : index
      %parallel_loop3A_199 = tpu.vector_load %arg11[%parallel_loop3A_197, %parallel_loop3A_198] {strides = array<i32>} : memref<400x64xf32, #tpu.memory_space<vmem>>, vector<1x16xf32>,
      %parallel_loop3A_200 = vector.shape_cast %parallel_loop3A_199 : vector<1x16xf32> to vector<16xf32>
      %parallel_loop3A_201 = vector.shape_cast %parallel_loop3A_196 : vector<16xf32> to vector<1x16xf32>
      tpu.vector_store %arg11[%parallel_loop3A_197, %parallel_loop3A_198], %parallel_loop3A_201 {strides = array<i32>} : memref<400x64xf32, #tpu.memory_space<vmem>>, vector<1x16xf32>,
      %parallel_loop3A_202 = arith.index_cast %parallel_loop3A_189 : i32 to index
      %parallel_loop3A_203 = arith.constant 16 : index
      %parallel_loop3A_204 = tpu.vector_load %arg11[%parallel_loop3A_202, %parallel_loop3A_203] {strides = array<i32>} : memref<400x64xf32, #tpu.memory_space<vmem>>, vector<1x16xf32>,
      %parallel_loop3A_205 = vector.shape_cast %parallel_loop3A_204 : vector<1x16xf32> to vector<16xf32>
      %parallel_loop3A_206 = arith.constant 8.000000e+00 : f32
      %parallel_loop3A_207 = vector.broadcast %parallel_loop3A_206 : f32 to vector<16xf32>
      %parallel_loop3A_208 = arith.mulf %parallel_loop3A_205, %parallel_loop3A_207 : vector<16xf32>
      %parallel_loop3A_209 = arith.index_cast %parallel_loop3A_189 : i32 to index
      %parallel_loop3A_210 = arith.constant 16 : index
      %parallel_loop3A_211 = tpu.vector_load %arg11[%parallel_loop3A_209, %parallel_loop3A_210] {strides = array<i32>} : memref<400x64xf32, #tpu.memory_space<vmem>>, vector<1x16xf32>,
      %parallel_loop3A_212 = vector.shape_cast %parallel_loop3A_211 : vector<1x16xf32> to vector<16xf32>
      %parallel_loop3A_213 = vector.shape_cast %parallel_loop3A_208 : vector<16xf32> to vector<1x16xf32>
      tpu.vector_store %arg11[%parallel_loop3A_209, %parallel_loop3A_210], %parallel_loop3A_213 {strides = array<i32>} : memref<400x64xf32, #tpu.memory_space<vmem>>, vector<1x16xf32>,
      %parallel_loop3A_214 = arith.index_cast %parallel_loop3A_189 : i32 to index
      %parallel_loop3A_215 = arith.constant 32 : index
      %parallel_loop3A_216 = tpu.vector_load %arg11[%parallel_loop3A_214, %parallel_loop3A_215] {strides = array<i32>} : memref<400x64xf32, #tpu.memory_space<vmem>>, vector<1x16xf32>,
      %parallel_loop3A_217 = vector.shape_cast %parallel_loop3A_216 : vector<1x16xf32> to vector<16xf32>
      %parallel_loop3A_218 = arith.constant 8.000000e+00 : f32
      %parallel_loop3A_219 = vector.broadcast %parallel_loop3A_218 : f32 to vector<16xf32>
      %parallel_loop3A_220 = arith.mulf %parallel_loop3A_217, %parallel_loop3A_219 : vector<16xf32>
      %parallel_loop3A_221 = arith.index_cast %parallel_loop3A_189 : i32 to index
      %parallel_loop3A_222 = arith.constant 32 : index
      %parallel_loop3A_223 = tpu.vector_load %arg11[%parallel_loop3A_221, %parallel_loop3A_222] {strides = array<i32>} : memref<400x64xf32, #tpu.memory_space<vmem>>, vector<1x16xf32>,
      %parallel_loop3A_224 = vector.shape_cast %parallel_loop3A_223 : vector<1x16xf32> to vector<16xf32>
      %parallel_loop3A_225 = vector.shape_cast %parallel_loop3A_220 : vector<16xf32> to vector<1x16xf32>
      tpu.vector_store %arg11[%parallel_loop3A_221, %parallel_loop3A_222], %parallel_loop3A_225 {strides = array<i32>} : memref<400x64xf32, #tpu.memory_space<vmem>>, vector<1x16xf32>,
      %parallel_loop3A_226 = arith.index_cast %parallel_loop3A_189 : i32 to index
      %parallel_loop3A_227 = arith.constant 48 : index
      %parallel_loop3A_228 = tpu.vector_load %arg11[%parallel_loop3A_226, %parallel_loop3A_227] {strides = array<i32>} : memref<400x64xf32, #tpu.memory_space<vmem>>, vector<1x16xf32>,
      %parallel_loop3A_229 = vector.shape_cast %parallel_loop3A_228 : vector<1x16xf32> to vector<16xf32>
      %parallel_loop3A_230 = arith.constant 8.000000e+00 : f32
      %parallel_loop3A_231 = vector.broadcast %parallel_loop3A_230 : f32 to vector<16xf32>
      %parallel_loop3A_232 = arith.mulf %parallel_loop3A_229, %parallel_loop3A_231 : vector<16xf32>
      %parallel_loop3A_233 = arith.index_cast %parallel_loop3A_189 : i32 to index
      %parallel_loop3A_234 = arith.constant 48 : index
      %parallel_loop3A_235 = tpu.vector_load %arg11[%parallel_loop3A_233, %parallel_loop3A_234] {strides = array<i32>} : memref<400x64xf32, #tpu.memory_space<vmem>>, vector<1x16xf32>,
      %parallel_loop3A_236 = vector.shape_cast %parallel_loop3A_235 : vector<1x16xf32> to vector<16xf32>
      %parallel_loop3A_237 = vector.shape_cast %parallel_loop3A_232 : vector<16xf32> to vector<1x16xf32>
      tpu.vector_store %arg11[%parallel_loop3A_233, %parallel_loop3A_234], %parallel_loop3A_237 {strides = array<i32>} : memref<400x64xf32, #tpu.memory_space<vmem>>, vector<1x16xf32>,
    } {sc.loop_unroll_factor = 8 : i64, sc.parallel_access}
    %add3A_61 = arith.constant 800 : i32
    %add3A_62 = arith.addi %mul3A_2, %add3A_61 : i32
    %dma_start3A_63 = arith.constant 0 : i32
    %dma_start3A_64 = tpu.memref_slice %arg4[%add3A_62, %dma_start3A_63] : memref<819200x64xf32, #tpu.memory_space<hbm>> -> memref<400x64xf32, #tpu.memory_space<hbm>>
    %dma_start3A_65 = arith.constant 0 : i32
    %dma_start3A_66 = tpu.memref_slice %arg4[%add3A_62, %dma_start3A_65] : memref<819200x64xf32, #tpu.memory_space<hbm>> -> memref<400x64xf32, #tpu.memory_space<hbm>>
    tpu.enqueue_dma source(%arg11 : memref<400x64xf32, #tpu.memory_space<vmem>>) target(%dma_start3A_66 : memref<400x64xf32, #tpu.memory_space<hbm>>) target_semaphore(%arg19 : memref<!tpu.dma_semaphore, #tpu.memory_space<semaphore_mem>>)
    %add3A_67 = arith.constant 0 : i32
    %add3A_68 = arith.addi %mul3A_2, %add3A_67 : i32
    %dma_wait3A_69 = arith.constant 0 : i32
    %dma_wait3A_70 = tpu.memref_slice %arg4[%add3A_68, %dma_wait3A_69] : memref<819200x64xf32, #tpu.memory_space<hbm>> -> memref<400x64xf32, #tpu.memory_space<hbm>>
    %dma_wait3A_71 = arith.constant 0 : i32
    %dma_wait3A_72 = tpu.memref_slice %arg4[%add3A_68, %dma_wait3A_71] : memref<819200x64xf32, #tpu.memory_space<hbm>> -> memref<400x64xf32, #tpu.memory_space<hbm>>
    tpu.wait_dma2 semaphore(%arg18 : memref<!tpu.dma_semaphore, #tpu.memory_space<semaphore_mem>>) src(%arg10 : memref<400x64xf32, #tpu.memory_space<vmem>>) dst(%dma_wait3A_72 : memref<400x64xf32, #tpu.memory_space<hbm>>)
    %add3A_73 = arith.constant 2000 : i32
    %add3A_74 = arith.addi %mul3A_2, %add3A_73 : i32
    "tpu.region"() ({
      %run_scoped3A = tpu.sem_alloc : memref<!tpu.dma_semaphore, #tpu.memory_space<semaphore_mem>>
      %dma_start3A_189 = tpu.memref_slice %arg2[%add3A_74] : memref<819200xi32, #tpu.memory_space<hbm>> -> memref<400xi32, #tpu.memory_space<hbm>>
      %dma_start3A_190 = tpu.memref_slice %arg2[%add3A_74] : memref<819200xi32, #tpu.memory_space<hbm>> -> memref<400xi32, #tpu.memory_space<hbm>>
      tpu.enqueue_dma source(%dma_start3A_190 : memref<400xi32, #tpu.memory_space<hbm>>) target(%arg6 : memref<400xi32, #tpu.memory_space<vmem>>) target_semaphore(%run_scoped3A : memref<!tpu.dma_semaphore, #tpu.memory_space<semaphore_mem>>)
      %dma_wait3A_191 = tpu.memref_slice %arg2[%add3A_74] : memref<819200xi32, #tpu.memory_space<hbm>> -> memref<400xi32, #tpu.memory_space<hbm>>
      %dma_wait3A_192 = tpu.memref_slice %arg2[%add3A_74] : memref<819200xi32, #tpu.memory_space<hbm>> -> memref<400xi32, #tpu.memory_space<hbm>>
      tpu.wait_dma2 semaphore(%run_scoped3A : memref<!tpu.dma_semaphore, #tpu.memory_space<semaphore_mem>>) src(%dma_wait3A_192 : memref<400xi32, #tpu.memory_space<hbm>>) dst(%arg6 : memref<400xi32, #tpu.memory_space<vmem>>)
      tpu.yield
    }) : () -> ()
    %dma_start3A_75 = arith.constant 0 : i32
    %dma_start3A_76 = arith.constant 0 : i32
    %dma_start3A_77 = tpu.memref_slice %arg3[%dma_start3A_75, %dma_start3A_76] : memref<1000000x64xf32, #tpu.memory_space<hbm>> -> memref<1000000x64xf32, #tpu.memory_space<hbm>>
    tpu.enqueue_indirect_dma source(%dma_start3A_77 : memref<1000000x64xf32, #tpu.memory_space<hbm>>) target(%arg10 : memref<400x64xf32, #tpu.memory_space<vmem>>) offsets(%arg6 : memref<400xi32, #tpu.memory_space<vmem>>) semaphore(%arg14 : memref<!tpu.dma_semaphore, #tpu.memory_space<semaphore_mem>>)
    %dma_wait3A_78 = arith.constant 0 : i32
    %dma_wait3A_79 = arith.constant 0 : i32
    %dma_wait3A_80 = tpu.memref_slice %arg3[%dma_wait3A_78, %dma_wait3A_79] : memref<1000000x64xf32, #tpu.memory_space<hbm>> -> memref<1000000x64xf32, #tpu.memory_space<hbm>>
    tpu.wait_indirect_dma semaphore(%arg16 : memref<!tpu.dma_semaphore, #tpu.memory_space<semaphore_mem>>) src(%dma_wait3A_80 : memref<1000000x64xf32, #tpu.memory_space<hbm>>) dst(%arg12 : memref<400x64xf32, #tpu.memory_space<vmem>>)
    %parallel_loop3A_81 = arith.constant 0 : i32
    %parallel_loop3A_82 = arith.constant 400 : i32
    %parallel_loop3A_83 = arith.constant 1 : i32
    scf.for %parallel_loop3A_189 = %parallel_loop3A_81 to %parallel_loop3A_82 step %parallel_loop3A_83  : i32 {
      %parallel_loop3A_190 = arith.index_cast %parallel_loop3A_189 : i32 to index
      %parallel_loop3A_191 = arith.constant 0 : index
      %parallel_loop3A_192 = tpu.vector_load %arg12[%parallel_loop3A_190, %parallel_loop3A_191] {strides = array<i32>} : memref<400x64xf32, #tpu.memory_space<vmem>>, vector<1x16xf32>,
      %parallel_loop3A_193 = vector.shape_cast %parallel_loop3A_192 : vector<1x16xf32> to vector<16xf32>
      %parallel_loop3A_194 = arith.constant 8.000000e+00 : f32
      %parallel_loop3A_195 = vector.broadcast %parallel_loop3A_194 : f32 to vector<16xf32>
      %parallel_loop3A_196 = arith.mulf %parallel_loop3A_193, %parallel_loop3A_195 : vector<16xf32>
      %parallel_loop3A_197 = arith.index_cast %parallel_loop3A_189 : i32 to index
      %parallel_loop3A_198 = arith.constant 0 : index
      %parallel_loop3A_199 = tpu.vector_load %arg12[%parallel_loop3A_197, %parallel_loop3A_198] {strides = array<i32>} : memref<400x64xf32, #tpu.memory_space<vmem>>, vector<1x16xf32>,
      %parallel_loop3A_200 = vector.shape_cast %parallel_loop3A_199 : vector<1x16xf32> to vector<16xf32>
      %parallel_loop3A_201 = vector.shape_cast %parallel_loop3A_196 : vector<16xf32> to vector<1x16xf32>
      tpu.vector_store %arg12[%parallel_loop3A_197, %parallel_loop3A_198], %parallel_loop3A_201 {strides = array<i32>} : memref<400x64xf32, #tpu.memory_space<vmem>>, vector<1x16xf32>,
      %parallel_loop3A_202 = arith.index_cast %parallel_loop3A_189 : i32 to index
      %parallel_loop3A_203 = arith.constant 16 : index
      %parallel_loop3A_204 = tpu.vector_load %arg12[%parallel_loop3A_202, %parallel_loop3A_203] {strides = array<i32>} : memref<400x64xf32, #tpu.memory_space<vmem>>, vector<1x16xf32>,
      %parallel_loop3A_205 = vector.shape_cast %parallel_loop3A_204 : vector<1x16xf32> to vector<16xf32>
      %parallel_loop3A_206 = arith.constant 8.000000e+00 : f32
      %parallel_loop3A_207 = vector.broadcast %parallel_loop3A_206 : f32 to vector<16xf32>
      %parallel_loop3A_208 = arith.mulf %parallel_loop3A_205, %parallel_loop3A_207 : vector<16xf32>
      %parallel_loop3A_209 = arith.index_cast %parallel_loop3A_189 : i32 to index
      %parallel_loop3A_210 = arith.constant 16 : index
      %parallel_loop3A_211 = tpu.vector_load %arg12[%parallel_loop3A_209, %parallel_loop3A_210] {strides = array<i32>} : memref<400x64xf32, #tpu.memory_space<vmem>>, vector<1x16xf32>,
      %parallel_loop3A_212 = vector.shape_cast %parallel_loop3A_211 : vector<1x16xf32> to vector<16xf32>
      %parallel_loop3A_213 = vector.shape_cast %parallel_loop3A_208 : vector<16xf32> to vector<1x16xf32>
      tpu.vector_store %arg12[%parallel_loop3A_209, %parallel_loop3A_210], %parallel_loop3A_213 {strides = array<i32>} : memref<400x64xf32, #tpu.memory_space<vmem>>, vector<1x16xf32>,
      %parallel_loop3A_214 = arith.index_cast %parallel_loop3A_189 : i32 to index
      %parallel_loop3A_215 = arith.constant 32 : index
      %parallel_loop3A_216 = tpu.vector_load %arg12[%parallel_loop3A_214, %parallel_loop3A_215] {strides = array<i32>} : memref<400x64xf32, #tpu.memory_space<vmem>>, vector<1x16xf32>,
      %parallel_loop3A_217 = vector.shape_cast %parallel_loop3A_216 : vector<1x16xf32> to vector<16xf32>
      %parallel_loop3A_218 = arith.constant 8.000000e+00 : f32
      %parallel_loop3A_219 = vector.broadcast %parallel_loop3A_218 : f32 to vector<16xf32>
      %parallel_loop3A_220 = arith.mulf %parallel_loop3A_217, %parallel_loop3A_219 : vector<16xf32>
      %parallel_loop3A_221 = arith.index_cast %parallel_loop3A_189 : i32 to index
      %parallel_loop3A_222 = arith.constant 32 : index
      %parallel_loop3A_223 = tpu.vector_load %arg12[%parallel_loop3A_221, %parallel_loop3A_222] {strides = array<i32>} : memref<400x64xf32, #tpu.memory_space<vmem>>, vector<1x16xf32>,
      %parallel_loop3A_224 = vector.shape_cast %parallel_loop3A_223 : vector<1x16xf32> to vector<16xf32>
      %parallel_loop3A_225 = vector.shape_cast %parallel_loop3A_220 : vector<16xf32> to vector<1x16xf32>
      tpu.vector_store %arg12[%parallel_loop3A_221, %parallel_loop3A_222], %parallel_loop3A_225 {strides = array<i32>} : memref<400x64xf32, #tpu.memory_space<vmem>>, vector<1x16xf32>,
      %parallel_loop3A_226 = arith.index_cast %parallel_loop3A_189 : i32 to index
      %parallel_loop3A_227 = arith.constant 48 : index
      %parallel_loop3A_228 = tpu.vector_load %arg12[%parallel_loop3A_226, %parallel_loop3A_227] {strides = array<i32>} : memref<400x64xf32, #tpu.memory_space<vmem>>, vector<1x16xf32>,
      %parallel_loop3A_229 = vector.shape_cast %parallel_loop3A_228 : vector<1x16xf32> to vector<16xf32>
      %parallel_loop3A_230 = arith.constant 8.000000e+00 : f32
      %parallel_loop3A_231 = vector.broadcast %parallel_loop3A_230 : f32 to vector<16xf32>
      %parallel_loop3A_232 = arith.mulf %parallel_loop3A_229, %parallel_loop3A_231 : vector<16xf32>
      %parallel_loop3A_233 = arith.index_cast %parallel_loop3A_189 : i32 to index
      %parallel_loop3A_234 = arith.constant 48 : index
      %parallel_loop3A_235 = tpu.vector_load %arg12[%parallel_loop3A_233, %parallel_loop3A_234] {strides = array<i32>} : memref<400x64xf32, #tpu.memory_space<vmem>>, vector<1x16xf32>,
      %parallel_loop3A_236 = vector.shape_cast %parallel_loop3A_235 : vector<1x16xf32> to vector<16xf32>
      %parallel_loop3A_237 = vector.shape_cast %parallel_loop3A_232 : vector<16xf32> to vector<1x16xf32>
      tpu.vector_store %arg12[%parallel_loop3A_233, %parallel_loop3A_234], %parallel_loop3A_237 {strides = array<i32>} : memref<400x64xf32, #tpu.memory_space<vmem>>, vector<1x16xf32>,
    } {sc.loop_unroll_factor = 8 : i64, sc.parallel_access}
    %add3A_84 = arith.constant 1200 : i32
    %add3A_85 = arith.addi %mul3A_2, %add3A_84 : i32
    %dma_start3A_86 = arith.constant 0 : i32
    %dma_start3A_87 = tpu.memref_slice %arg4[%add3A_85, %dma_start3A_86] : memref<819200x64xf32, #tpu.memory_space<hbm>> -> memref<400x64xf32, #tpu.memory_space<hbm>>
    %dma_start3A_88 = arith.constant 0 : i32
    %dma_start3A_89 = tpu.memref_slice %arg4[%add3A_85, %dma_start3A_88] : memref<819200x64xf32, #tpu.memory_space<hbm>> -> memref<400x64xf32, #tpu.memory_space<hbm>>
    tpu.enqueue_dma source(%arg12 : memref<400x64xf32, #tpu.memory_space<vmem>>) target(%dma_start3A_89 : memref<400x64xf32, #tpu.memory_space<hbm>>) target_semaphore(%arg20 : memref<!tpu.dma_semaphore, #tpu.memory_space<semaphore_mem>>)
    %scan3A = arith.constant 0 : i32
    %scan3A_90 = arith.constant 1 : i32
    %scan3A_91 = arith.constant 14 : i32
    %scan3A_92 = arith.addi %scan3A_90, %scan3A_91 : i32
    %scan3A_93 = arith.constant 1 : i32
    scf.for %scan3A_189 = %scan3A_90 to %scan3A_92 step %scan3A_93  : i32 {
      %mul3A_190 = arith.constant 4 : i32
      %mul3A_191 = arith.muli %scan3A_189, %mul3A_190 : i32
      %add3A_192 = arith.constant 0 : i32
      %add3A_193 = arith.addi %mul3A_191, %add3A_192 : i32
      %add3A_194 = arith.constant 0 : i32
      %add3A_195 = arith.addi %mul3A_2, %add3A_194 : i32
      %dma_wait3A_196 = arith.constant 0 : i32
      %dma_wait3A_197 = tpu.memref_slice %arg4[%add3A_195, %dma_wait3A_196] : memref<819200x64xf32, #tpu.memory_space<hbm>> -> memref<400x64xf32, #tpu.memory_space<hbm>>
      %dma_wait3A_198 = arith.constant 0 : i32
      %dma_wait3A_199 = tpu.memref_slice %arg4[%add3A_195, %dma_wait3A_198] : memref<819200x64xf32, #tpu.memory_space<hbm>> -> memref<400x64xf32, #tpu.memory_space<hbm>>
      tpu.wait_dma2 semaphore(%arg19 : memref<!tpu.dma_semaphore, #tpu.memory_space<semaphore_mem>>) src(%arg11 : memref<400x64xf32, #tpu.memory_space<vmem>>) dst(%dma_wait3A_199 : memref<400x64xf32, #tpu.memory_space<hbm>>)
      %add3A_200 = arith.constant 2 : i32
      %add3A_201 = arith.addi %add3A_193, %add3A_200 : i32
      %mul3A_202 = arith.constant 400 : i32
      %mul3A_203 = arith.muli %add3A_201, %mul3A_202 : i32
      %add3A_204 = arith.addi %mul3A_2, %mul3A_203 : i32
      "tpu.region"() ({
        %run_scoped3A = tpu.sem_alloc : memref<!tpu.dma_semaphore, #tpu.memory_space<semaphore_mem>>
        %dma_start3A_316 = tpu.memref_slice %arg2[%add3A_204] : memref<819200xi32, #tpu.memory_space<hbm>> -> memref<400xi32, #tpu.memory_space<hbm>>
        %dma_start3A_317 = tpu.memref_slice %arg2[%add3A_204] : memref<819200xi32, #tpu.memory_space<hbm>> -> memref<400xi32, #tpu.memory_space<hbm>>
        tpu.enqueue_dma source(%dma_start3A_317 : memref<400xi32, #tpu.memory_space<hbm>>) target(%arg7 : memref<400xi32, #tpu.memory_space<vmem>>) target_semaphore(%run_scoped3A : memref<!tpu.dma_semaphore, #tpu.memory_space<semaphore_mem>>)
        %dma_wait3A_318 = tpu.memref_slice %arg2[%add3A_204] : memref<819200xi32, #tpu.memory_space<hbm>> -> memref<400xi32, #tpu.memory_space<hbm>>
        %dma_wait3A_319 = tpu.memref_slice %arg2[%add3A_204] : memref<819200xi32, #tpu.memory_space<hbm>> -> memref<400xi32, #tpu.memory_space<hbm>>
        tpu.wait_dma2 semaphore(%run_scoped3A : memref<!tpu.dma_semaphore, #tpu.memory_space<semaphore_mem>>) src(%dma_wait3A_319 : memref<400xi32, #tpu.memory_space<hbm>>) dst(%arg7 : memref<400xi32, #tpu.memory_space<vmem>>)
        tpu.yield
      }) : () -> ()
      %add3A_205 = arith.constant 2 : i32
      %add3A_206 = arith.addi %add3A_193, %add3A_205 : i32
      %dma_start3A_207 = arith.constant 0 : i32
      %dma_start3A_208 = arith.constant 0 : i32
      %dma_start3A_209 = tpu.memref_slice %arg3[%dma_start3A_207, %dma_start3A_208] : memref<1000000x64xf32, #tpu.memory_space<hbm>> -> memref<1000000x64xf32, #tpu.memory_space<hbm>>
      tpu.enqueue_indirect_dma source(%dma_start3A_209 : memref<1000000x64xf32, #tpu.memory_space<hbm>>) target(%arg11 : memref<400x64xf32, #tpu.memory_space<vmem>>) offsets(%arg7 : memref<400xi32, #tpu.memory_space<vmem>>) semaphore(%arg15 : memref<!tpu.dma_semaphore, #tpu.memory_space<semaphore_mem>>)
      %dma_wait3A_210 = arith.constant 0 : i32
      %dma_wait3A_211 = arith.constant 0 : i32
      %dma_wait3A_212 = tpu.memref_slice %arg3[%dma_wait3A_210, %dma_wait3A_211] : memref<1000000x64xf32, #tpu.memory_space<hbm>> -> memref<1000000x64xf32, #tpu.memory_space<hbm>>
      tpu.wait_indirect_dma semaphore(%arg13 : memref<!tpu.dma_semaphore, #tpu.memory_space<semaphore_mem>>) src(%dma_wait3A_212 : memref<1000000x64xf32, #tpu.memory_space<hbm>>) dst(%arg9 : memref<400x64xf32, #tpu.memory_space<vmem>>)
      %parallel_loop3A_213 = arith.constant 0 : i32
      %parallel_loop3A_214 = arith.constant 400 : i32
      %parallel_loop3A_215 = arith.constant 1 : i32
      scf.for %parallel_loop3A_316 = %parallel_loop3A_213 to %parallel_loop3A_214 step %parallel_loop3A_215  : i32 {
        %parallel_loop3A_317 = arith.index_cast %parallel_loop3A_316 : i32 to index
        %parallel_loop3A_318 = arith.constant 0 : index
        %parallel_loop3A_319 = tpu.vector_load %arg9[%parallel_loop3A_317, %parallel_loop3A_318] {strides = array<i32>} : memref<400x64xf32, #tpu.memory_space<vmem>>, vector<1x16xf32>,
        %parallel_loop3A_320 = vector.shape_cast %parallel_loop3A_319 : vector<1x16xf32> to vector<16xf32>
        %parallel_loop3A_321 = arith.constant 8.000000e+00 : f32
        %parallel_loop3A_322 = vector.broadcast %parallel_loop3A_321 : f32 to vector<16xf32>
        %parallel_loop3A_323 = arith.mulf %parallel_loop3A_320, %parallel_loop3A_322 : vector<16xf32>
        %parallel_loop3A_324 = arith.index_cast %parallel_loop3A_316 : i32 to index
        %parallel_loop3A_325 = arith.constant 0 : index
        %parallel_loop3A_326 = tpu.vector_load %arg9[%parallel_loop3A_324, %parallel_loop3A_325] {strides = array<i32>} : memref<400x64xf32, #tpu.memory_space<vmem>>, vector<1x16xf32>,
        %parallel_loop3A_327 = vector.shape_cast %parallel_loop3A_326 : vector<1x16xf32> to vector<16xf32>
        %parallel_loop3A_328 = vector.shape_cast %parallel_loop3A_323 : vector<16xf32> to vector<1x16xf32>
        tpu.vector_store %arg9[%parallel_loop3A_324, %parallel_loop3A_325], %parallel_loop3A_328 {strides = array<i32>} : memref<400x64xf32, #tpu.memory_space<vmem>>, vector<1x16xf32>,
        %parallel_loop3A_329 = arith.index_cast %parallel_loop3A_316 : i32 to index
        %parallel_loop3A_330 = arith.constant 16 : index
        %parallel_loop3A_331 = tpu.vector_load %arg9[%parallel_loop3A_329, %parallel_loop3A_330] {strides = array<i32>} : memref<400x64xf32, #tpu.memory_space<vmem>>, vector<1x16xf32>,
        %parallel_loop3A_332 = vector.shape_cast %parallel_loop3A_331 : vector<1x16xf32> to vector<16xf32>
        %parallel_loop3A_333 = arith.constant 8.000000e+00 : f32
        %parallel_loop3A_334 = vector.broadcast %parallel_loop3A_333 : f32 to vector<16xf32>
        %parallel_loop3A_335 = arith.mulf %parallel_loop3A_332, %parallel_loop3A_334 : vector<16xf32>
        %parallel_loop3A_336 = arith.index_cast %parallel_loop3A_316 : i32 to index
        %parallel_loop3A_337 = arith.constant 16 : index
        %parallel_loop3A_338 = tpu.vector_load %arg9[%parallel_loop3A_336, %parallel_loop3A_337] {strides = array<i32>} : memref<400x64xf32, #tpu.memory_space<vmem>>, vector<1x16xf32>,
        %parallel_loop3A_339 = vector.shape_cast %parallel_loop3A_338 : vector<1x16xf32> to vector<16xf32>
        %parallel_loop3A_340 = vector.shape_cast %parallel_loop3A_335 : vector<16xf32> to vector<1x16xf32>
        tpu.vector_store %arg9[%parallel_loop3A_336, %parallel_loop3A_337], %parallel_loop3A_340 {strides = array<i32>} : memref<400x64xf32, #tpu.memory_space<vmem>>, vector<1x16xf32>,
        %parallel_loop3A_341 = arith.index_cast %parallel_loop3A_316 : i32 to index
        %parallel_loop3A_342 = arith.constant 32 : index
        %parallel_loop3A_343 = tpu.vector_load %arg9[%parallel_loop3A_341, %parallel_loop3A_342] {strides = array<i32>} : memref<400x64xf32, #tpu.memory_space<vmem>>, vector<1x16xf32>,
        %parallel_loop3A_344 = vector.shape_cast %parallel_loop3A_343 : vector<1x16xf32> to vector<16xf32>
        %parallel_loop3A_345 = arith.constant 8.000000e+00 : f32
        %parallel_loop3A_346 = vector.broadcast %parallel_loop3A_345 : f32 to vector<16xf32>
        %parallel_loop3A_347 = arith.mulf %parallel_loop3A_344, %parallel_loop3A_346 : vector<16xf32>
        %parallel_loop3A_348 = arith.index_cast %parallel_loop3A_316 : i32 to index
        %parallel_loop3A_349 = arith.constant 32 : index
        %parallel_loop3A_350 = tpu.vector_load %arg9[%parallel_loop3A_348, %parallel_loop3A_349] {strides = array<i32>} : memref<400x64xf32, #tpu.memory_space<vmem>>, vector<1x16xf32>,
        %parallel_loop3A_351 = vector.shape_cast %parallel_loop3A_350 : vector<1x16xf32> to vector<16xf32>
        %parallel_loop3A_352 = vector.shape_cast %parallel_loop3A_347 : vector<16xf32> to vector<1x16xf32>
        tpu.vector_store %arg9[%parallel_loop3A_348, %parallel_loop3A_349], %parallel_loop3A_352 {strides = array<i32>} : memref<400x64xf32, #tpu.memory_space<vmem>>, vector<1x16xf32>,
        %parallel_loop3A_353 = arith.index_cast %parallel_loop3A_316 : i32 to index
        %parallel_loop3A_354 = arith.constant 48 : index
        %parallel_loop3A_355 = tpu.vector_load %arg9[%parallel_loop3A_353, %parallel_loop3A_354] {strides = array<i32>} : memref<400x64xf32, #tpu.memory_space<vmem>>, vector<1x16xf32>,
        %parallel_loop3A_356 = vector.shape_cast %parallel_loop3A_355 : vector<1x16xf32> to vector<16xf32>
        %parallel_loop3A_357 = arith.constant 8.000000e+00 : f32
        %parallel_loop3A_358 = vector.broadcast %parallel_loop3A_357 : f32 to vector<16xf32>
        %parallel_loop3A_359 = arith.mulf %parallel_loop3A_356, %parallel_loop3A_358 : vector<16xf32>
        %parallel_loop3A_360 = arith.index_cast %parallel_loop3A_316 : i32 to index
        %parallel_loop3A_361 = arith.constant 48 : index
        %parallel_loop3A_362 = tpu.vector_load %arg9[%parallel_loop3A_360, %parallel_loop3A_361] {strides = array<i32>} : memref<400x64xf32, #tpu.memory_space<vmem>>, vector<1x16xf32>,
        %parallel_loop3A_363 = vector.shape_cast %parallel_loop3A_362 : vector<1x16xf32> to vector<16xf32>
        %parallel_loop3A_364 = vector.shape_cast %parallel_loop3A_359 : vector<16xf32> to vector<1x16xf32>
        tpu.vector_store %arg9[%parallel_loop3A_360, %parallel_loop3A_361], %parallel_loop3A_364 {strides = array<i32>} : memref<400x64xf32, #tpu.memory_space<vmem>>, vector<1x16xf32>,
      } {sc.loop_unroll_factor = 8 : i64, sc.parallel_access}
      %mul3A_216 = arith.constant 400 : i32
      %mul3A_217 = arith.muli %add3A_193, %mul3A_216 : i32
      %add3A_218 = arith.addi %mul3A_2, %mul3A_217 : i32
      %dma_start3A_219 = arith.constant 0 : i32
      %dma_start3A_220 = tpu.memref_slice %arg4[%add3A_218, %dma_start3A_219] : memref<819200x64xf32, #tpu.memory_space<hbm>> -> memref<400x64xf32, #tpu.memory_space<hbm>>
      %dma_start3A_221 = arith.constant 0 : i32
      %dma_start3A_222 = tpu.memref_slice %arg4[%add3A_218, %dma_start3A_221] : memref<819200x64xf32, #tpu.memory_space<hbm>> -> memref<400x64xf32, #tpu.memory_space<hbm>>
      tpu.enqueue_dma source(%arg9 : memref<400x64xf32, #tpu.memory_space<vmem>>) target(%dma_start3A_222 : memref<400x64xf32, #tpu.memory_space<hbm>>) target_semaphore(%arg17 : memref<!tpu.dma_semaphore, #tpu.memory_space<semaphore_mem>>)
      %add3A_223 = arith.constant 1 : i32
      %add3A_224 = arith.addi %mul3A_191, %add3A_223 : i32
      %add3A_225 = arith.constant 0 : i32
      %add3A_226 = arith.addi %mul3A_2, %add3A_225 : i32
      %dma_wait3A_227 = arith.constant 0 : i32
      %dma_wait3A_228 = tpu.memref_slice %arg4[%add3A_226, %dma_wait3A_227] : memref<819200x64xf32, #tpu.memory_space<hbm>> -> memref<400x64xf32, #tpu.memory_space<hbm>>
      %dma_wait3A_229 = arith.constant 0 : i32
      %dma_wait3A_230 = tpu.memref_slice %arg4[%add3A_226, %dma_wait3A_229] : memref<819200x64xf32, #tpu.memory_space<hbm>> -> memref<400x64xf32, #tpu.memory_space<hbm>>
      tpu.wait_dma2 semaphore(%arg20 : memref<!tpu.dma_semaphore, #tpu.memory_space<semaphore_mem>>) src(%arg12 : memref<400x64xf32, #tpu.memory_space<vmem>>) dst(%dma_wait3A_230 : memref<400x64xf32, #tpu.memory_space<hbm>>)
      %add3A_231 = arith.constant 2 : i32
      %add3A_232 = arith.addi %add3A_224, %add3A_231 : i32
      %mul3A_233 = arith.constant 400 : i32
      %mul3A_234 = arith.muli %add3A_232, %mul3A_233 : i32
      %add3A_235 = arith.addi %mul3A_2, %mul3A_234 : i32
      "tpu.region"() ({
        %run_scoped3A = tpu.sem_alloc : memref<!tpu.dma_semaphore, #tpu.memory_space<semaphore_mem>>
        %dma_start3A_316 = tpu.memref_slice %arg2[%add3A_235] : memref<819200xi32, #tpu.memory_space<hbm>> -> memref<400xi32, #tpu.memory_space<hbm>>
        %dma_start3A_317 = tpu.memref_slice %arg2[%add3A_235] : memref<819200xi32, #tpu.memory_space<hbm>> -> memref<400xi32, #tpu.memory_space<hbm>>
        tpu.enqueue_dma source(%dma_start3A_317 : memref<400xi32, #tpu.memory_space<hbm>>) target(%arg8 : memref<400xi32, #tpu.memory_space<vmem>>) target_semaphore(%run_scoped3A : memref<!tpu.dma_semaphore, #tpu.memory_space<semaphore_mem>>)
        %dma_wait3A_318 = tpu.memref_slice %arg2[%add3A_235] : memref<819200xi32, #tpu.memory_space<hbm>> -> memref<400xi32, #tpu.memory_space<hbm>>
        %dma_wait3A_319 = tpu.memref_slice %arg2[%add3A_235] : memref<819200xi32, #tpu.memory_space<hbm>> -> memref<400xi32, #tpu.memory_space<hbm>>
        tpu.wait_dma2 semaphore(%run_scoped3A : memref<!tpu.dma_semaphore, #tpu.memory_space<semaphore_mem>>) src(%dma_wait3A_319 : memref<400xi32, #tpu.memory_space<hbm>>) dst(%arg8 : memref<400xi32, #tpu.memory_space<vmem>>)
        tpu.yield
      }) : () -> ()
      %add3A_236 = arith.constant 2 : i32
      %add3A_237 = arith.addi %add3A_224, %add3A_236 : i32
      %dma_start3A_238 = arith.constant 0 : i32
      %dma_start3A_239 = arith.constant 0 : i32
      %dma_start3A_240 = tpu.memref_slice %arg3[%dma_start3A_238, %dma_start3A_239] : memref<1000000x64xf32, #tpu.memory_space<hbm>> -> memref<1000000x64xf32, #tpu.memory_space<hbm>>
      tpu.enqueue_indirect_dma source(%dma_start3A_240 : memref<1000000x64xf32, #tpu.memory_space<hbm>>) target(%arg12 : memref<400x64xf32, #tpu.memory_space<vmem>>) offsets(%arg8 : memref<400xi32, #tpu.memory_space<vmem>>) semaphore(%arg16 : memref<!tpu.dma_semaphore, #tpu.memory_space<semaphore_mem>>)
      %dma_wait3A_241 = arith.constant 0 : i32
      %dma_wait3A_242 = arith.constant 0 : i32
      %dma_wait3A_243 = tpu.memref_slice %arg3[%dma_wait3A_241, %dma_wait3A_242] : memref<1000000x64xf32, #tpu.memory_space<hbm>> -> memref<1000000x64xf32, #tpu.memory_space<hbm>>
      tpu.wait_indirect_dma semaphore(%arg14 : memref<!tpu.dma_semaphore, #tpu.memory_space<semaphore_mem>>) src(%dma_wait3A_243 : memref<1000000x64xf32, #tpu.memory_space<hbm>>) dst(%arg10 : memref<400x64xf32, #tpu.memory_space<vmem>>)
      %parallel_loop3A_244 = arith.constant 0 : i32
      %parallel_loop3A_245 = arith.constant 400 : i32
      %parallel_loop3A_246 = arith.constant 1 : i32
      scf.for %parallel_loop3A_316 = %parallel_loop3A_244 to %parallel_loop3A_245 step %parallel_loop3A_246  : i32 {
        %parallel_loop3A_317 = arith.index_cast %parallel_loop3A_316 : i32 to index
        %parallel_loop3A_318 = arith.constant 0 : index
        %parallel_loop3A_319 = tpu.vector_load %arg10[%parallel_loop3A_317, %parallel_loop3A_318] {strides = array<i32>} : memref<400x64xf32, #tpu.memory_space<vmem>>, vector<1x16xf32>,
        %parallel_loop3A_320 = vector.shape_cast %parallel_loop3A_319 : vector<1x16xf32> to vector<16xf32>
        %parallel_loop3A_321 = arith.constant 8.000000e+00 : f32
        %parallel_loop3A_322 = vector.broadcast %parallel_loop3A_321 : f32 to vector<16xf32>
        %parallel_loop3A_323 = arith.mulf %parallel_loop3A_320, %parallel_loop3A_322 : vector<16xf32>
        %parallel_loop3A_324 = arith.index_cast %parallel_loop3A_316 : i32 to index
        %parallel_loop3A_325 = arith.constant 0 : index
        %parallel_loop3A_326 = tpu.vector_load %arg10[%parallel_loop3A_324, %parallel_loop3A_325] {strides = array<i32>} : memref<400x64xf32, #tpu.memory_space<vmem>>, vector<1x16xf32>,
        %parallel_loop3A_327 = vector.shape_cast %parallel_loop3A_326 : vector<1x16xf32> to vector<16xf32>
        %parallel_loop3A_328 = vector.shape_cast %parallel_loop3A_323 : vector<16xf32> to vector<1x16xf32>
        tpu.vector_store %arg10[%parallel_loop3A_324, %parallel_loop3A_325], %parallel_loop3A_328 {strides = array<i32>} : memref<400x64xf32, #tpu.memory_space<vmem>>, vector<1x16xf32>,
        %parallel_loop3A_329 = arith.index_cast %parallel_loop3A_316 : i32 to index
        %parallel_loop3A_330 = arith.constant 16 : index
        %parallel_loop3A_331 = tpu.vector_load %arg10[%parallel_loop3A_329, %parallel_loop3A_330] {strides = array<i32>} : memref<400x64xf32, #tpu.memory_space<vmem>>, vector<1x16xf32>,
        %parallel_loop3A_332 = vector.shape_cast %parallel_loop3A_331 : vector<1x16xf32> to vector<16xf32>
        %parallel_loop3A_333 = arith.constant 8.000000e+00 : f32
        %parallel_loop3A_334 = vector.broadcast %parallel_loop3A_333 : f32 to vector<16xf32>
        %parallel_loop3A_335 = arith.mulf %parallel_loop3A_332, %parallel_loop3A_334 : vector<16xf32>
        %parallel_loop3A_336 = arith.index_cast %parallel_loop3A_316 : i32 to index
        %parallel_loop3A_337 = arith.constant 16 : index
        %parallel_loop3A_338 = tpu.vector_load %arg10[%parallel_loop3A_336, %parallel_loop3A_337] {strides = array<i32>} : memref<400x64xf32, #tpu.memory_space<vmem>>, vector<1x16xf32>,
        %parallel_loop3A_339 = vector.shape_cast %parallel_loop3A_338 : vector<1x16xf32> to vector<16xf32>
        %parallel_loop3A_340 = vector.shape_cast %parallel_loop3A_335 : vector<16xf32> to vector<1x16xf32>
        tpu.vector_store %arg10[%parallel_loop3A_336, %parallel_loop3A_337], %parallel_loop3A_340 {strides = array<i32>} : memref<400x64xf32, #tpu.memory_space<vmem>>, vector<1x16xf32>,
        %parallel_loop3A_341 = arith.index_cast %parallel_loop3A_316 : i32 to index
        %parallel_loop3A_342 = arith.constant 32 : index
        %parallel_loop3A_343 = tpu.vector_load %arg10[%parallel_loop3A_341, %parallel_loop3A_342] {strides = array<i32>} : memref<400x64xf32, #tpu.memory_space<vmem>>, vector<1x16xf32>,
        %parallel_loop3A_344 = vector.shape_cast %parallel_loop3A_343 : vector<1x16xf32> to vector<16xf32>
        %parallel_loop3A_345 = arith.constant 8.000000e+00 : f32
        %parallel_loop3A_346 = vector.broadcast %parallel_loop3A_345 : f32 to vector<16xf32>
        %parallel_loop3A_347 = arith.mulf %parallel_loop3A_344, %parallel_loop3A_346 : vector<16xf32>
        %parallel_loop3A_348 = arith.index_cast %parallel_loop3A_316 : i32 to index
        %parallel_loop3A_349 = arith.constant 32 : index
        %parallel_loop3A_350 = tpu.vector_load %arg10[%parallel_loop3A_348, %parallel_loop3A_349] {strides = array<i32>} : memref<400x64xf32, #tpu.memory_space<vmem>>, vector<1x16xf32>,
        %parallel_loop3A_351 = vector.shape_cast %parallel_loop3A_350 : vector<1x16xf32> to vector<16xf32>
        %parallel_loop3A_352 = vector.shape_cast %parallel_loop3A_347 : vector<16xf32> to vector<1x16xf32>
        tpu.vector_store %arg10[%parallel_loop3A_348, %parallel_loop3A_349], %parallel_loop3A_352 {strides = array<i32>} : memref<400x64xf32, #tpu.memory_space<vmem>>, vector<1x16xf32>,
        %parallel_loop3A_353 = arith.index_cast %parallel_loop3A_316 : i32 to index
        %parallel_loop3A_354 = arith.constant 48 : index
        %parallel_loop3A_355 = tpu.vector_load %arg10[%parallel_loop3A_353, %parallel_loop3A_354] {strides = array<i32>} : memref<400x64xf32, #tpu.memory_space<vmem>>, vector<1x16xf32>,
        %parallel_loop3A_356 = vector.shape_cast %parallel_loop3A_355 : vector<1x16xf32> to vector<16xf32>
        %parallel_loop3A_357 = arith.constant 8.000000e+00 : f32
        %parallel_loop3A_358 = vector.broadcast %parallel_loop3A_357 : f32 to vector<16xf32>
        %parallel_loop3A_359 = arith.mulf %parallel_loop3A_356, %parallel_loop3A_358 : vector<16xf32>
        %parallel_loop3A_360 = arith.index_cast %parallel_loop3A_316 : i32 to index
        %parallel_loop3A_361 = arith.constant 48 : index
        %parallel_loop3A_362 = tpu.vector_load %arg10[%parallel_loop3A_360, %parallel_loop3A_361] {strides = array<i32>} : memref<400x64xf32, #tpu.memory_space<vmem>>, vector<1x16xf32>,
        %parallel_loop3A_363 = vector.shape_cast %parallel_loop3A_362 : vector<1x16xf32> to vector<16xf32>
        %parallel_loop3A_364 = vector.shape_cast %parallel_loop3A_359 : vector<16xf32> to vector<1x16xf32>
        tpu.vector_store %arg10[%parallel_loop3A_360, %parallel_loop3A_361], %parallel_loop3A_364 {strides = array<i32>} : memref<400x64xf32, #tpu.memory_space<vmem>>, vector<1x16xf32>,
      } {sc.loop_unroll_factor = 8 : i64, sc.parallel_access}
      %mul3A_247 = arith.constant 400 : i32
      %mul3A_248 = arith.muli %add3A_224, %mul3A_247 : i32
      %add3A_249 = arith.addi %mul3A_2, %mul3A_248 : i32
      %dma_start3A_250 = arith.constant 0 : i32
      %dma_start3A_251 = tpu.memref_slice %arg4[%add3A_249, %dma_start3A_250] : memref<819200x64xf32, #tpu.memory_space<hbm>> -> memref<400x64xf32, #tpu.memory_space<hbm>>
      %dma_start3A_252 = arith.constant 0 : i32
      %dma_start3A_253 = tpu.memref_slice %arg4[%add3A_249, %dma_start3A_252] : memref<819200x64xf32, #tpu.memory_space<hbm>> -> memref<400x64xf32, #tpu.memory_space<hbm>>
      tpu.enqueue_dma source(%arg10 : memref<400x64xf32, #tpu.memory_space<vmem>>) target(%dma_start3A_253 : memref<400x64xf32, #tpu.memory_space<hbm>>) target_semaphore(%arg18 : memref<!tpu.dma_semaphore, #tpu.memory_space<semaphore_mem>>)
      %add3A_254 = arith.constant 2 : i32
      %add3A_255 = arith.addi %mul3A_191, %add3A_254 : i32
      %add3A_256 = arith.constant 0 : i32
      %add3A_257 = arith.addi %mul3A_2, %add3A_256 : i32
      %dma_wait3A_258 = arith.constant 0 : i32
      %dma_wait3A_259 = tpu.memref_slice %arg4[%add3A_257, %dma_wait3A_258] : memref<819200x64xf32, #tpu.memory_space<hbm>> -> memref<400x64xf32, #tpu.memory_space<hbm>>
      %dma_wait3A_260 = arith.constant 0 : i32
      %dma_wait3A_261 = tpu.memref_slice %arg4[%add3A_257, %dma_wait3A_260] : memref<819200x64xf32, #tpu.memory_space<hbm>> -> memref<400x64xf32, #tpu.memory_space<hbm>>
      tpu.wait_dma2 semaphore(%arg17 : memref<!tpu.dma_semaphore, #tpu.memory_space<semaphore_mem>>) src(%arg9 : memref<400x64xf32, #tpu.memory_space<vmem>>) dst(%dma_wait3A_261 : memref<400x64xf32, #tpu.memory_space<hbm>>)
      %add3A_262 = arith.constant 2 : i32
      %add3A_263 = arith.addi %add3A_255, %add3A_262 : i32
      %mul3A_264 = arith.constant 400 : i32
      %mul3A_265 = arith.muli %add3A_263, %mul3A_264 : i32
      %add3A_266 = arith.addi %mul3A_2, %mul3A_265 : i32
      "tpu.region"() ({
        %run_scoped3A = tpu.sem_alloc : memref<!tpu.dma_semaphore, #tpu.memory_space<semaphore_mem>>
        %dma_start3A_316 = tpu.memref_slice %arg2[%add3A_266] : memref<819200xi32, #tpu.memory_space<hbm>> -> memref<400xi32, #tpu.memory_space<hbm>>
        %dma_start3A_317 = tpu.memref_slice %arg2[%add3A_266] : memref<819200xi32, #tpu.memory_space<hbm>> -> memref<400xi32, #tpu.memory_space<hbm>>
        tpu.enqueue_dma source(%dma_start3A_317 : memref<400xi32, #tpu.memory_space<hbm>>) target(%arg5 : memref<400xi32, #tpu.memory_space<vmem>>) target_semaphore(%run_scoped3A : memref<!tpu.dma_semaphore, #tpu.memory_space<semaphore_mem>>)
        %dma_wait3A_318 = tpu.memref_slice %arg2[%add3A_266] : memref<819200xi32, #tpu.memory_space<hbm>> -> memref<400xi32, #tpu.memory_space<hbm>>
        %dma_wait3A_319 = tpu.memref_slice %arg2[%add3A_266] : memref<819200xi32, #tpu.memory_space<hbm>> -> memref<400xi32, #tpu.memory_space<hbm>>
        tpu.wait_dma2 semaphore(%run_scoped3A : memref<!tpu.dma_semaphore, #tpu.memory_space<semaphore_mem>>) src(%dma_wait3A_319 : memref<400xi32, #tpu.memory_space<hbm>>) dst(%arg5 : memref<400xi32, #tpu.memory_space<vmem>>)
        tpu.yield
      }) : () -> ()
      %add3A_267 = arith.constant 2 : i32
      %add3A_268 = arith.addi %add3A_255, %add3A_267 : i32
      %dma_start3A_269 = arith.constant 0 : i32
      %dma_start3A_270 = arith.constant 0 : i32
      %dma_start3A_271 = tpu.memref_slice %arg3[%dma_start3A_269, %dma_start3A_270] : memref<1000000x64xf32, #tpu.memory_space<hbm>> -> memref<1000000x64xf32, #tpu.memory_space<hbm>>
      tpu.enqueue_indirect_dma source(%dma_start3A_271 : memref<1000000x64xf32, #tpu.memory_space<hbm>>) target(%arg9 : memref<400x64xf32, #tpu.memory_space<vmem>>) offsets(%arg5 : memref<400xi32, #tpu.memory_space<vmem>>) semaphore(%arg13 : memref<!tpu.dma_semaphore, #tpu.memory_space<semaphore_mem>>)
      %dma_wait3A_272 = arith.constant 0 : i32
      %dma_wait3A_273 = arith.constant 0 : i32
      %dma_wait3A_274 = tpu.memref_slice %arg3[%dma_wait3A_272, %dma_wait3A_273] : memref<1000000x64xf32, #tpu.memory_space<hbm>> -> memref<1000000x64xf32, #tpu.memory_space<hbm>>
      tpu.wait_indirect_dma semaphore(%arg15 : memref<!tpu.dma_semaphore, #tpu.memory_space<semaphore_mem>>) src(%dma_wait3A_274 : memref<1000000x64xf32, #tpu.memory_space<hbm>>) dst(%arg11 : memref<400x64xf32, #tpu.memory_space<vmem>>)
      %parallel_loop3A_275 = arith.constant 0 : i32
      %parallel_loop3A_276 = arith.constant 400 : i32
      %parallel_loop3A_277 = arith.constant 1 : i32
      scf.for %parallel_loop3A_316 = %parallel_loop3A_275 to %parallel_loop3A_276 step %parallel_loop3A_277  : i32 {
        %parallel_loop3A_317 = arith.index_cast %parallel_loop3A_316 : i32 to index
        %parallel_loop3A_318 = arith.constant 0 : index
        %parallel_loop3A_319 = tpu.vector_load %arg11[%parallel_loop3A_317, %parallel_loop3A_318] {strides = array<i32>} : memref<400x64xf32, #tpu.memory_space<vmem>>, vector<1x16xf32>,
        %parallel_loop3A_320 = vector.shape_cast %parallel_loop3A_319 : vector<1x16xf32> to vector<16xf32>
        %parallel_loop3A_321 = arith.constant 8.000000e+00 : f32
        %parallel_loop3A_322 = vector.broadcast %parallel_loop3A_321 : f32 to vector<16xf32>
        %parallel_loop3A_323 = arith.mulf %parallel_loop3A_320, %parallel_loop3A_322 : vector<16xf32>
        %parallel_loop3A_324 = arith.index_cast %parallel_loop3A_316 : i32 to index
        %parallel_loop3A_325 = arith.constant 0 : index
        %parallel_loop3A_326 = tpu.vector_load %arg11[%parallel_loop3A_324, %parallel_loop3A_325] {strides = array<i32>} : memref<400x64xf32, #tpu.memory_space<vmem>>, vector<1x16xf32>,
        %parallel_loop3A_327 = vector.shape_cast %parallel_loop3A_326 : vector<1x16xf32> to vector<16xf32>
        %parallel_loop3A_328 = vector.shape_cast %parallel_loop3A_323 : vector<16xf32> to vector<1x16xf32>
        tpu.vector_store %arg11[%parallel_loop3A_324, %parallel_loop3A_325], %parallel_loop3A_328 {strides = array<i32>} : memref<400x64xf32, #tpu.memory_space<vmem>>, vector<1x16xf32>,
        %parallel_loop3A_329 = arith.index_cast %parallel_loop3A_316 : i32 to index
        %parallel_loop3A_330 = arith.constant 16 : index
        %parallel_loop3A_331 = tpu.vector_load %arg11[%parallel_loop3A_329, %parallel_loop3A_330] {strides = array<i32>} : memref<400x64xf32, #tpu.memory_space<vmem>>, vector<1x16xf32>,
        %parallel_loop3A_332 = vector.shape_cast %parallel_loop3A_331 : vector<1x16xf32> to vector<16xf32>
        %parallel_loop3A_333 = arith.constant 8.000000e+00 : f32
        %parallel_loop3A_334 = vector.broadcast %parallel_loop3A_333 : f32 to vector<16xf32>
        %parallel_loop3A_335 = arith.mulf %parallel_loop3A_332, %parallel_loop3A_334 : vector<16xf32>
        %parallel_loop3A_336 = arith.index_cast %parallel_loop3A_316 : i32 to index
        %parallel_loop3A_337 = arith.constant 16 : index
        %parallel_loop3A_338 = tpu.vector_load %arg11[%parallel_loop3A_336, %parallel_loop3A_337] {strides = array<i32>} : memref<400x64xf32, #tpu.memory_space<vmem>>, vector<1x16xf32>,
        %parallel_loop3A_339 = vector.shape_cast %parallel_loop3A_338 : vector<1x16xf32> to vector<16xf32>
        %parallel_loop3A_340 = vector.shape_cast %parallel_loop3A_335 : vector<16xf32> to vector<1x16xf32>
        tpu.vector_store %arg11[%parallel_loop3A_336, %parallel_loop3A_337], %parallel_loop3A_340 {strides = array<i32>} : memref<400x64xf32, #tpu.memory_space<vmem>>, vector<1x16xf32>,
        %parallel_loop3A_341 = arith.index_cast %parallel_loop3A_316 : i32 to index
        %parallel_loop3A_342 = arith.constant 32 : index
        %parallel_loop3A_343 = tpu.vector_load %arg11[%parallel_loop3A_341, %parallel_loop3A_342] {strides = array<i32>} : memref<400x64xf32, #tpu.memory_space<vmem>>, vector<1x16xf32>,
        %parallel_loop3A_344 = vector.shape_cast %parallel_loop3A_343 : vector<1x16xf32> to vector<16xf32>
        %parallel_loop3A_345 = arith.constant 8.000000e+00 : f32
        %parallel_loop3A_346 = vector.broadcast %parallel_loop3A_345 : f32 to vector<16xf32>
        %parallel_loop3A_347 = arith.mulf %parallel_loop3A_344, %parallel_loop3A_346 : vector<16xf32>
        %parallel_loop3A_348 = arith.index_cast %parallel_loop3A_316 : i32 to index
        %parallel_loop3A_349 = arith.constant 32 : index
        %parallel_loop3A_350 = tpu.vector_load %arg11[%parallel_loop3A_348, %parallel_loop3A_349] {strides = array<i32>} : memref<400x64xf32, #tpu.memory_space<vmem>>, vector<1x16xf32>,
        %parallel_loop3A_351 = vector.shape_cast %parallel_loop3A_350 : vector<1x16xf32> to vector<16xf32>
        %parallel_loop3A_352 = vector.shape_cast %parallel_loop3A_347 : vector<16xf32> to vector<1x16xf32>
        tpu.vector_store %arg11[%parallel_loop3A_348, %parallel_loop3A_349], %parallel_loop3A_352 {strides = array<i32>} : memref<400x64xf32, #tpu.memory_space<vmem>>, vector<1x16xf32>,
        %parallel_loop3A_353 = arith.index_cast %parallel_loop3A_316 : i32 to index
        %parallel_loop3A_354 = arith.constant 48 : index
        %parallel_loop3A_355 = tpu.vector_load %arg11[%parallel_loop3A_353, %parallel_loop3A_354] {strides = array<i32>} : memref<400x64xf32, #tpu.memory_space<vmem>>, vector<1x16xf32>,
        %parallel_loop3A_356 = vector.shape_cast %parallel_loop3A_355 : vector<1x16xf32> to vector<16xf32>
        %parallel_loop3A_357 = arith.constant 8.000000e+00 : f32
        %parallel_loop3A_358 = vector.broadcast %parallel_loop3A_357 : f32 to vector<16xf32>
        %parallel_loop3A_359 = arith.mulf %parallel_loop3A_356, %parallel_loop3A_358 : vector<16xf32>
        %parallel_loop3A_360 = arith.index_cast %parallel_loop3A_316 : i32 to index
        %parallel_loop3A_361 = arith.constant 48 : index
        %parallel_loop3A_362 = tpu.vector_load %arg11[%parallel_loop3A_360, %parallel_loop3A_361] {strides = array<i32>} : memref<400x64xf32, #tpu.memory_space<vmem>>, vector<1x16xf32>,
        %parallel_loop3A_363 = vector.shape_cast %parallel_loop3A_362 : vector<1x16xf32> to vector<16xf32>
        %parallel_loop3A_364 = vector.shape_cast %parallel_loop3A_359 : vector<16xf32> to vector<1x16xf32>
        tpu.vector_store %arg11[%parallel_loop3A_360, %parallel_loop3A_361], %parallel_loop3A_364 {strides = array<i32>} : memref<400x64xf32, #tpu.memory_space<vmem>>, vector<1x16xf32>,
      } {sc.loop_unroll_factor = 8 : i64, sc.parallel_access}
      %mul3A_278 = arith.constant 400 : i32
      %mul3A_279 = arith.muli %add3A_255, %mul3A_278 : i32
      %add3A_280 = arith.addi %mul3A_2, %mul3A_279 : i32
      %dma_start3A_281 = arith.constant 0 : i32
      %dma_start3A_282 = tpu.memref_slice %arg4[%add3A_280, %dma_start3A_281] : memref<819200x64xf32, #tpu.memory_space<hbm>> -> memref<400x64xf32, #tpu.memory_space<hbm>>
      %dma_start3A_283 = arith.constant 0 : i32
      %dma_start3A_284 = tpu.memref_slice %arg4[%add3A_280, %dma_start3A_283] : memref<819200x64xf32, #tpu.memory_space<hbm>> -> memref<400x64xf32, #tpu.memory_space<hbm>>
      tpu.enqueue_dma source(%arg11 : memref<400x64xf32, #tpu.memory_space<vmem>>) target(%dma_start3A_284 : memref<400x64xf32, #tpu.memory_space<hbm>>) target_semaphore(%arg19 : memref<!tpu.dma_semaphore, #tpu.memory_space<semaphore_mem>>)
      %add3A_285 = arith.constant 3 : i32
      %add3A_286 = arith.addi %mul3A_191, %add3A_285 : i32
      %add3A_287 = arith.constant 0 : i32
      %add3A_288 = arith.addi %mul3A_2, %add3A_287 : i32
      %dma_wait3A_289 = arith.constant 0 : i32
      %dma_wait3A_290 = tpu.memref_slice %arg4[%add3A_288, %dma_wait3A_289] : memref<819200x64xf32, #tpu.memory_space<hbm>> -> memref<400x64xf32, #tpu.memory_space<hbm>>
      %dma_wait3A_291 = arith.constant 0 : i32
      %dma_wait3A_292 = tpu.memref_slice %arg4[%add3A_288, %dma_wait3A_291] : memref<819200x64xf32, #tpu.memory_space<hbm>> -> memref<400x64xf32, #tpu.memory_space<hbm>>
      tpu.wait_dma2 semaphore(%arg18 : memref<!tpu.dma_semaphore, #tpu.memory_space<semaphore_mem>>) src(%arg10 : memref<400x64xf32, #tpu.memory_space<vmem>>) dst(%dma_wait3A_292 : memref<400x64xf32, #tpu.memory_space<hbm>>)
      %add3A_293 = arith.constant 2 : i32
      %add3A_294 = arith.addi %add3A_286, %add3A_293 : i32
      %mul3A_295 = arith.constant 400 : i32
      %mul3A_296 = arith.muli %add3A_294, %mul3A_295 : i32
      %add3A_297 = arith.addi %mul3A_2, %mul3A_296 : i32
      "tpu.region"() ({
        %run_scoped3A = tpu.sem_alloc : memref<!tpu.dma_semaphore, #tpu.memory_space<semaphore_mem>>
        %dma_start3A_316 = tpu.memref_slice %arg2[%add3A_297] : memref<819200xi32, #tpu.memory_space<hbm>> -> memref<400xi32, #tpu.memory_space<hbm>>
        %dma_start3A_317 = tpu.memref_slice %arg2[%add3A_297] : memref<819200xi32, #tpu.memory_space<hbm>> -> memref<400xi32, #tpu.memory_space<hbm>>
        tpu.enqueue_dma source(%dma_start3A_317 : memref<400xi32, #tpu.memory_space<hbm>>) target(%arg6 : memref<400xi32, #tpu.memory_space<vmem>>) target_semaphore(%run_scoped3A : memref<!tpu.dma_semaphore, #tpu.memory_space<semaphore_mem>>)
        %dma_wait3A_318 = tpu.memref_slice %arg2[%add3A_297] : memref<819200xi32, #tpu.memory_space<hbm>> -> memref<400xi32, #tpu.memory_space<hbm>>
        %dma_wait3A_319 = tpu.memref_slice %arg2[%add3A_297] : memref<819200xi32, #tpu.memory_space<hbm>> -> memref<400xi32, #tpu.memory_space<hbm>>
        tpu.wait_dma2 semaphore(%run_scoped3A : memref<!tpu.dma_semaphore, #tpu.memory_space<semaphore_mem>>) src(%dma_wait3A_319 : memref<400xi32, #tpu.memory_space<hbm>>) dst(%arg6 : memref<400xi32, #tpu.memory_space<vmem>>)
        tpu.yield
      }) : () -> ()
      %add3A_298 = arith.constant 2 : i32
      %add3A_299 = arith.addi %add3A_286, %add3A_298 : i32
      %dma_start3A_300 = arith.constant 0 : i32
      %dma_start3A_301 = arith.constant 0 : i32
      %dma_start3A_302 = tpu.memref_slice %arg3[%dma_start3A_300, %dma_start3A_301] : memref<1000000x64xf32, #tpu.memory_space<hbm>> -> memref<1000000x64xf32, #tpu.memory_space<hbm>>
      tpu.enqueue_indirect_dma source(%dma_start3A_302 : memref<1000000x64xf32, #tpu.memory_space<hbm>>) target(%arg10 : memref<400x64xf32, #tpu.memory_space<vmem>>) offsets(%arg6 : memref<400xi32, #tpu.memory_space<vmem>>) semaphore(%arg14 : memref<!tpu.dma_semaphore, #tpu.memory_space<semaphore_mem>>)
      %dma_wait3A_303 = arith.constant 0 : i32
      %dma_wait3A_304 = arith.constant 0 : i32
      %dma_wait3A_305 = tpu.memref_slice %arg3[%dma_wait3A_303, %dma_wait3A_304] : memref<1000000x64xf32, #tpu.memory_space<hbm>> -> memref<1000000x64xf32, #tpu.memory_space<hbm>>
      tpu.wait_indirect_dma semaphore(%arg16 : memref<!tpu.dma_semaphore, #tpu.memory_space<semaphore_mem>>) src(%dma_wait3A_305 : memref<1000000x64xf32, #tpu.memory_space<hbm>>) dst(%arg12 : memref<400x64xf32, #tpu.memory_space<vmem>>)
      %parallel_loop3A_306 = arith.constant 0 : i32
      %parallel_loop3A_307 = arith.constant 400 : i32
      %parallel_loop3A_308 = arith.constant 1 : i32
      scf.for %parallel_loop3A_316 = %parallel_loop3A_306 to %parallel_loop3A_307 step %parallel_loop3A_308  : i32 {
        %parallel_loop3A_317 = arith.index_cast %parallel_loop3A_316 : i32 to index
        %parallel_loop3A_318 = arith.constant 0 : index
        %parallel_loop3A_319 = tpu.vector_load %arg12[%parallel_loop3A_317, %parallel_loop3A_318] {strides = array<i32>} : memref<400x64xf32, #tpu.memory_space<vmem>>, vector<1x16xf32>,
        %parallel_loop3A_320 = vector.shape_cast %parallel_loop3A_319 : vector<1x16xf32> to vector<16xf32>
        %parallel_loop3A_321 = arith.constant 8.000000e+00 : f32
        %parallel_loop3A_322 = vector.broadcast %parallel_loop3A_321 : f32 to vector<16xf32>
        %parallel_loop3A_323 = arith.mulf %parallel_loop3A_320, %parallel_loop3A_322 : vector<16xf32>
        %parallel_loop3A_324 = arith.index_cast %parallel_loop3A_316 : i32 to index
        %parallel_loop3A_325 = arith.constant 0 : index
        %parallel_loop3A_326 = tpu.vector_load %arg12[%parallel_loop3A_324, %parallel_loop3A_325] {strides = array<i32>} : memref<400x64xf32, #tpu.memory_space<vmem>>, vector<1x16xf32>,
        %parallel_loop3A_327 = vector.shape_cast %parallel_loop3A_326 : vector<1x16xf32> to vector<16xf32>
        %parallel_loop3A_328 = vector.shape_cast %parallel_loop3A_323 : vector<16xf32> to vector<1x16xf32>
        tpu.vector_store %arg12[%parallel_loop3A_324, %parallel_loop3A_325], %parallel_loop3A_328 {strides = array<i32>} : memref<400x64xf32, #tpu.memory_space<vmem>>, vector<1x16xf32>,
        %parallel_loop3A_329 = arith.index_cast %parallel_loop3A_316 : i32 to index
        %parallel_loop3A_330 = arith.constant 16 : index
        %parallel_loop3A_331 = tpu.vector_load %arg12[%parallel_loop3A_329, %parallel_loop3A_330] {strides = array<i32>} : memref<400x64xf32, #tpu.memory_space<vmem>>, vector<1x16xf32>,
        %parallel_loop3A_332 = vector.shape_cast %parallel_loop3A_331 : vector<1x16xf32> to vector<16xf32>
        %parallel_loop3A_333 = arith.constant 8.000000e+00 : f32
        %parallel_loop3A_334 = vector.broadcast %parallel_loop3A_333 : f32 to vector<16xf32>
        %parallel_loop3A_335 = arith.mulf %parallel_loop3A_332, %parallel_loop3A_334 : vector<16xf32>
        %parallel_loop3A_336 = arith.index_cast %parallel_loop3A_316 : i32 to index
        %parallel_loop3A_337 = arith.constant 16 : index
        %parallel_loop3A_338 = tpu.vector_load %arg12[%parallel_loop3A_336, %parallel_loop3A_337] {strides = array<i32>} : memref<400x64xf32, #tpu.memory_space<vmem>>, vector<1x16xf32>,
        %parallel_loop3A_339 = vector.shape_cast %parallel_loop3A_338 : vector<1x16xf32> to vector<16xf32>
        %parallel_loop3A_340 = vector.shape_cast %parallel_loop3A_335 : vector<16xf32> to vector<1x16xf32>
        tpu.vector_store %arg12[%parallel_loop3A_336, %parallel_loop3A_337], %parallel_loop3A_340 {strides = array<i32>} : memref<400x64xf32, #tpu.memory_space<vmem>>, vector<1x16xf32>,
        %parallel_loop3A_341 = arith.index_cast %parallel_loop3A_316 : i32 to index
        %parallel_loop3A_342 = arith.constant 32 : index
        %parallel_loop3A_343 = tpu.vector_load %arg12[%parallel_loop3A_341, %parallel_loop3A_342] {strides = array<i32>} : memref<400x64xf32, #tpu.memory_space<vmem>>, vector<1x16xf32>,
        %parallel_loop3A_344 = vector.shape_cast %parallel_loop3A_343 : vector<1x16xf32> to vector<16xf32>
        %parallel_loop3A_345 = arith.constant 8.000000e+00 : f32
        %parallel_loop3A_346 = vector.broadcast %parallel_loop3A_345 : f32 to vector<16xf32>
        %parallel_loop3A_347 = arith.mulf %parallel_loop3A_344, %parallel_loop3A_346 : vector<16xf32>
        %parallel_loop3A_348 = arith.index_cast %parallel_loop3A_316 : i32 to index
        %parallel_loop3A_349 = arith.constant 32 : index
        %parallel_loop3A_350 = tpu.vector_load %arg12[%parallel_loop3A_348, %parallel_loop3A_349] {strides = array<i32>} : memref<400x64xf32, #tpu.memory_space<vmem>>, vector<1x16xf32>,
        %parallel_loop3A_351 = vector.shape_cast %parallel_loop3A_350 : vector<1x16xf32> to vector<16xf32>
        %parallel_loop3A_352 = vector.shape_cast %parallel_loop3A_347 : vector<16xf32> to vector<1x16xf32>
        tpu.vector_store %arg12[%parallel_loop3A_348, %parallel_loop3A_349], %parallel_loop3A_352 {strides = array<i32>} : memref<400x64xf32, #tpu.memory_space<vmem>>, vector<1x16xf32>,
        %parallel_loop3A_353 = arith.index_cast %parallel_loop3A_316 : i32 to index
        %parallel_loop3A_354 = arith.constant 48 : index
        %parallel_loop3A_355 = tpu.vector_load %arg12[%parallel_loop3A_353, %parallel_loop3A_354] {strides = array<i32>} : memref<400x64xf32, #tpu.memory_space<vmem>>, vector<1x16xf32>,
        %parallel_loop3A_356 = vector.shape_cast %parallel_loop3A_355 : vector<1x16xf32> to vector<16xf32>
        %parallel_loop3A_357 = arith.constant 8.000000e+00 : f32
        %parallel_loop3A_358 = vector.broadcast %parallel_loop3A_357 : f32 to vector<16xf32>
        %parallel_loop3A_359 = arith.mulf %parallel_loop3A_356, %parallel_loop3A_358 : vector<16xf32>
        %parallel_loop3A_360 = arith.index_cast %parallel_loop3A_316 : i32 to index
        %parallel_loop3A_361 = arith.constant 48 : index
        %parallel_loop3A_362 = tpu.vector_load %arg12[%parallel_loop3A_360, %parallel_loop3A_361] {strides = array<i32>} : memref<400x64xf32, #tpu.memory_space<vmem>>, vector<1x16xf32>,
        %parallel_loop3A_363 = vector.shape_cast %parallel_loop3A_362 : vector<1x16xf32> to vector<16xf32>
        %parallel_loop3A_364 = vector.shape_cast %parallel_loop3A_359 : vector<16xf32> to vector<1x16xf32>
        tpu.vector_store %arg12[%parallel_loop3A_360, %parallel_loop3A_361], %parallel_loop3A_364 {strides = array<i32>} : memref<400x64xf32, #tpu.memory_space<vmem>>, vector<1x16xf32>,
      } {sc.loop_unroll_factor = 8 : i64, sc.parallel_access}
      %mul3A_309 = arith.constant 400 : i32
      %mul3A_310 = arith.muli %add3A_286, %mul3A_309 : i32
      %add3A_311 = arith.addi %mul3A_2, %mul3A_310 : i32
      %dma_start3A_312 = arith.constant 0 : i32
      %dma_start3A_313 = tpu.memref_slice %arg4[%add3A_311, %dma_start3A_312] : memref<819200x64xf32, #tpu.memory_space<hbm>> -> memref<400x64xf32, #tpu.memory_space<hbm>>
      %dma_start3A_314 = arith.constant 0 : i32
      %dma_start3A_315 = tpu.memref_slice %arg4[%add3A_311, %dma_start3A_314] : memref<819200x64xf32, #tpu.memory_space<hbm>> -> memref<400x64xf32, #tpu.memory_space<hbm>>
      tpu.enqueue_dma source(%arg12 : memref<400x64xf32, #tpu.memory_space<vmem>>) target(%dma_start3A_315 : memref<400x64xf32, #tpu.memory_space<hbm>>) target_semaphore(%arg20 : memref<!tpu.dma_semaphore, #tpu.memory_space<semaphore_mem>>)
    }
    %scan3A_94 = arith.constant 14 : i32
    %add3A_95 = arith.constant 0 : i32
    %add3A_96 = arith.addi %mul3A_2, %add3A_95 : i32
    %dma_wait3A_97 = arith.constant 0 : i32
    %dma_wait3A_98 = tpu.memref_slice %arg4[%add3A_96, %dma_wait3A_97] : memref<819200x64xf32, #tpu.memory_space<hbm>> -> memref<400x64xf32, #tpu.memory_space<hbm>>
    %dma_wait3A_99 = arith.constant 0 : i32
    %dma_wait3A_100 = tpu.memref_slice %arg4[%add3A_96, %dma_wait3A_99] : memref<819200x64xf32, #tpu.memory_space<hbm>> -> memref<400x64xf32, #tpu.memory_space<hbm>>
    tpu.wait_dma2 semaphore(%arg19 : memref<!tpu.dma_semaphore, #tpu.memory_space<semaphore_mem>>) src(%arg11 : memref<400x64xf32, #tpu.memory_space<vmem>>) dst(%dma_wait3A_100 : memref<400x64xf32, #tpu.memory_space<hbm>>)
    %add3A_101 = arith.constant 24800 : i32
    %add3A_102 = arith.addi %mul3A_2, %add3A_101 : i32
    "tpu.region"() ({
      %run_scoped3A = tpu.sem_alloc : memref<!tpu.dma_semaphore, #tpu.memory_space<semaphore_mem>>
      %dma_start3A_189 = tpu.memref_slice %arg2[%add3A_102] : memref<819200xi32, #tpu.memory_space<hbm>> -> memref<400xi32, #tpu.memory_space<hbm>>
      %dma_start3A_190 = tpu.memref_slice %arg2[%add3A_102] : memref<819200xi32, #tpu.memory_space<hbm>> -> memref<400xi32, #tpu.memory_space<hbm>>
      tpu.enqueue_dma source(%dma_start3A_190 : memref<400xi32, #tpu.memory_space<hbm>>) target(%arg7 : memref<400xi32, #tpu.memory_space<vmem>>) target_semaphore(%run_scoped3A : memref<!tpu.dma_semaphore, #tpu.memory_space<semaphore_mem>>)
      %dma_wait3A_191 = tpu.memref_slice %arg2[%add3A_102] : memref<819200xi32, #tpu.memory_space<hbm>> -> memref<400xi32, #tpu.memory_space<hbm>>
      %dma_wait3A_192 = tpu.memref_slice %arg2[%add3A_102] : memref<819200xi32, #tpu.memory_space<hbm>> -> memref<400xi32, #tpu.memory_space<hbm>>
      tpu.wait_dma2 semaphore(%run_scoped3A : memref<!tpu.dma_semaphore, #tpu.memory_space<semaphore_mem>>) src(%dma_wait3A_192 : memref<400xi32, #tpu.memory_space<hbm>>) dst(%arg7 : memref<400xi32, #tpu.memory_space<vmem>>)
      tpu.yield
    }) : () -> ()
    %dma_start3A_103 = arith.constant 0 : i32
    %dma_start3A_104 = arith.constant 0 : i32
    %dma_start3A_105 = tpu.memref_slice %arg3[%dma_start3A_103, %dma_start3A_104] : memref<1000000x64xf32, #tpu.memory_space<hbm>> -> memref<1000000x64xf32, #tpu.memory_space<hbm>>
    tpu.enqueue_indirect_dma source(%dma_start3A_105 : memref<1000000x64xf32, #tpu.memory_space<hbm>>) target(%arg11 : memref<400x64xf32, #tpu.memory_space<vmem>>) offsets(%arg7 : memref<400xi32, #tpu.memory_space<vmem>>) semaphore(%arg15 : memref<!tpu.dma_semaphore, #tpu.memory_space<semaphore_mem>>)
    %dma_wait3A_106 = arith.constant 0 : i32
    %dma_wait3A_107 = arith.constant 0 : i32
    %dma_wait3A_108 = tpu.memref_slice %arg3[%dma_wait3A_106, %dma_wait3A_107] : memref<1000000x64xf32, #tpu.memory_space<hbm>> -> memref<1000000x64xf32, #tpu.memory_space<hbm>>
    tpu.wait_indirect_dma semaphore(%arg13 : memref<!tpu.dma_semaphore, #tpu.memory_space<semaphore_mem>>) src(%dma_wait3A_108 : memref<1000000x64xf32, #tpu.memory_space<hbm>>) dst(%arg9 : memref<400x64xf32, #tpu.memory_space<vmem>>)
    %parallel_loop3A_109 = arith.constant 0 : i32
    %parallel_loop3A_110 = arith.constant 400 : i32
    %parallel_loop3A_111 = arith.constant 1 : i32
    scf.for %parallel_loop3A_189 = %parallel_loop3A_109 to %parallel_loop3A_110 step %parallel_loop3A_111  : i32 {
      %parallel_loop3A_190 = arith.index_cast %parallel_loop3A_189 : i32 to index
      %parallel_loop3A_191 = arith.constant 0 : index
      %parallel_loop3A_192 = tpu.vector_load %arg9[%parallel_loop3A_190, %parallel_loop3A_191] {strides = array<i32>} : memref<400x64xf32, #tpu.memory_space<vmem>>, vector<1x16xf32>,
      %parallel_loop3A_193 = vector.shape_cast %parallel_loop3A_192 : vector<1x16xf32> to vector<16xf32>
      %parallel_loop3A_194 = arith.constant 8.000000e+00 : f32
      %parallel_loop3A_195 = vector.broadcast %parallel_loop3A_194 : f32 to vector<16xf32>
      %parallel_loop3A_196 = arith.mulf %parallel_loop3A_193, %parallel_loop3A_195 : vector<16xf32>
      %parallel_loop3A_197 = arith.index_cast %parallel_loop3A_189 : i32 to index
      %parallel_loop3A_198 = arith.constant 0 : index
      %parallel_loop3A_199 = tpu.vector_load %arg9[%parallel_loop3A_197, %parallel_loop3A_198] {strides = array<i32>} : memref<400x64xf32, #tpu.memory_space<vmem>>, vector<1x16xf32>,
      %parallel_loop3A_200 = vector.shape_cast %parallel_loop3A_199 : vector<1x16xf32> to vector<16xf32>
      %parallel_loop3A_201 = vector.shape_cast %parallel_loop3A_196 : vector<16xf32> to vector<1x16xf32>
      tpu.vector_store %arg9[%parallel_loop3A_197, %parallel_loop3A_198], %parallel_loop3A_201 {strides = array<i32>} : memref<400x64xf32, #tpu.memory_space<vmem>>, vector<1x16xf32>,
      %parallel_loop3A_202 = arith.index_cast %parallel_loop3A_189 : i32 to index
      %parallel_loop3A_203 = arith.constant 16 : index
      %parallel_loop3A_204 = tpu.vector_load %arg9[%parallel_loop3A_202, %parallel_loop3A_203] {strides = array<i32>} : memref<400x64xf32, #tpu.memory_space<vmem>>, vector<1x16xf32>,
      %parallel_loop3A_205 = vector.shape_cast %parallel_loop3A_204 : vector<1x16xf32> to vector<16xf32>
      %parallel_loop3A_206 = arith.constant 8.000000e+00 : f32
      %parallel_loop3A_207 = vector.broadcast %parallel_loop3A_206 : f32 to vector<16xf32>
      %parallel_loop3A_208 = arith.mulf %parallel_loop3A_205, %parallel_loop3A_207 : vector<16xf32>
      %parallel_loop3A_209 = arith.index_cast %parallel_loop3A_189 : i32 to index
      %parallel_loop3A_210 = arith.constant 16 : index
      %parallel_loop3A_211 = tpu.vector_load %arg9[%parallel_loop3A_209, %parallel_loop3A_210] {strides = array<i32>} : memref<400x64xf32, #tpu.memory_space<vmem>>, vector<1x16xf32>,
      %parallel_loop3A_212 = vector.shape_cast %parallel_loop3A_211 : vector<1x16xf32> to vector<16xf32>
      %parallel_loop3A_213 = vector.shape_cast %parallel_loop3A_208 : vector<16xf32> to vector<1x16xf32>
      tpu.vector_store %arg9[%parallel_loop3A_209, %parallel_loop3A_210], %parallel_loop3A_213 {strides = array<i32>} : memref<400x64xf32, #tpu.memory_space<vmem>>, vector<1x16xf32>,
      %parallel_loop3A_214 = arith.index_cast %parallel_loop3A_189 : i32 to index
      %parallel_loop3A_215 = arith.constant 32 : index
      %parallel_loop3A_216 = tpu.vector_load %arg9[%parallel_loop3A_214, %parallel_loop3A_215] {strides = array<i32>} : memref<400x64xf32, #tpu.memory_space<vmem>>, vector<1x16xf32>,
      %parallel_loop3A_217 = vector.shape_cast %parallel_loop3A_216 : vector<1x16xf32> to vector<16xf32>
      %parallel_loop3A_218 = arith.constant 8.000000e+00 : f32
      %parallel_loop3A_219 = vector.broadcast %parallel_loop3A_218 : f32 to vector<16xf32>
      %parallel_loop3A_220 = arith.mulf %parallel_loop3A_217, %parallel_loop3A_219 : vector<16xf32>
      %parallel_loop3A_221 = arith.index_cast %parallel_loop3A_189 : i32 to index
      %parallel_loop3A_222 = arith.constant 32 : index
      %parallel_loop3A_223 = tpu.vector_load %arg9[%parallel_loop3A_221, %parallel_loop3A_222] {strides = array<i32>} : memref<400x64xf32, #tpu.memory_space<vmem>>, vector<1x16xf32>,
      %parallel_loop3A_224 = vector.shape_cast %parallel_loop3A_223 : vector<1x16xf32> to vector<16xf32>
      %parallel_loop3A_225 = vector.shape_cast %parallel_loop3A_220 : vector<16xf32> to vector<1x16xf32>
      tpu.vector_store %arg9[%parallel_loop3A_221, %parallel_loop3A_222], %parallel_loop3A_225 {strides = array<i32>} : memref<400x64xf32, #tpu.memory_space<vmem>>, vector<1x16xf32>,
      %parallel_loop3A_226 = arith.index_cast %parallel_loop3A_189 : i32 to index
      %parallel_loop3A_227 = arith.constant 48 : index
      %parallel_loop3A_228 = tpu.vector_load %arg9[%parallel_loop3A_226, %parallel_loop3A_227] {strides = array<i32>} : memref<400x64xf32, #tpu.memory_space<vmem>>, vector<1x16xf32>,
      %parallel_loop3A_229 = vector.shape_cast %parallel_loop3A_228 : vector<1x16xf32> to vector<16xf32>
      %parallel_loop3A_230 = arith.constant 8.000000e+00 : f32
      %parallel_loop3A_231 = vector.broadcast %parallel_loop3A_230 : f32 to vector<16xf32>
      %parallel_loop3A_232 = arith.mulf %parallel_loop3A_229, %parallel_loop3A_231 : vector<16xf32>
      %parallel_loop3A_233 = arith.index_cast %parallel_loop3A_189 : i32 to index
      %parallel_loop3A_234 = arith.constant 48 : index
      %parallel_loop3A_235 = tpu.vector_load %arg9[%parallel_loop3A_233, %parallel_loop3A_234] {strides = array<i32>} : memref<400x64xf32, #tpu.memory_space<vmem>>, vector<1x16xf32>,
      %parallel_loop3A_236 = vector.shape_cast %parallel_loop3A_235 : vector<1x16xf32> to vector<16xf32>
      %parallel_loop3A_237 = vector.shape_cast %parallel_loop3A_232 : vector<16xf32> to vector<1x16xf32>
      tpu.vector_store %arg9[%parallel_loop3A_233, %parallel_loop3A_234], %parallel_loop3A_237 {strides = array<i32>} : memref<400x64xf32, #tpu.memory_space<vmem>>, vector<1x16xf32>,
    } {sc.loop_unroll_factor = 8 : i64, sc.parallel_access}
    %add3A_112 = arith.constant 24000 : i32
    %add3A_113 = arith.addi %mul3A_2, %add3A_112 : i32
    %dma_start3A_114 = arith.constant 0 : i32
    %dma_start3A_115 = tpu.memref_slice %arg4[%add3A_113, %dma_start3A_114] : memref<819200x64xf32, #tpu.memory_space<hbm>> -> memref<400x64xf32, #tpu.memory_space<hbm>>
    %dma_start3A_116 = arith.constant 0 : i32
    %dma_start3A_117 = tpu.memref_slice %arg4[%add3A_113, %dma_start3A_116] : memref<819200x64xf32, #tpu.memory_space<hbm>> -> memref<400x64xf32, #tpu.memory_space<hbm>>
    tpu.enqueue_dma source(%arg9 : memref<400x64xf32, #tpu.memory_space<vmem>>) target(%dma_start3A_117 : memref<400x64xf32, #tpu.memory_space<hbm>>) target_semaphore(%arg17 : memref<!tpu.dma_semaphore, #tpu.memory_space<semaphore_mem>>)
    %add3A_118 = arith.constant 0 : i32
    %add3A_119 = arith.addi %mul3A_2, %add3A_118 : i32
    %dma_wait3A_120 = arith.constant 0 : i32
    %dma_wait3A_121 = tpu.memref_slice %arg4[%add3A_119, %dma_wait3A_120] : memref<819200x64xf32, #tpu.memory_space<hbm>> -> memref<400x64xf32, #tpu.memory_space<hbm>>
    %dma_wait3A_122 = arith.constant 0 : i32
    %dma_wait3A_123 = tpu.memref_slice %arg4[%add3A_119, %dma_wait3A_122] : memref<819200x64xf32, #tpu.memory_space<hbm>> -> memref<400x64xf32, #tpu.memory_space<hbm>>
    tpu.wait_dma2 semaphore(%arg20 : memref<!tpu.dma_semaphore, #tpu.memory_space<semaphore_mem>>) src(%arg12 : memref<400x64xf32, #tpu.memory_space<vmem>>) dst(%dma_wait3A_123 : memref<400x64xf32, #tpu.memory_space<hbm>>)
    %add3A_124 = arith.constant 25200 : i32
    %add3A_125 = arith.addi %mul3A_2, %add3A_124 : i32
    "tpu.region"() ({
      %run_scoped3A = tpu.sem_alloc : memref<!tpu.dma_semaphore, #tpu.memory_space<semaphore_mem>>
      %dma_start3A_189 = tpu.memref_slice %arg2[%add3A_125] : memref<819200xi32, #tpu.memory_space<hbm>> -> memref<400xi32, #tpu.memory_space<hbm>>
      %dma_start3A_190 = tpu.memref_slice %arg2[%add3A_125] : memref<819200xi32, #tpu.memory_space<hbm>> -> memref<400xi32, #tpu.memory_space<hbm>>
      tpu.enqueue_dma source(%dma_start3A_190 : memref<400xi32, #tpu.memory_space<hbm>>) target(%arg8 : memref<400xi32, #tpu.memory_space<vmem>>) target_semaphore(%run_scoped3A : memref<!tpu.dma_semaphore, #tpu.memory_space<semaphore_mem>>)
      %dma_wait3A_191 = tpu.memref_slice %arg2[%add3A_125] : memref<819200xi32, #tpu.memory_space<hbm>> -> memref<400xi32, #tpu.memory_space<hbm>>
      %dma_wait3A_192 = tpu.memref_slice %arg2[%add3A_125] : memref<819200xi32, #tpu.memory_space<hbm>> -> memref<400xi32, #tpu.memory_space<hbm>>
      tpu.wait_dma2 semaphore(%run_scoped3A : memref<!tpu.dma_semaphore, #tpu.memory_space<semaphore_mem>>) src(%dma_wait3A_192 : memref<400xi32, #tpu.memory_space<hbm>>) dst(%arg8 : memref<400xi32, #tpu.memory_space<vmem>>)
      tpu.yield
    }) : () -> ()
    %dma_start3A_126 = arith.constant 0 : i32
    %dma_start3A_127 = arith.constant 0 : i32
    %dma_start3A_128 = tpu.memref_slice %arg3[%dma_start3A_126, %dma_start3A_127] : memref<1000000x64xf32, #tpu.memory_space<hbm>> -> memref<1000000x64xf32, #tpu.memory_space<hbm>>
    tpu.enqueue_indirect_dma source(%dma_start3A_128 : memref<1000000x64xf32, #tpu.memory_space<hbm>>) target(%arg12 : memref<400x64xf32, #tpu.memory_space<vmem>>) offsets(%arg8 : memref<400xi32, #tpu.memory_space<vmem>>) semaphore(%arg16 : memref<!tpu.dma_semaphore, #tpu.memory_space<semaphore_mem>>)
    %dma_wait3A_129 = arith.constant 0 : i32
    %dma_wait3A_130 = arith.constant 0 : i32
    %dma_wait3A_131 = tpu.memref_slice %arg3[%dma_wait3A_129, %dma_wait3A_130] : memref<1000000x64xf32, #tpu.memory_space<hbm>> -> memref<1000000x64xf32, #tpu.memory_space<hbm>>
    tpu.wait_indirect_dma semaphore(%arg14 : memref<!tpu.dma_semaphore, #tpu.memory_space<semaphore_mem>>) src(%dma_wait3A_131 : memref<1000000x64xf32, #tpu.memory_space<hbm>>) dst(%arg10 : memref<400x64xf32, #tpu.memory_space<vmem>>)
    %parallel_loop3A_132 = arith.constant 0 : i32
    %parallel_loop3A_133 = arith.constant 400 : i32
    %parallel_loop3A_134 = arith.constant 1 : i32
    scf.for %parallel_loop3A_189 = %parallel_loop3A_132 to %parallel_loop3A_133 step %parallel_loop3A_134  : i32 {
      %parallel_loop3A_190 = arith.index_cast %parallel_loop3A_189 : i32 to index
      %parallel_loop3A_191 = arith.constant 0 : index
      %parallel_loop3A_192 = tpu.vector_load %arg10[%parallel_loop3A_190, %parallel_loop3A_191] {strides = array<i32>} : memref<400x64xf32, #tpu.memory_space<vmem>>, vector<1x16xf32>,
      %parallel_loop3A_193 = vector.shape_cast %parallel_loop3A_192 : vector<1x16xf32> to vector<16xf32>
      %parallel_loop3A_194 = arith.constant 8.000000e+00 : f32
      %parallel_loop3A_195 = vector.broadcast %parallel_loop3A_194 : f32 to vector<16xf32>
      %parallel_loop3A_196 = arith.mulf %parallel_loop3A_193, %parallel_loop3A_195 : vector<16xf32>
      %parallel_loop3A_197 = arith.index_cast %parallel_loop3A_189 : i32 to index
      %parallel_loop3A_198 = arith.constant 0 : index
      %parallel_loop3A_199 = tpu.vector_load %arg10[%parallel_loop3A_197, %parallel_loop3A_198] {strides = array<i32>} : memref<400x64xf32, #tpu.memory_space<vmem>>, vector<1x16xf32>,
      %parallel_loop3A_200 = vector.shape_cast %parallel_loop3A_199 : vector<1x16xf32> to vector<16xf32>
      %parallel_loop3A_201 = vector.shape_cast %parallel_loop3A_196 : vector<16xf32> to vector<1x16xf32>
      tpu.vector_store %arg10[%parallel_loop3A_197, %parallel_loop3A_198], %parallel_loop3A_201 {strides = array<i32>} : memref<400x64xf32, #tpu.memory_space<vmem>>, vector<1x16xf32>,
      %parallel_loop3A_202 = arith.index_cast %parallel_loop3A_189 : i32 to index
      %parallel_loop3A_203 = arith.constant 16 : index
      %parallel_loop3A_204 = tpu.vector_load %arg10[%parallel_loop3A_202, %parallel_loop3A_203] {strides = array<i32>} : memref<400x64xf32, #tpu.memory_space<vmem>>, vector<1x16xf32>,
      %parallel_loop3A_205 = vector.shape_cast %parallel_loop3A_204 : vector<1x16xf32> to vector<16xf32>
      %parallel_loop3A_206 = arith.constant 8.000000e+00 : f32
      %parallel_loop3A_207 = vector.broadcast %parallel_loop3A_206 : f32 to vector<16xf32>
      %parallel_loop3A_208 = arith.mulf %parallel_loop3A_205, %parallel_loop3A_207 : vector<16xf32>
      %parallel_loop3A_209 = arith.index_cast %parallel_loop3A_189 : i32 to index
      %parallel_loop3A_210 = arith.constant 16 : index
      %parallel_loop3A_211 = tpu.vector_load %arg10[%parallel_loop3A_209, %parallel_loop3A_210] {strides = array<i32>} : memref<400x64xf32, #tpu.memory_space<vmem>>, vector<1x16xf32>,
      %parallel_loop3A_212 = vector.shape_cast %parallel_loop3A_211 : vector<1x16xf32> to vector<16xf32>
      %parallel_loop3A_213 = vector.shape_cast %parallel_loop3A_208 : vector<16xf32> to vector<1x16xf32>
      tpu.vector_store %arg10[%parallel_loop3A_209, %parallel_loop3A_210], %parallel_loop3A_213 {strides = array<i32>} : memref<400x64xf32, #tpu.memory_space<vmem>>, vector<1x16xf32>,
      %parallel_loop3A_214 = arith.index_cast %parallel_loop3A_189 : i32 to index
      %parallel_loop3A_215 = arith.constant 32 : index
      %parallel_loop3A_216 = tpu.vector_load %arg10[%parallel_loop3A_214, %parallel_loop3A_215] {strides = array<i32>} : memref<400x64xf32, #tpu.memory_space<vmem>>, vector<1x16xf32>,
      %parallel_loop3A_217 = vector.shape_cast %parallel_loop3A_216 : vector<1x16xf32> to vector<16xf32>
      %parallel_loop3A_218 = arith.constant 8.000000e+00 : f32
      %parallel_loop3A_219 = vector.broadcast %parallel_loop3A_218 : f32 to vector<16xf32>
      %parallel_loop3A_220 = arith.mulf %parallel_loop3A_217, %parallel_loop3A_219 : vector<16xf32>
      %parallel_loop3A_221 = arith.index_cast %parallel_loop3A_189 : i32 to index
      %parallel_loop3A_222 = arith.constant 32 : index
      %parallel_loop3A_223 = tpu.vector_load %arg10[%parallel_loop3A_221, %parallel_loop3A_222] {strides = array<i32>} : memref<400x64xf32, #tpu.memory_space<vmem>>, vector<1x16xf32>,
      %parallel_loop3A_224 = vector.shape_cast %parallel_loop3A_223 : vector<1x16xf32> to vector<16xf32>
      %parallel_loop3A_225 = vector.shape_cast %parallel_loop3A_220 : vector<16xf32> to vector<1x16xf32>
      tpu.vector_store %arg10[%parallel_loop3A_221, %parallel_loop3A_222], %parallel_loop3A_225 {strides = array<i32>} : memref<400x64xf32, #tpu.memory_space<vmem>>, vector<1x16xf32>,
      %parallel_loop3A_226 = arith.index_cast %parallel_loop3A_189 : i32 to index
      %parallel_loop3A_227 = arith.constant 48 : index
      %parallel_loop3A_228 = tpu.vector_load %arg10[%parallel_loop3A_226, %parallel_loop3A_227] {strides = array<i32>} : memref<400x64xf32, #tpu.memory_space<vmem>>, vector<1x16xf32>,
      %parallel_loop3A_229 = vector.shape_cast %parallel_loop3A_228 : vector<1x16xf32> to vector<16xf32>
      %parallel_loop3A_230 = arith.constant 8.000000e+00 : f32
      %parallel_loop3A_231 = vector.broadcast %parallel_loop3A_230 : f32 to vector<16xf32>
      %parallel_loop3A_232 = arith.mulf %parallel_loop3A_229, %parallel_loop3A_231 : vector<16xf32>
      %parallel_loop3A_233 = arith.index_cast %parallel_loop3A_189 : i32 to index
      %parallel_loop3A_234 = arith.constant 48 : index
      %parallel_loop3A_235 = tpu.vector_load %arg10[%parallel_loop3A_233, %parallel_loop3A_234] {strides = array<i32>} : memref<400x64xf32, #tpu.memory_space<vmem>>, vector<1x16xf32>,
      %parallel_loop3A_236 = vector.shape_cast %parallel_loop3A_235 : vector<1x16xf32> to vector<16xf32>
      %parallel_loop3A_237 = vector.shape_cast %parallel_loop3A_232 : vector<16xf32> to vector<1x16xf32>
      tpu.vector_store %arg10[%parallel_loop3A_233, %parallel_loop3A_234], %parallel_loop3A_237 {strides = array<i32>} : memref<400x64xf32, #tpu.memory_space<vmem>>, vector<1x16xf32>,
    } {sc.loop_unroll_factor = 8 : i64, sc.parallel_access}
    %add3A_135 = arith.constant 24400 : i32
    %add3A_136 = arith.addi %mul3A_2, %add3A_135 : i32
    %dma_start3A_137 = arith.constant 0 : i32
    %dma_start3A_138 = tpu.memref_slice %arg4[%add3A_136, %dma_start3A_137] : memref<819200x64xf32, #tpu.memory_space<hbm>> -> memref<400x64xf32, #tpu.memory_space<hbm>>
    %dma_start3A_139 = arith.constant 0 : i32
    %dma_start3A_140 = tpu.memref_slice %arg4[%add3A_136, %dma_start3A_139] : memref<819200x64xf32, #tpu.memory_space<hbm>> -> memref<400x64xf32, #tpu.memory_space<hbm>>
    tpu.enqueue_dma source(%arg10 : memref<400x64xf32, #tpu.memory_space<vmem>>) target(%dma_start3A_140 : memref<400x64xf32, #tpu.memory_space<hbm>>) target_semaphore(%arg18 : memref<!tpu.dma_semaphore, #tpu.memory_space<semaphore_mem>>)
    %dma_wait3A_141 = arith.constant 0 : i32
    %dma_wait3A_142 = arith.constant 0 : i32
    %dma_wait3A_143 = tpu.memref_slice %arg3[%dma_wait3A_141, %dma_wait3A_142] : memref<1000000x64xf32, #tpu.memory_space<hbm>> -> memref<1000000x64xf32, #tpu.memory_space<hbm>>
    tpu.wait_indirect_dma semaphore(%arg15 : memref<!tpu.dma_semaphore, #tpu.memory_space<semaphore_mem>>) src(%dma_wait3A_143 : memref<1000000x64xf32, #tpu.memory_space<hbm>>) dst(%arg11 : memref<400x64xf32, #tpu.memory_space<vmem>>)
    %parallel_loop3A_144 = arith.constant 0 : i32
    %parallel_loop3A_145 = arith.constant 400 : i32
    %parallel_loop3A_146 = arith.constant 1 : i32
    scf.for %parallel_loop3A_189 = %parallel_loop3A_144 to %parallel_loop3A_145 step %parallel_loop3A_146  : i32 {
      %parallel_loop3A_190 = arith.index_cast %parallel_loop3A_189 : i32 to index
      %parallel_loop3A_191 = arith.constant 0 : index
      %parallel_loop3A_192 = tpu.vector_load %arg11[%parallel_loop3A_190, %parallel_loop3A_191] {strides = array<i32>} : memref<400x64xf32, #tpu.memory_space<vmem>>, vector<1x16xf32>,
      %parallel_loop3A_193 = vector.shape_cast %parallel_loop3A_192 : vector<1x16xf32> to vector<16xf32>
      %parallel_loop3A_194 = arith.constant 8.000000e+00 : f32
      %parallel_loop3A_195 = vector.broadcast %parallel_loop3A_194 : f32 to vector<16xf32>
      %parallel_loop3A_196 = arith.mulf %parallel_loop3A_193, %parallel_loop3A_195 : vector<16xf32>
      %parallel_loop3A_197 = arith.index_cast %parallel_loop3A_189 : i32 to index
      %parallel_loop3A_198 = arith.constant 0 : index
      %parallel_loop3A_199 = tpu.vector_load %arg11[%parallel_loop3A_197, %parallel_loop3A_198] {strides = array<i32>} : memref<400x64xf32, #tpu.memory_space<vmem>>, vector<1x16xf32>,
      %parallel_loop3A_200 = vector.shape_cast %parallel_loop3A_199 : vector<1x16xf32> to vector<16xf32>
      %parallel_loop3A_201 = vector.shape_cast %parallel_loop3A_196 : vector<16xf32> to vector<1x16xf32>
      tpu.vector_store %arg11[%parallel_loop3A_197, %parallel_loop3A_198], %parallel_loop3A_201 {strides = array<i32>} : memref<400x64xf32, #tpu.memory_space<vmem>>, vector<1x16xf32>,
      %parallel_loop3A_202 = arith.index_cast %parallel_loop3A_189 : i32 to index
      %parallel_loop3A_203 = arith.constant 16 : index
      %parallel_loop3A_204 = tpu.vector_load %arg11[%parallel_loop3A_202, %parallel_loop3A_203] {strides = array<i32>} : memref<400x64xf32, #tpu.memory_space<vmem>>, vector<1x16xf32>,
      %parallel_loop3A_205 = vector.shape_cast %parallel_loop3A_204 : vector<1x16xf32> to vector<16xf32>
      %parallel_loop3A_206 = arith.constant 8.000000e+00 : f32
      %parallel_loop3A_207 = vector.broadcast %parallel_loop3A_206 : f32 to vector<16xf32>
      %parallel_loop3A_208 = arith.mulf %parallel_loop3A_205, %parallel_loop3A_207 : vector<16xf32>
      %parallel_loop3A_209 = arith.index_cast %parallel_loop3A_189 : i32 to index
      %parallel_loop3A_210 = arith.constant 16 : index
      %parallel_loop3A_211 = tpu.vector_load %arg11[%parallel_loop3A_209, %parallel_loop3A_210] {strides = array<i32>} : memref<400x64xf32, #tpu.memory_space<vmem>>, vector<1x16xf32>,
      %parallel_loop3A_212 = vector.shape_cast %parallel_loop3A_211 : vector<1x16xf32> to vector<16xf32>
      %parallel_loop3A_213 = vector.shape_cast %parallel_loop3A_208 : vector<16xf32> to vector<1x16xf32>
      tpu.vector_store %arg11[%parallel_loop3A_209, %parallel_loop3A_210], %parallel_loop3A_213 {strides = array<i32>} : memref<400x64xf32, #tpu.memory_space<vmem>>, vector<1x16xf32>,
      %parallel_loop3A_214 = arith.index_cast %parallel_loop3A_189 : i32 to index
      %parallel_loop3A_215 = arith.constant 32 : index
      %parallel_loop3A_216 = tpu.vector_load %arg11[%parallel_loop3A_214, %parallel_loop3A_215] {strides = array<i32>} : memref<400x64xf32, #tpu.memory_space<vmem>>, vector<1x16xf32>,
      %parallel_loop3A_217 = vector.shape_cast %parallel_loop3A_216 : vector<1x16xf32> to vector<16xf32>
      %parallel_loop3A_218 = arith.constant 8.000000e+00 : f32
      %parallel_loop3A_219 = vector.broadcast %parallel_loop3A_218 : f32 to vector<16xf32>
      %parallel_loop3A_220 = arith.mulf %parallel_loop3A_217, %parallel_loop3A_219 : vector<16xf32>
      %parallel_loop3A_221 = arith.index_cast %parallel_loop3A_189 : i32 to index
      %parallel_loop3A_222 = arith.constant 32 : index
      %parallel_loop3A_223 = tpu.vector_load %arg11[%parallel_loop3A_221, %parallel_loop3A_222] {strides = array<i32>} : memref<400x64xf32, #tpu.memory_space<vmem>>, vector<1x16xf32>,
      %parallel_loop3A_224 = vector.shape_cast %parallel_loop3A_223 : vector<1x16xf32> to vector<16xf32>
      %parallel_loop3A_225 = vector.shape_cast %parallel_loop3A_220 : vector<16xf32> to vector<1x16xf32>
      tpu.vector_store %arg11[%parallel_loop3A_221, %parallel_loop3A_222], %parallel_loop3A_225 {strides = array<i32>} : memref<400x64xf32, #tpu.memory_space<vmem>>, vector<1x16xf32>,
      %parallel_loop3A_226 = arith.index_cast %parallel_loop3A_189 : i32 to index
      %parallel_loop3A_227 = arith.constant 48 : index
      %parallel_loop3A_228 = tpu.vector_load %arg11[%parallel_loop3A_226, %parallel_loop3A_227] {strides = array<i32>} : memref<400x64xf32, #tpu.memory_space<vmem>>, vector<1x16xf32>,
      %parallel_loop3A_229 = vector.shape_cast %parallel_loop3A_228 : vector<1x16xf32> to vector<16xf32>
      %parallel_loop3A_230 = arith.constant 8.000000e+00 : f32
      %parallel_loop3A_231 = vector.broadcast %parallel_loop3A_230 : f32 to vector<16xf32>
      %parallel_loop3A_232 = arith.mulf %parallel_loop3A_229, %parallel_loop3A_231 : vector<16xf32>
      %parallel_loop3A_233 = arith.index_cast %parallel_loop3A_189 : i32 to index
      %parallel_loop3A_234 = arith.constant 48 : index
      %parallel_loop3A_235 = tpu.vector_load %arg11[%parallel_loop3A_233, %parallel_loop3A_234] {strides = array<i32>} : memref<400x64xf32, #tpu.memory_space<vmem>>, vector<1x16xf32>,
      %parallel_loop3A_236 = vector.shape_cast %parallel_loop3A_235 : vector<1x16xf32> to vector<16xf32>
      %parallel_loop3A_237 = vector.shape_cast %parallel_loop3A_232 : vector<16xf32> to vector<1x16xf32>
      tpu.vector_store %arg11[%parallel_loop3A_233, %parallel_loop3A_234], %parallel_loop3A_237 {strides = array<i32>} : memref<400x64xf32, #tpu.memory_space<vmem>>, vector<1x16xf32>,
    } {sc.loop_unroll_factor = 8 : i64, sc.parallel_access}
    %add3A_147 = arith.constant 24800 : i32
    %add3A_148 = arith.addi %mul3A_2, %add3A_147 : i32
    %dma_start3A_149 = arith.constant 0 : i32
    %dma_start3A_150 = tpu.memref_slice %arg4[%add3A_148, %dma_start3A_149] : memref<819200x64xf32, #tpu.memory_space<hbm>> -> memref<400x64xf32, #tpu.memory_space<hbm>>
    %dma_start3A_151 = arith.constant 0 : i32
    %dma_start3A_152 = tpu.memref_slice %arg4[%add3A_148, %dma_start3A_151] : memref<819200x64xf32, #tpu.memory_space<hbm>> -> memref<400x64xf32, #tpu.memory_space<hbm>>
    tpu.enqueue_dma source(%arg11 : memref<400x64xf32, #tpu.memory_space<vmem>>) target(%dma_start3A_152 : memref<400x64xf32, #tpu.memory_space<hbm>>) target_semaphore(%arg19 : memref<!tpu.dma_semaphore, #tpu.memory_space<semaphore_mem>>)
    %dma_wait3A_153 = arith.constant 0 : i32
    %dma_wait3A_154 = arith.constant 0 : i32
    %dma_wait3A_155 = tpu.memref_slice %arg3[%dma_wait3A_153, %dma_wait3A_154] : memref<1000000x64xf32, #tpu.memory_space<hbm>> -> memref<1000000x64xf32, #tpu.memory_space<hbm>>
    tpu.wait_indirect_dma semaphore(%arg16 : memref<!tpu.dma_semaphore, #tpu.memory_space<semaphore_mem>>) src(%dma_wait3A_155 : memref<1000000x64xf32, #tpu.memory_space<hbm>>) dst(%arg12 : memref<400x64xf32, #tpu.memory_space<vmem>>)
    %parallel_loop3A_156 = arith.constant 0 : i32
    %parallel_loop3A_157 = arith.constant 400 : i32
    %parallel_loop3A_158 = arith.constant 1 : i32
    scf.for %parallel_loop3A_189 = %parallel_loop3A_156 to %parallel_loop3A_157 step %parallel_loop3A_158  : i32 {
      %parallel_loop3A_190 = arith.index_cast %parallel_loop3A_189 : i32 to index
      %parallel_loop3A_191 = arith.constant 0 : index
      %parallel_loop3A_192 = tpu.vector_load %arg12[%parallel_loop3A_190, %parallel_loop3A_191] {strides = array<i32>} : memref<400x64xf32, #tpu.memory_space<vmem>>, vector<1x16xf32>,
      %parallel_loop3A_193 = vector.shape_cast %parallel_loop3A_192 : vector<1x16xf32> to vector<16xf32>
      %parallel_loop3A_194 = arith.constant 8.000000e+00 : f32
      %parallel_loop3A_195 = vector.broadcast %parallel_loop3A_194 : f32 to vector<16xf32>
      %parallel_loop3A_196 = arith.mulf %parallel_loop3A_193, %parallel_loop3A_195 : vector<16xf32>
      %parallel_loop3A_197 = arith.index_cast %parallel_loop3A_189 : i32 to index
      %parallel_loop3A_198 = arith.constant 0 : index
      %parallel_loop3A_199 = tpu.vector_load %arg12[%parallel_loop3A_197, %parallel_loop3A_198] {strides = array<i32>} : memref<400x64xf32, #tpu.memory_space<vmem>>, vector<1x16xf32>,
      %parallel_loop3A_200 = vector.shape_cast %parallel_loop3A_199 : vector<1x16xf32> to vector<16xf32>
      %parallel_loop3A_201 = vector.shape_cast %parallel_loop3A_196 : vector<16xf32> to vector<1x16xf32>
      tpu.vector_store %arg12[%parallel_loop3A_197, %parallel_loop3A_198], %parallel_loop3A_201 {strides = array<i32>} : memref<400x64xf32, #tpu.memory_space<vmem>>, vector<1x16xf32>,
      %parallel_loop3A_202 = arith.index_cast %parallel_loop3A_189 : i32 to index
      %parallel_loop3A_203 = arith.constant 16 : index
      %parallel_loop3A_204 = tpu.vector_load %arg12[%parallel_loop3A_202, %parallel_loop3A_203] {strides = array<i32>} : memref<400x64xf32, #tpu.memory_space<vmem>>, vector<1x16xf32>,
      %parallel_loop3A_205 = vector.shape_cast %parallel_loop3A_204 : vector<1x16xf32> to vector<16xf32>
      %parallel_loop3A_206 = arith.constant 8.000000e+00 : f32
      %parallel_loop3A_207 = vector.broadcast %parallel_loop3A_206 : f32 to vector<16xf32>
      %parallel_loop3A_208 = arith.mulf %parallel_loop3A_205, %parallel_loop3A_207 : vector<16xf32>
      %parallel_loop3A_209 = arith.index_cast %parallel_loop3A_189 : i32 to index
      %parallel_loop3A_210 = arith.constant 16 : index
      %parallel_loop3A_211 = tpu.vector_load %arg12[%parallel_loop3A_209, %parallel_loop3A_210] {strides = array<i32>} : memref<400x64xf32, #tpu.memory_space<vmem>>, vector<1x16xf32>,
      %parallel_loop3A_212 = vector.shape_cast %parallel_loop3A_211 : vector<1x16xf32> to vector<16xf32>
      %parallel_loop3A_213 = vector.shape_cast %parallel_loop3A_208 : vector<16xf32> to vector<1x16xf32>
      tpu.vector_store %arg12[%parallel_loop3A_209, %parallel_loop3A_210], %parallel_loop3A_213 {strides = array<i32>} : memref<400x64xf32, #tpu.memory_space<vmem>>, vector<1x16xf32>,
      %parallel_loop3A_214 = arith.index_cast %parallel_loop3A_189 : i32 to index
      %parallel_loop3A_215 = arith.constant 32 : index
      %parallel_loop3A_216 = tpu.vector_load %arg12[%parallel_loop3A_214, %parallel_loop3A_215] {strides = array<i32>} : memref<400x64xf32, #tpu.memory_space<vmem>>, vector<1x16xf32>,
      %parallel_loop3A_217 = vector.shape_cast %parallel_loop3A_216 : vector<1x16xf32> to vector<16xf32>
      %parallel_loop3A_218 = arith.constant 8.000000e+00 : f32
      %parallel_loop3A_219 = vector.broadcast %parallel_loop3A_218 : f32 to vector<16xf32>
      %parallel_loop3A_220 = arith.mulf %parallel_loop3A_217, %parallel_loop3A_219 : vector<16xf32>
      %parallel_loop3A_221 = arith.index_cast %parallel_loop3A_189 : i32 to index
      %parallel_loop3A_222 = arith.constant 32 : index
      %parallel_loop3A_223 = tpu.vector_load %arg12[%parallel_loop3A_221, %parallel_loop3A_222] {strides = array<i32>} : memref<400x64xf32, #tpu.memory_space<vmem>>, vector<1x16xf32>,
      %parallel_loop3A_224 = vector.shape_cast %parallel_loop3A_223 : vector<1x16xf32> to vector<16xf32>
      %parallel_loop3A_225 = vector.shape_cast %parallel_loop3A_220 : vector<16xf32> to vector<1x16xf32>
      tpu.vector_store %arg12[%parallel_loop3A_221, %parallel_loop3A_222], %parallel_loop3A_225 {strides = array<i32>} : memref<400x64xf32, #tpu.memory_space<vmem>>, vector<1x16xf32>,
      %parallel_loop3A_226 = arith.index_cast %parallel_loop3A_189 : i32 to index
      %parallel_loop3A_227 = arith.constant 48 : index
      %parallel_loop3A_228 = tpu.vector_load %arg12[%parallel_loop3A_226, %parallel_loop3A_227] {strides = array<i32>} : memref<400x64xf32, #tpu.memory_space<vmem>>, vector<1x16xf32>,
      %parallel_loop3A_229 = vector.shape_cast %parallel_loop3A_228 : vector<1x16xf32> to vector<16xf32>
      %parallel_loop3A_230 = arith.constant 8.000000e+00 : f32
      %parallel_loop3A_231 = vector.broadcast %parallel_loop3A_230 : f32 to vector<16xf32>
      %parallel_loop3A_232 = arith.mulf %parallel_loop3A_229, %parallel_loop3A_231 : vector<16xf32>
      %parallel_loop3A_233 = arith.index_cast %parallel_loop3A_189 : i32 to index
      %parallel_loop3A_234 = arith.constant 48 : index
      %parallel_loop3A_235 = tpu.vector_load %arg12[%parallel_loop3A_233, %parallel_loop3A_234] {strides = array<i32>} : memref<400x64xf32, #tpu.memory_space<vmem>>, vector<1x16xf32>,
      %parallel_loop3A_236 = vector.shape_cast %parallel_loop3A_235 : vector<1x16xf32> to vector<16xf32>
      %parallel_loop3A_237 = vector.shape_cast %parallel_loop3A_232 : vector<16xf32> to vector<1x16xf32>
      tpu.vector_store %arg12[%parallel_loop3A_233, %parallel_loop3A_234], %parallel_loop3A_237 {strides = array<i32>} : memref<400x64xf32, #tpu.memory_space<vmem>>, vector<1x16xf32>,
    } {sc.loop_unroll_factor = 8 : i64, sc.parallel_access}
    %add3A_159 = arith.constant 25200 : i32
    %add3A_160 = arith.addi %mul3A_2, %add3A_159 : i32
    %dma_start3A_161 = arith.constant 0 : i32
    %dma_start3A_162 = tpu.memref_slice %arg4[%add3A_160, %dma_start3A_161] : memref<819200x64xf32, #tpu.memory_space<hbm>> -> memref<400x64xf32, #tpu.memory_space<hbm>>
    %dma_start3A_163 = arith.constant 0 : i32
    %dma_start3A_164 = tpu.memref_slice %arg4[%add3A_160, %dma_start3A_163] : memref<819200x64xf32, #tpu.memory_space<hbm>> -> memref<400x64xf32, #tpu.memory_space<hbm>>
    tpu.enqueue_dma source(%arg12 : memref<400x64xf32, #tpu.memory_space<vmem>>) target(%dma_start3A_164 : memref<400x64xf32, #tpu.memory_space<hbm>>) target_semaphore(%arg20 : memref<!tpu.dma_semaphore, #tpu.memory_space<semaphore_mem>>)
    %add3A_165 = arith.constant 0 : i32
    %add3A_166 = arith.addi %mul3A_2, %add3A_165 : i32
    %dma_wait3A_167 = arith.constant 0 : i32
    %dma_wait3A_168 = tpu.memref_slice %arg4[%add3A_166, %dma_wait3A_167] : memref<819200x64xf32, #tpu.memory_space<hbm>> -> memref<400x64xf32, #tpu.memory_space<hbm>>
    %dma_wait3A_169 = arith.constant 0 : i32
    %dma_wait3A_170 = tpu.memref_slice %arg4[%add3A_166, %dma_wait3A_169] : memref<819200x64xf32, #tpu.memory_space<hbm>> -> memref<400x64xf32, #tpu.memory_space<hbm>>
    tpu.wait_dma2 semaphore(%arg17 : memref<!tpu.dma_semaphore, #tpu.memory_space<semaphore_mem>>) src(%arg9 : memref<400x64xf32, #tpu.memory_space<vmem>>) dst(%dma_wait3A_170 : memref<400x64xf32, #tpu.memory_space<hbm>>)
    %add3A_171 = arith.constant 0 : i32
    %add3A_172 = arith.addi %mul3A_2, %add3A_171 : i32
    %dma_wait3A_173 = arith.constant 0 : i32
    %dma_wait3A_174 = tpu.memref_slice %arg4[%add3A_172, %dma_wait3A_173] : memref<819200x64xf32, #tpu.memory_space<hbm>> -> memref<400x64xf32, #tpu.memory_space<hbm>>
    %dma_wait3A_175 = arith.constant 0 : i32
    %dma_wait3A_176 = tpu.memref_slice %arg4[%add3A_172, %dma_wait3A_175] : memref<819200x64xf32, #tpu.memory_space<hbm>> -> memref<400x64xf32, #tpu.memory_space<hbm>>
    tpu.wait_dma2 semaphore(%arg18 : memref<!tpu.dma_semaphore, #tpu.memory_space<semaphore_mem>>) src(%arg10 : memref<400x64xf32, #tpu.memory_space<vmem>>) dst(%dma_wait3A_176 : memref<400x64xf32, #tpu.memory_space<hbm>>)
    %add3A_177 = arith.constant 0 : i32
    %add3A_178 = arith.addi %mul3A_2, %add3A_177 : i32
    %dma_wait3A_179 = arith.constant 0 : i32
    %dma_wait3A_180 = tpu.memref_slice %arg4[%add3A_178, %dma_wait3A_179] : memref<819200x64xf32, #tpu.memory_space<hbm>> -> memref<400x64xf32, #tpu.memory_space<hbm>>
    %dma_wait3A_181 = arith.constant 0 : i32
    %dma_wait3A_182 = tpu.memref_slice %arg4[%add3A_178, %dma_wait3A_181] : memref<819200x64xf32, #tpu.memory_space<hbm>> -> memref<400x64xf32, #tpu.memory_space<hbm>>
    tpu.wait_dma2 semaphore(%arg19 : memref<!tpu.dma_semaphore, #tpu.memory_space<semaphore_mem>>) src(%arg11 : memref<400x64xf32, #tpu.memory_space<vmem>>) dst(%dma_wait3A_182 : memref<400x64xf32, #tpu.memory_space<hbm>>)
    %add3A_183 = arith.constant 0 : i32
    %add3A_184 = arith.addi %mul3A_2, %add3A_183 : i32
    %dma_wait3A_185 = arith.constant 0 : i32
    %dma_wait3A_186 = tpu.memref_slice %arg4[%add3A_184, %dma_wait3A_185] : memref<819200x64xf32, #tpu.memory_space<hbm>> -> memref<400x64xf32, #tpu.memory_space<hbm>>
    %dma_wait3A_187 = arith.constant 0 : i32
    %dma_wait3A_188 = tpu.memref_slice %arg4[%add3A_184, %dma_wait3A_187] : memref<819200x64xf32, #tpu.memory_space<hbm>> -> memref<400x64xf32, #tpu.memory_space<hbm>>
    tpu.wait_dma2 semaphore(%arg20 : memref<!tpu.dma_semaphore, #tpu.memory_space<semaphore_mem>>) src(%arg12 : memref<400x64xf32, #tpu.memory_space<vmem>>) dst(%dma_wait3A_188 : memref<400x64xf32, #tpu.memory_space<hbm>>)
    return
  }
}

</mosaic_0001>

<sc_bundles>
// kernel: kernel.3.cloned.1.call-start
scs
__scs_entry_jumppad:
0x0: {  	(pc) =	sbr.rel $0x88, $3  }
0x1: {  	(tag) =	ssettag $0x0;
	lr =	simm.s32 $0x1  }
0x2: {  	[smem:$0x3F9F] =	sst lr;
	_ =	strace $0xD0000000  }
0x3: {  	_ = 	snop  }
0x4: {  	_ = 	snop  }
0x5: {  	_ = 	snop  }
0x6: {  	_ = 	snop  }
0x7: {  	_ = 	snop  }
__scs_overlays_trampoline_lowered:
0x8: {  	[smem:$0x3FAE] =	sst s0  }
0x9: {  	[smem:$0x3FAF] =	sst s1  }
0xa: {  	[smem:$0x3FB0] =	sst s2  }
0xb: {  	[smem:$0x3FB1] =	sst s3  }
0xc: {  	[smem:$0x3FB2] =	sst s4  }
0xd: {  	[smem:$0x3FB3] =	sst s5  }
0xe: {  	[smem:$0x3FB4] =	sst s6  }
0xf: {  	[smem:$0x3FB5] =	sst s7  }
0x10: {  	[smem:$0x3FB6] =	sst s8  }
0x11: {  	[smem:$0x3FB7] =	sst s9;
	s0 =	simm.s32 @!p0 $0x0  }
0x12: {  	s1 =	sld [smem:$0x3F9D];
	s0 =	simm.s32 @p0 $0x1  }
0x13: {  	[smem:$0x3FB8] =	sst s0;
	s0 =	simm.s32 @!p1 $0x0  }
0x14: {  	s2 =	sld [smem:$0x3F9C];
	s0 =	simm.s32 @p1 $0x1  }
0x15: {  	[smem:$0x3FB9] =	sst s0;
	s0 =	simm.s32 @!p2 $0x0  }
0x16: {  	s3 =	sld [smem:$0x3FDB];
	s0 =	simm.s32 @p2 $0x1  }
0x17: {  	s4 =	simm.s32 $0x1BF5;
	[smem:$0x3FBB] =	sst s0  }
0x18: {  	s0 =	sld [smem:$0x3F9E];
	_ =	swait.ge [sflag:s4], $0x0  }
0x19: {  	s7 =	sld [smem:$0x3F9F]  }
0x1a: {  	s8 =	sadd.s32 $0xFFFFE003, lr  }
0x1b: {  	s9 =	sadd.s32 $0xFFFFFEF7, lr;
	s5 =	simm.s32 $0xFFFFFFFF;
	p2 =	slt.u32 s8, $0xFFFFF086  }
0x1c: {  	p1 =	slt.u32 s9, $0xF7A;
	s5 =	simm.s32 @!p2 $0x0  }
0x1d: {  	s5 =	simm.s32 @p1 $0x1;
	p0 =	seq.s32 s7, s2  }
0x1e: {  	s7 =	smul.u32 @!p0 $0xF7A, s2;
	p2 =	seq.s32 @!p0 s5, $0x0  }
0x1f: {  	s9 =	smul.u32 $0xF7A, s1;
	s8 =	simm.s32 @!p0 $0x1BF5;
	p2 =	por !p2, p0  }
0x20: {  	[sflag:s8] =	ssyncset.s32 @!p0 $0xFFFFF086;
	s6 =	sadd.s32 @!p0 s3, s7;
	s7 =	simm.s32 @!p0 $0x108  }
0x21: {  	s3 =	sadd.s32 s3, s9;
	s6 =	sadd.s32 @!p0 $0x88, s6;
	s7 =	simm.s32 @p2 $0x1082  }
0x22: {  	[simem:s7], [sflag:s8] =	dma.local @!p0 [hbm:s6], $0xF7A  }
0x23: {  	s9 =	sor.u32 $0xD0000000, s2;
	s6 =	simm.s32 $0x108;
	_ =	swait.ge @!p0 [sflag:s8], $0x0  }
0x24: {  	s3 =	sadd.s32 $0x88, s3;
	s6 =	simm.s32 @!p1 $0x1082;
	[sflag:s4] =	ssyncset.s32 $0xFFFFF086  }
0x25: {  	[simem:s6], [sflag:s4] =	dma.local [hbm:s3], $0xF7A  }
0x26: {  	[smem:$0x3F9F] =	sst s1;
	(tag) =	ssettag s2;
	_ =	strace s9  }
0x27: {  	s1 =	sld [smem:$0x3FAF]  }
0x28: {  	s2 =	sld [smem:$0x3FB0]  }
0x29: {  	s4 =	sld [smem:$0x3FB2]  }
0x2a: {  	p0 =	seq.s32 s5, $0x0;
	s5 =	sld [smem:$0x3FB3]  }
0x2b: {  	s6 =	sld [smem:$0x3FB4]  }
0x2c: {  	s7 =	sld [smem:$0x3FB5]  }
0x2d: {  	s3 =	simm.s32 $0x108;
	s8 =	sld [smem:$0x3FB6]  }
0x2e: {  	s3 =	simm.s32 @!p0 $0x1082;
	s9 =	sld [smem:$0x3FB7]  }
0x2f: {  	lr =	sadd.s32 s0, s3;
	s0 =	sld [smem:$0x3FAE]  }
0x30: {  	s3 =	sld [smem:$0x3FB1]  }
0x31: {  	[smem:$0x3FBA] =	sst s10  }
0x32: {  	s10 =	sld [smem:$0x3FB8];
	_ =	sdelay $0x3  }
0x33: {  	p0 =	seq.s32 s10, $0x1;
	s10 =	sld [smem:$0x3FBA];
	_ =	sdelay $0x3  }
0x34: {  	[smem:$0x3FBA] =	sst s10  }
0x35: {  	s10 =	sld [smem:$0x3FB9];
	_ =	sdelay $0x3  }
0x36: {  	p1 =	seq.s32 s10, $0x1;
	s10 =	sld [smem:$0x3FBA];
	_ =	sdelay $0x3  }
0x37: {  	[smem:$0x3FBA] =	sst s10  }
0x38: {  	s10 =	sld [smem:$0x3FBB]  }
0x39: {  	_ = 	snop;
	(pc) =	sbr.ind lr, $3  }
0x3a: {  	_ = 	snop  }
0x3b: {  	_ = 	snop  }
0x3c: {  	p2 =	seq.s32 s10, $0x1;
	s10 =	sld [smem:$0x3FBA]  }
0x3d: {  	_ =	shalt  }
0x3e: {  	_ =	shalt  }
0x3f: {  	_ =	shalt  }
0x40: {  	_ =	shalt  }
0x41: {  	_ =	shalt  }
0x42: {  	_ =	shalt  }
0x43: {  	_ =	shalt  }
0x44: {  	_ =	shalt  }
0x45: {  	_ =	shalt  }
0x46: {  	_ =	shalt  }
0x47: {  	_ =	shalt  }
0x48: {  	_ =	shalt  }
0x49: {  	_ =	shalt  }
0x4a: {  	_ =	shalt  }
0x4b: {  	_ =	shalt  }
0x4c: {  	_ =	shalt  }
0x4d: {  	_ =	shalt  }
0x4e: {  	_ =	shalt  }
0x4f: {  	_ =	shalt  }
0x50: {  	_ =	shalt  }
0x51: {  	_ =	shalt  }
0x52: {  	_ =	shalt  }
0x53: {  	_ =	shalt  }
0x54: {  	_ =	shalt  }
0x55: {  	_ =	shalt  }
0x56: {  	_ =	shalt  }
0x57: {  	_ =	shalt  }
0x58: {  	_ =	shalt  }
0x59: {  	_ =	shalt  }
0x5a: {  	_ =	shalt  }
0x5b: {  	_ =	shalt  }
0x5c: {  	_ =	shalt  }
0x5d: {  	_ =	shalt  }
0x5e: {  	_ =	shalt  }
0x5f: {  	_ =	shalt  }
0x60: {  	_ =	shalt  }
0x61: {  	_ =	shalt  }
0x62: {  	_ =	shalt  }
0x63: {  	_ =	shalt  }
0x64: {  	_ =	shalt  }
0x65: {  	_ =	shalt  }
0x66: {  	_ =	shalt  }
0x67: {  	_ =	shalt  }
0x68: {  	_ =	shalt  }
0x69: {  	_ =	shalt  }
0x6a: {  	_ =	shalt  }
0x6b: {  	_ =	shalt  }
0x6c: {  	_ =	shalt  }
0x6d: {  	_ =	shalt  }
0x6e: {  	_ =	shalt  }
0x6f: {  	_ =	shalt  }
0x70: {  	_ =	shalt  }
0x71: {  	_ =	shalt  }
0x72: {  	_ =	shalt  }
0x73: {  	_ =	shalt  }
0x74: {  	_ =	shalt  }
0x75: {  	_ =	shalt  }
0x76: {  	_ =	shalt  }
0x77: {  	_ =	shalt  }
0x78: {  	_ =	shalt  }
0x79: {  	_ =	shalt  }
0x7a: {  	_ =	shalt  }
0x7b: {  	_ =	shalt  }
0x7c: {  	_ =	shalt  }
0x7d: {  	_ =	shalt  }
0x7e: {  	_ =	shalt  }
0x7f: {  	_ =	shalt  }
0x80: {  	_ =	shalt  }
0x81: {  	_ =	shalt  }
0x82: {  	_ =	shalt  }
0x83: {  	_ =	shalt  }
0x84: {  	_ =	shalt  }
0x85: {  	_ =	shalt  }
0x86: {  	_ =	shalt  }
0x87: {  	_ =	shalt  }
.Lfunc_end0:
.L_simem_size_0:
called_computation.1_lowered:
.L_overlay_start_0:
0x88: {  	s2 =	sld [smem:$0x3FD9]  }
0x89: {  	s3 =	sld [smem:$0x3FFE];
	_ =	sdelay $0x1  }
0x8a: {  	s1 =	srdreg.scid  }
0x8b: {  	s0 =	sand.u32 $0x1, s1  }
0x8c: {  	s17 =	sshll.u32 s0, $0xA;
	s2 =	sadd.s32 s3, s2  }
0x8d: {  	s2 =	sadd.s32 s2, s17  }
0x8e: {  	[smem:$0x3FC6] =	sst s2  }
0x8f: {  	_ = 	snop  }
0x90: {  	s2 =	sld [smem:$0x3FD0];
	(tm) =	ssettm $0x1  }
0x91: {  	s18 =	sld [smem:$0x3FFB];
	_ =	sdelay $0x3  }
0x92: {  	_ =	strace s18  }
0x93: {  	s3 =	sld [smem:$0x3FFC];
	_ =	sdelay $0x3  }
0x94: {  	_ =	strace s3  }
0x95: {  	s3 =	sld [smem:$0x3FFD];
	_ =	sdelay $0x3  }
0x96: {  	_ =	strace s3  }
0x97: {  	_ =	strace $0x8FFFFFFF  }
0x98: {  	s19 =	sld [smem:$0x3FDB];
	_ =	sdelay $0x1  }
0x99: {  	s4 =	simm.s32 $_scs_section_size  }
0x9a: {  	s5 =	simm.s32 $_size__tile_overlayer_lowered;
	s6 =	simm.s32 $_tile_overlayer_lowered  }
0x9b: {  	s22 =	simm.s32 $0x1BFF;
	s21 =	sshll.u32 s6, $0x1;
	s3 =	sadd.s32 s4, s19  }
0x9c: {  	s7 =	simm.s32 $0x0;
	s20 =	sshll.u32 s5, $0x1;
	s5 =	sadd.s32 s21, s3  }
0x9d: {  	[timem:s7], [sflag:s22] =	dma.local [hbm:s5], s20  }
0x9e: {  	_ =	swait.ge [sflag:s22], s20  }
0x9f: {  	s4 =	ssub.s32 $0x0, s20;
	[sflag:s22] =	ssyncset.done $0x0  }
0xa0: {  	[sflag:s22] =	ssyncadd.s32 s4;
	_ =	sdelay $0x1  }
0xa1: {  	s23 =	simm.s32 $0x1B8B  }
0xa2: {  	_ =	swait.ge [sflag:s23], $0x1  }
0xa3: {  	[sflag:s23] =	ssyncset.done $0x0  }
0xa4: {  	s25 =	simm.s32 $0x1B8E;
	s24 =	sld [smem:$0x3FFE];
	[sflag:s23] =	ssyncadd.s32 $0xFFFFFFFF  }
0xa5: {  	s26 =	simm.s32 $execute0_lowered;
	[smem:$0x3FD2] =	sst s25  }
0xa6: {  	s5 =	sshll.u32 s26, $0x1;
	_ =	strace $0x80000046;
	[dreg:$0x1] =	wrdreg $0xFFFFFFFF  }
0xa7: {  	s28 =	simm.s32 $_size_execute0_lowered;
	s3 =	sadd.s32 s3, s5;
	[dreg:$0x0] =	wrdreg $0x0  }
0xa8: {  	s5 =	sshll.u32 s28, $0x1;
	[dreg:$0x2] =	wrdreg s3  }
0xa9: {  	[dreg:$0x3] =	wrdreg s5  }
0xaa: {  	[dreg:$0x4] =	wrdreg $0xC0  }
0xab: {  	_ =	task [dreg:s7], $0x5FFFF  }
0xac: {  	[dreg:$0x1] =	wrdreg $0xFFFFFFFF  }
0xad: {  	[dreg:$0x0] =	wrdreg $0x60  }
0xae: {  	[dreg:$0x2] =	wrdreg s24  }
0xaf: {  	[dreg:$0x3] =	wrdreg s2  }
0xb0: {  	[dreg:$0x4] =	wrdreg $0x9  }
0xb1: {  	_ =	task.clear_ibuf [dreg:s7], $0x5FFFF;
	_ =	strace $0x90000046  }
0xb2: {  	s29 =	simm.s32 $0x9;
	_ =	strace $0x80000048  }
0xb3: {  	_ =	swait.ge [sflag:s29], $0x1  }
0xb4: {  	[sflag:s29] =	ssyncadd.s32 $0xFFFFFFFF  }
0xb5: {  	_ =	strace $0x90000048  }
0xb6: {  	_ =	sfence  }
0xb7: {  	s30 =	sld [smem:$0x0];
	_ =	sdelay $0x2  }
0xb8: {  	s31 =	sshll.u32 s1, $0xD;
	s1 =	sshrl.u32 s1, $0x2  }
0xb9: {  	s3 =	sand.u32 $0x4000, s31;
	s1 =	sadd.s32 s1, s30  }
0xba: {  	s0 =	sor.u32 s3, s0;
	s1 =	sshll.u32 s1, $0x11  }
0xbb: {  	s0 =	sor.u32 s1, s0  }
0xbc: {  	s0 =	sadd.s32 $0x8F2B, s0  }
0xbd: {  	[sflag:s0] =	ssyncadd.remote.s32 $0x1  }
0xbe: {  	_ =	sfence.sel $0xFFFF  }
0xbf: {  	[dreg:$0x0] =	wrdreg $0xFFFFFFFF;
	(pc) =	sbr.abs _section_cstart, $3  }
0xc0: {  	[dreg:$0x1] =	wrdreg $0xFFFFFFFF  }
0xc1: {  	_ =	task.clear_ibuf [dreg:s7], $0x2FFFF;
	_ =	strace $0x9FFFFFFF  }
0xc2: {  	(tm) =	ssettm $0x7FFFFFFF  }
0xc3: {  	_ =	shalt  }
tec
execute0_lowered:
.L_overlay_start_1:
0x0: {  	(tag) =	ssettag $0x1  }
0x1: {  	s0 =	rddreg [dreg:$0x0];
	s1 =	srdreg.scid  }
0x2: {  	s3 =	stileid.u32;
	s2 =	rddreg [dreg:$0x1]  }
0x3: {  	s30 =	simm.s32 $0x9;
	s1 =	sand.u32 $0x1, s1;
	s4 =	sshll.u32 s3, $0x1  }
0x4: {  	s31 =	simm.s32 $0x190;
	s3 =	simm.s32 $0x0;
	s7 =	sor.u32 s1, s4  }
0x5: {  	s5 =	sadd.s32 $0xA00, s0;
	s6 =	sadd.s32 $0xF42E00, s0;
	s13 =	smul.u32 $0x6400, s7  }
0x6: {  	[smem:$0x7FF] =	sst s3;
	s1 =	ssub.s32 $0x2, s1;
	s9 =	smul.u32 $0x32000, s7  }
0x7: {  	_ =	strace $0x80000047;
	s8 =	sshrl.u32 s1, $0x1;
	s7 =	smul.u32 $0x190000, s7  }
0x8: {  	s0 =	ssub.s32 s1, s8;
	s26 =	sshrl.u32 s13, $0x3;
	s10 =	sor.u32 $0x190, s13  }
0x9: {  	s11 =	sor.u32 $0x320, s13;
	s14 =	sadd.s32 $0x4B0, s13;
	s8 =	sadd.s32 s2, s9  }
0xa: {  	s16 =	sadd.s32 $0x640, s13;
	s18 =	sadd.s32 $0x7D0, s13;
	s22 =	sadd.s32 $0x60E0, s13  }
0xb: {  	s23 =	sadd.s32 $0x6270, s13;
	s7 =	sshrl.u32 s7, $0x3;
	s0 =	smax.u32 s0, $0x1  }
0xc: {  	s1 =	sadd.s32 s5, s26;
	s28 =	sshrl.u32 s10, $0x3;
	[dreg:$0x6] =	wrdreg s8  }
0xd: {  	s29 =	sshrl.u32 s11, $0x3;
	s9 =	sshrl.u32 s14, $0x3;
	[dreg:$0x9] =	wrdreg s10  }
0xe: {  	s12 =	sshll.u32 s10, $0x3;
	[dreg:$0xa] =	wrdreg s16;
	s17 =	sshll.u32 s11, $0x3  }
0xf: {  	s20 =	sshrl.u32 s18, $0x3;
	s21 =	sshll.u32 s14, $0x3;
	s24 =	sshrl.u32 s22, $0x3  }
0x10: {  	s25 =	sshrl.u32 s23, $0x3;
	s7 =	sadd.s32 s2, s7;
	s8 =	sshll.u32 s23, $0x3  }
0x11: {  	[dreg:$0x15] =	wrdreg s0;
	s0 =	simm.s32 $0x6A40;
	s10 =	simm.s32 $0xCE40  }
0x12: {  	s23 =	simm.s32 $0x8;
	[dreg:$0x3] =	wrdreg s1;
	s1 =	sadd.s32 s5, s28  }
0x13: {  	s4 =	sadd.s32 s5, s29;
	s15 =	sadd.s32 s2, s12;
	[dreg:$0x4] =	wrdreg s1  }
0x14: {  	s19 =	sadd.s32 s2, s17;
	s12 =	smov.u32 s18;
	[dreg:$0x5] =	wrdreg s4  }
0x15: {  	s17 =	smov.u32 s14;
	s26 =	sadd.s32 s5, s25;
	[dreg:$0x8] =	wrdreg s15  }
0x16: {  	s28 =	sadd.s32 $0x2EE00, s7;
	s7 =	sadd.s32 $0x2FA80, s7;
	[dreg:$0xc] =	wrdreg s19  }
0x17: {  	s29 =	sadd.s32 s2, s8;
	s14 =	simm.s32 $0x13240;
	[dreg:$0x10] =	wrdreg s26  }
0x18: {  	s18 =	simm.s32 $0x5;
	s1 =	sadd.s32 s5, s9;
	[dreg:$0x11] =	wrdreg s28  }
0x19: {  	s4 =	smov.u32 s11;
	s9 =	sadd.s32 s5, s24;
	[dreg:$0x12] =	wrdreg s7  }
0x1a: {  	[dreg:$0x14] =	wrdreg s29;
	s7 =	simm.s32 $0x320;
	s11 =	simm.s32 $0x1  }
0x1b: {  	s15 =	simm.s32 $0x2;
	[dreg:$0x7] =	wrdreg s1;
	s1 =	sshrl.u32 s16, $0x3  }
0x1c: {  	s19 =	simm.s32 $0x3;
	[dreg:$0xf] =	wrdreg s9;
	s1 =	sadd.s32 s5, s1  }
0x1d: {  	s16 =	smov.u32 s13;
	[dreg:$0xb] =	wrdreg s1;
	s1 =	sadd.s32 s5, s20  }
0x1e: {  	s13 =	simm.s32 $0x4B0;
	[dreg:$0xd] =	wrdreg s1;
	s1 =	sadd.s32 s2, s21  }
0x1f: {  	s9 =	simm.s32 $0x0;
	[dreg:$0xe] =	wrdreg s1;
	s1 =	sshll.u32 s22, $0x3  }
0x20: {  	s20 =	simm.s32 $0x6;
	s21 =	simm.s32 $0x4;
	s1 =	sadd.s32 s2, s1  }
0x21: {  	s22 =	simm.s32 $0x7;
	[dreg:$0x13] =	wrdreg s1;
	s1 =	simm.s32 $0x640  }
.LBB2_1:
0x22: {  	s8 =	rddreg [dreg:$0x3]  }
0x23: {  	[tilespmem:s3], [sflag:$0x9] =	stream.linear.gather [hbm4b:s8+s3], $0x190, $0x38;
	[tilespmem:$0x19640] =	vst v63  }
0x24: {  	_ =	swait.ge [sflag:s30], $0x190  }
0x25: {  	[sflag:s30] =	ssyncset.done $0x0  }
0x26: {  	[sflag:s30] =	ssyncadd.s32 $0xFFFFFE70  }
0x27: {  	[tilespmem:s1], [sflag:$0x1] =	stream.indirect.gather [hbm4b:s6+s31], $0x40, s3, s31, $0xb8;
	[tilespmem:$0x19640] =	vst v63  }
0x28: {  	s28 =	rddreg [dreg:$0x4]  }
0x29: {  	[tilespmem:s31], [sflag:$0x9] =	stream.linear.gather [hbm4b:s28+s3], $0x190, $0x38;
	[tilespmem:$0x19640] =	vst v63  }
0x2a: {  	_ =	swait.ge [sflag:s30], $0x190  }
0x2b: {  	[sflag:s30] =	ssyncset.done $0x0  }
0x2c: {  	[sflag:s30] =	ssyncadd.s32 $0xFFFFFE70  }
0x2d: {  	[tilespmem:s0], [sflag:$0x2] =	stream.indirect.gather [hbm4b:s6+s31], $0x40, s31, s31, $0xb8;
	[tilespmem:$0x19640] =	vst v63  }
0x2e: {  	s29 =	rddreg [dreg:$0x5]  }
0x2f: {  	[tilespmem:s7], [sflag:$0x9] =	stream.linear.gather [hbm4b:s29+s3], $0x190, $0x38;
	[tilespmem:$0x19640] =	vst v63  }
0x30: {  	_ =	swait.ge [sflag:s30], $0x190  }
0x31: {  	[sflag:s30] =	ssyncset.done $0x0  }
0x32: {  	[sflag:s30] =	ssyncadd.s32 $0xFFFFFE70  }
0x33: {  	[tilespmem:s10], [sflag:$0x3] =	stream.indirect.gather [hbm4b:s6+s31], $0x40, s7, s31, $0xb8;
	[tilespmem:$0x19640] =	vst v63  }
0x34: {  	_ =	swait.ge [sflag:s11], $0x6400  }
0x35: {  	[sflag:s11] =	ssyncset.done $0x0  }
0x36: {  	s24 =	simm.s32 $0x740;
	[sflag:s11] =	ssyncadd.s32 $0xFFFF9C00  }
0x37: {  	v0 =	vld [tilespmem:s24+$0xF0]  }
0x38: {  	v1 =	vld [tilespmem:s24+$0xFFFFFF10]  }
0x39: {  	v2 =	vld [tilespmem:s24+$0xFFFFFF20]  }
0x3a: {  	v3 =	vld [tilespmem:s24+$0xFFFFFF30]  }
0x3b: {  	v4 =	vld [tilespmem:s24+$0xFFFFFF40]  }
0x3c: {  	v5 =	vld [tilespmem:s24+$0xFFFFFF50];
	v0 =	vmul.f32 $8.000000000e+00, v0  }
0x3d: {  	v6 =	vld [tilespmem:s24+$0xFFFFFF60];
	v1 =	vmul.f32 $8.000000000e+00, v1  }
0x3e: {  	v7 =	vld [tilespmem:s24+$0xFFFFFF70];
	v2 =	vmul.f32 $8.000000000e+00, v2;
	[tilespmem:s24+$0xF0] =	vst v0  }
0x3f: {  	[tilespmem:s24+$0xFFFFFF10] =	vst v1;
	v0 =	vmul.f32 $8.000000000e+00, v3;
	v1 =	vld [tilespmem:s24+$0xFFFFFF80]  }
0x40: {  	[tilespmem:s24+$0xFFFFFF20] =	vst v2;
	v2 =	vmul.f32 $8.000000000e+00, v4;
	v3 =	vld [tilespmem:s24+$0xFFFFFF90]  }
0x41: {  	v4 =	vld [tilespmem:s24+$0xFFFFFFA0];
	[tilespmem:s24+$0xFFFFFF30] =	vst v0;
	v0 =	vmul.f32 $8.000000000e+00, v5  }
0x42: {  	[tilespmem:s24+$0xFFFFFF40] =	vst v2;
	v2 =	vmul.f32 $8.000000000e+00, v6;
	v5 =	vld [tilespmem:s24+$0xFFFFFFB0]  }
0x43: {  	v6 =	vld [tilespmem:s24+$0xFFFFFFC0];
	[tilespmem:s24+$0xFFFFFF50] =	vst v0;
	v0 =	vmul.f32 $8.000000000e+00, v7  }
0x44: {  	[tilespmem:s24+$0xFFFFFF60] =	vst v2;
	v2 =	vld [tilespmem:s24+$0xFFFFFFD0];
	v1 =	vmul.f32 $8.000000000e+00, v1  }
0x45: {  	[tilespmem:s24+$0xFFFFFF70] =	vst v0;
	v0 =	vmul.f32 $8.000000000e+00, v3;
	v3 =	vld [tilespmem:s24+$0xFFFFFFE0]  }
0x46: {  	[tilespmem:s24+$0xFFFFFF80] =	vst v1;
	v1 =	vmul.f32 $8.000000000e+00, v4;
	v4 =	vld [tilespmem:s24+$0xFFFFFFF0]  }
0x47: {  	[tilespmem:s24+$0xFFFFFF90] =	vst v0;
	v0 =	vmul.f32 $8.000000000e+00, v5;
	v5 =	vld [tilespmem:s24+$0x0]  }
0x48: {  	[tilespmem:s24+$0xFFFFFFA0] =	vst v1;
	v1 =	vmul.f32 $8.000000000e+00, v6;
	v6 =	vld [tilespmem:s24+$0x10]  }
0x49: {  	[tilespmem:s24+$0xFFFFFFB0] =	vst v0;
	v0 =	vmul.f32 $8.000000000e+00, v2;
	v2 =	vld [tilespmem:s24+$0x20]  }
0x4a: {  	[tilespmem:s24+$0xFFFFFFC0] =	vst v1;
	v1 =	vmul.f32 $8.000000000e+00, v3;
	v3 =	vld [tilespmem:s24+$0x30]  }
0x4b: {  	[tilespmem:s24+$0xFFFFFFD0] =	vst v0;
	v0 =	vmul.f32 $8.000000000e+00, v4;
	v4 =	vld [tilespmem:s24+$0x40]  }
0x4c: {  	[tilespmem:s24+$0xFFFFFFE0] =	vst v1;
	v1 =	vmul.f32 $8.000000000e+00, v5;
	v5 =	vld [tilespmem:s24+$0x50]  }
0x4d: {  	[tilespmem:s24+$0xFFFFFFF0] =	vst v0;
	v0 =	vmul.f32 $8.000000000e+00, v6;
	v6 =	vld [tilespmem:s24+$0x60]  }
0x4e: {  	[tilespmem:s24+$0x0] =	vst v1;
	v1 =	vmul.f32 $8.000000000e+00, v2;
	v2 =	vld [tilespmem:s24+$0x70]  }
0x4f: {  	[tilespmem:s24+$0x10] =	vst v0;
	v0 =	vmul.f32 $8.000000000e+00, v3;
	v3 =	vld [tilespmem:s24+$0x80]  }
0x50: {  	[tilespmem:s24+$0x20] =	vst v1;
	v1 =	vmul.f32 $8.000000000e+00, v4;
	v4 =	vld [tilespmem:s24+$0x90]  }
0x51: {  	v7 =	vld [tilespmem:s24+$0xA0];
	[tilespmem:s24+$0x30] =	vst v0;
	v5 =	vmul.f32 $8.000000000e+00, v5  }
0x52: {  	v0 =	vld [tilespmem:s24+$0xB0];
	[tilespmem:s24+$0x40] =	vst v1;
	v6 =	vmul.f32 $8.000000000e+00, v6  }
0x53: {  	v1 =	vld [tilespmem:s24+$0xC0];
	[tilespmem:s24+$0x50] =	vst v5;
	v5 =	vmul.f32 $8.000000000e+00, v2  }
0x54: {  	v2 =	vld [tilespmem:s24+$0xD0];
	[tilespmem:s24+$0x60] =	vst v6;
	v6 =	vmul.f32 $8.000000000e+00, v3  }
0x55: {  	v3 =	vld [tilespmem:s24+$0xE0];
	[tilespmem:s24+$0x70] =	vst v5;
	v5 =	vmul.f32 $8.000000000e+00, v4  }
0x56: {  	s25 =	simm.s32 $0x0;
	s8 =	simm.s32 $0x940;
	v4 =	vld [tilespmem:s24+$0xFFFFFF00];
	[tilespmem:s24+$0x80] =	vst v6;
	v6 =	vmul.f32 $8.000000000e+00, v7  }
.LBB2_2:
0x57: {  	v7 =	vld [tilespmem:s8+$0xF0];
	s25 =	sadd.s32 $0x8, s25;
	[tilespmem:s24+$0x90] =	vst v5;
	v0 =	vmul.f32 $8.000000000e+00, v0  }
0x58: {  	v5 =	vld [tilespmem:s8+$0xFFFFFF10];
	p0 =	slt.u32 s25, $0x188;
	[tilespmem:s24+$0xA0] =	vst v6;
	v1 =	vmul.f32 $8.000000000e+00, v1  }
0x59: {  	v6 =	vld [tilespmem:s8+$0xFFFFFF20];
	[tilespmem:s24+$0xB0] =	vst v0;
	v0 =	vmul.f32 $8.000000000e+00, v2  }
0x5a: {  	v2 =	vld [tilespmem:s8+$0xFFFFFF30];
	[tilespmem:s24+$0xC0] =	vst v1;
	v1 =	vmul.f32 $8.000000000e+00, v3  }
0x5b: {  	v3 =	vld [tilespmem:s8+$0xFFFFFF40];
	v4 =	vmul.f32 $8.000000000e+00, v4;
	[tilespmem:s24+$0xD0] =	vst v0  }
0x5c: {  	v0 =	vld [tilespmem:s8+$0xFFFFFF50];
	v7 =	vmul.f32 $8.000000000e+00, v7;
	[tilespmem:s24+$0xE0] =	vst v1  }
0x5d: {  	v1 =	vmul.f32 $8.000000000e+00, v5;
	v5 =	vld [tilespmem:s8+$0xFFFFFF60];
	[tilespmem:s24+$0xFFFFFF00] =	vst v4;
	s24 =	smov.u32 s8  }
0x5e: {  	v4 =	vmul.f32 $8.000000000e+00, v6;
	v6 =	vld [tilespmem:s8+$0xFFFFFF70];
	[tilespmem:s8+$0xF0] =	vst v7  }
0x5f: {  	[tilespmem:s8+$0xFFFFFF10] =	vst v1;
	v1 =	vmul.f32 $8.000000000e+00, v2;
	v2 =	vld [tilespmem:s8+$0xFFFFFF80]  }
0x60: {  	[tilespmem:s8+$0xFFFFFF20] =	vst v4;
	v3 =	vmul.f32 $8.000000000e+00, v3;
	v4 =	vld [tilespmem:s8+$0xFFFFFF90]  }
0x61: {  	[tilespmem:s8+$0xFFFFFF30] =	vst v1;
	v0 =	vmul.f32 $8.000000000e+00, v0;
	v1 =	vld [tilespmem:s8+$0xFFFFFFA0]  }
0x62: {  	[tilespmem:s8+$0xFFFFFF40] =	vst v3;
	v3 =	vmul.f32 $8.000000000e+00, v5;
	v5 =	vld [tilespmem:s8+$0xFFFFFFB0]  }
0x63: {  	[tilespmem:s8+$0xFFFFFF50] =	vst v0;
	v0 =	vmul.f32 $8.000000000e+00, v6;
	v6 =	vld [tilespmem:s8+$0xFFFFFFC0]  }
0x64: {  	[tilespmem:s8+$0xFFFFFF60] =	vst v3;
	v2 =	vmul.f32 $8.000000000e+00, v2;
	v3 =	vld [tilespmem:s8+$0xFFFFFFD0]  }
0x65: {  	[tilespmem:s8+$0xFFFFFF70] =	vst v0;
	v0 =	vmul.f32 $8.000000000e+00, v4;
	v4 =	vld [tilespmem:s8+$0xFFFFFFE0]  }
0x66: {  	[tilespmem:s8+$0xFFFFFF80] =	vst v2;
	v1 =	vmul.f32 $8.000000000e+00, v1;
	v2 =	vld [tilespmem:s8+$0xFFFFFFF0]  }
0x67: {  	[tilespmem:s8+$0xFFFFFF90] =	vst v0;
	v0 =	vmul.f32 $8.000000000e+00, v5;
	v5 =	vld [tilespmem:s8+$0x0]  }
0x68: {  	[tilespmem:s8+$0xFFFFFFA0] =	vst v1;
	v1 =	vmul.f32 $8.000000000e+00, v6;
	v6 =	vld [tilespmem:s8+$0x10]  }
0x69: {  	[tilespmem:s8+$0xFFFFFFB0] =	vst v0;
	v0 =	vmul.f32 $8.000000000e+00, v3;
	v3 =	vld [tilespmem:s8+$0x20]  }
0x6a: {  	[tilespmem:s8+$0xFFFFFFC0] =	vst v1;
	v1 =	vmul.f32 $8.000000000e+00, v4;
	v4 =	vld [tilespmem:s8+$0x30]  }
0x6b: {  	[tilespmem:s8+$0xFFFFFFD0] =	vst v0;
	v0 =	vmul.f32 $8.000000000e+00, v2;
	v2 =	vld [tilespmem:s8+$0x40]  }
0x6c: {  	[tilespmem:s8+$0xFFFFFFE0] =	vst v1;
	v1 =	vmul.f32 $8.000000000e+00, v5;
	v5 =	vld [tilespmem:s8+$0x50]  }
0x6d: {  	[tilespmem:s8+$0xFFFFFFF0] =	vst v0;
	v0 =	vmul.f32 $8.000000000e+00, v6;
	v6 =	vld [tilespmem:s8+$0x60]  }
0x6e: {  	[tilespmem:s8+$0x0] =	vst v1;
	v1 =	vmul.f32 $8.000000000e+00, v3;
	v3 =	vld [tilespmem:s8+$0x70]  }
0x6f: {  	[tilespmem:s8+$0x10] =	vst v0;
	v0 =	vmul.f32 $8.000000000e+00, v4;
	v4 =	vld [tilespmem:s8+$0x80]  }
0x70: {  	[tilespmem:s8+$0x20] =	vst v1;
	v1 =	vmul.f32 $8.000000000e+00, v2;
	v7 =	vld [tilespmem:s8+$0x90]  }
0x71: {  	[tilespmem:s8+$0x30] =	vst v0;
	v2 =	vmul.f32 $8.000000000e+00, v5;
	v8 =	vld [tilespmem:s8+$0xA0]  }
.Ltmp0:
0x72: {  	[tilespmem:s8+$0x40] =	vst v1;
	v5 =	vmul.f32 $8.000000000e+00, v6;
	v0 =	vld [tilespmem:s8+$0xB0];
	(pc) =	sbr.rel @p0 .LBB2_2-.Ltmp0, $4  }
0x73: {  	[tilespmem:s8+$0x50] =	vst v2;
	v3 =	vmul.f32 $8.000000000e+00, v3;
	v1 =	vld [tilespmem:s8+$0xC0]  }
0x74: {  	[tilespmem:s8+$0x60] =	vst v5;
	v6 =	vmul.f32 $8.000000000e+00, v4;
	v2 =	vld [tilespmem:s8+$0xD0]  }
0x75: {  	[tilespmem:s8+$0x70] =	vst v3;
	v5 =	vmul.f32 $8.000000000e+00, v7;
	v3 =	vld [tilespmem:s8+$0xE0]  }
0x76: {  	s8 =	sadd.s32 $0x200, s8;
	v4 =	vld [tilespmem:s24+$0xFFFFFF00];
	[tilespmem:s24+$0x80] =	vst v6;
	v6 =	vmul.f32 $8.000000000e+00, v8  }
0x77: {  	[tilespmem:s24+$0x90] =	vst v5;
	v0 =	vmul.f32 $8.000000000e+00, v0  }
0x78: {  	[tilespmem:s24+$0xA0] =	vst v6;
	v1 =	vmul.f32 $8.000000000e+00, v1  }
0x79: {  	[tilespmem:s24+$0xB0] =	vst v0;
	v0 =	vmul.f32 $8.000000000e+00, v2  }
0x7a: {  	[tilespmem:s24+$0xC0] =	vst v1;
	v1 =	vmul.f32 $8.000000000e+00, v3  }
0x7b: {  	v2 =	vmul.f32 $8.000000000e+00, v4;
	[tilespmem:s24+$0xD0] =	vst v0  }
0x7c: {  	[tilespmem:s24+$0xE0] =	vst v1  }
0x7d: {  	[tilespmem:s24+$0xFFFFFF00] =	vst v2  }
0x7e: {  	s8 =	rddreg [dreg:$0x6]  }
0x7f: {  	[hbm4b:s8+s3] =	stream.linear.scatter [tilespmem:s1], [sflag:$0x5], $0x6400, $0x38;
	[tilespmem:$0x19640] =	vst v63  }
0x80: {  	s29 =	rddreg [dreg:$0x7]  }
0x81: {  	[tilespmem:s13], [sflag:$0x9] =	stream.linear.gather [hbm4b:s29+s3], $0x190, $0x38;
	[tilespmem:$0x19640] =	vst v63  }
0x82: {  	_ =	swait.ge [sflag:s30], $0x190  }
0x83: {  	[sflag:s30] =	ssyncset.done $0x0  }
0x84: {  	[sflag:s30] =	ssyncadd.s32 $0xFFFFFE70  }
0x85: {  	[tilespmem:s14], [sflag:$0x4] =	stream.indirect.gather [hbm4b:s6+s31], $0x40, s13, s31, $0xb8;
	[tilespmem:$0x19640] =	vst v63  }
0x86: {  	_ =	swait.ge [sflag:s15], $0x6400  }
0x87: {  	[sflag:s15] =	ssyncset.done $0x0  }
0x88: {  	s24 =	simm.s32 $0x6B40;
	[sflag:s15] =	ssyncadd.s32 $0xFFFF9C00  }
0x89: {  	v0 =	vld [tilespmem:s24+$0xF0]  }
0x8a: {  	v1 =	vld [tilespmem:s24+$0xFFFFFF10]  }
0x8b: {  	v2 =	vld [tilespmem:s24+$0xFFFFFF20]  }
0x8c: {  	v3 =	vld [tilespmem:s24+$0xFFFFFF30]  }
0x8d: {  	v4 =	vld [tilespmem:s24+$0xFFFFFF40]  }
0x8e: {  	v5 =	vld [tilespmem:s24+$0xFFFFFF50];
	v0 =	vmul.f32 $8.000000000e+00, v0  }
0x8f: {  	v6 =	vld [tilespmem:s24+$0xFFFFFF60];
	v1 =	vmul.f32 $8.000000000e+00, v1  }
0x90: {  	v7 =	vld [tilespmem:s24+$0xFFFFFF70];
	v2 =	vmul.f32 $8.000000000e+00, v2;
	[tilespmem:s24+$0xF0] =	vst v0  }
0x91: {  	[tilespmem:s24+$0xFFFFFF10] =	vst v1;
	v0 =	vmul.f32 $8.000000000e+00, v3;
	v1 =	vld [tilespmem:s24+$0xFFFFFF80]  }
0x92: {  	[tilespmem:s24+$0xFFFFFF20] =	vst v2;
	v2 =	vmul.f32 $8.000000000e+00, v4;
	v3 =	vld [tilespmem:s24+$0xFFFFFF90]  }
0x93: {  	v4 =	vld [tilespmem:s24+$0xFFFFFFA0];
	[tilespmem:s24+$0xFFFFFF30] =	vst v0;
	v0 =	vmul.f32 $8.000000000e+00, v5  }
0x94: {  	[tilespmem:s24+$0xFFFFFF40] =	vst v2;
	v2 =	vmul.f32 $8.000000000e+00, v6;
	v5 =	vld [tilespmem:s24+$0xFFFFFFB0]  }
0x95: {  	v6 =	vld [tilespmem:s24+$0xFFFFFFC0];
	[tilespmem:s24+$0xFFFFFF50] =	vst v0;
	v0 =	vmul.f32 $8.000000000e+00, v7  }
0x96: {  	[tilespmem:s24+$0xFFFFFF60] =	vst v2;
	v2 =	vld [tilespmem:s24+$0xFFFFFFD0];
	v1 =	vmul.f32 $8.000000000e+00, v1  }
0x97: {  	[tilespmem:s24+$0xFFFFFF70] =	vst v0;
	v0 =	vmul.f32 $8.000000000e+00, v3;
	v3 =	vld [tilespmem:s24+$0xFFFFFFE0]  }
0x98: {  	[tilespmem:s24+$0xFFFFFF80] =	vst v1;
	v1 =	vmul.f32 $8.000000000e+00, v4;
	v4 =	vld [tilespmem:s24+$0xFFFFFFF0]  }
0x99: {  	[tilespmem:s24+$0xFFFFFF90] =	vst v0;
	v0 =	vmul.f32 $8.000000000e+00, v5;
	v5 =	vld [tilespmem:s24+$0x0]  }
0x9a: {  	[tilespmem:s24+$0xFFFFFFA0] =	vst v1;
	v1 =	vmul.f32 $8.000000000e+00, v6;
	v6 =	vld [tilespmem:s24+$0x10]  }
0x9b: {  	[tilespmem:s24+$0xFFFFFFB0] =	vst v0;
	v0 =	vmul.f32 $8.000000000e+00, v2;
	v2 =	vld [tilespmem:s24+$0x20]  }
0x9c: {  	[tilespmem:s24+$0xFFFFFFC0] =	vst v1;
	v1 =	vmul.f32 $8.000000000e+00, v3;
	v3 =	vld [tilespmem:s24+$0x30]  }
0x9d: {  	[tilespmem:s24+$0xFFFFFFD0] =	vst v0;
	v0 =	vmul.f32 $8.000000000e+00, v4;
	v4 =	vld [tilespmem:s24+$0x40]  }
0x9e: {  	[tilespmem:s24+$0xFFFFFFE0] =	vst v1;
	v1 =	vmul.f32 $8.000000000e+00, v5;
	v5 =	vld [tilespmem:s24+$0x50]  }
0x9f: {  	[tilespmem:s24+$0xFFFFFFF0] =	vst v0;
	v0 =	vmul.f32 $8.000000000e+00, v6;
	v6 =	vld [tilespmem:s24+$0x60]  }
0xa0: {  	[tilespmem:s24+$0x0] =	vst v1;
	v1 =	vmul.f32 $8.000000000e+00, v2;
	v2 =	vld [tilespmem:s24+$0x70]  }
0xa1: {  	[tilespmem:s24+$0x10] =	vst v0;
	v0 =	vmul.f32 $8.000000000e+00, v3;
	v3 =	vld [tilespmem:s24+$0x80]  }
0xa2: {  	[tilespmem:s24+$0x20] =	vst v1;
	v1 =	vmul.f32 $8.000000000e+00, v4;
	v4 =	vld [tilespmem:s24+$0x90]  }
0xa3: {  	v7 =	vld [tilespmem:s24+$0xA0];
	[tilespmem:s24+$0x30] =	vst v0;
	v5 =	vmul.f32 $8.000000000e+00, v5  }
0xa4: {  	v0 =	vld [tilespmem:s24+$0xB0];
	[tilespmem:s24+$0x40] =	vst v1;
	v6 =	vmul.f32 $8.000000000e+00, v6  }
0xa5: {  	v1 =	vld [tilespmem:s24+$0xC0];
	[tilespmem:s24+$0x50] =	vst v5;
	v5 =	vmul.f32 $8.000000000e+00, v2  }
0xa6: {  	v2 =	vld [tilespmem:s24+$0xD0];
	[tilespmem:s24+$0x60] =	vst v6;
	v6 =	vmul.f32 $8.000000000e+00, v3  }
0xa7: {  	v3 =	vld [tilespmem:s24+$0xE0];
	[tilespmem:s24+$0x70] =	vst v5;
	v5 =	vmul.f32 $8.000000000e+00, v4  }
0xa8: {  	s25 =	simm.s32 $0x0;
	s8 =	simm.s32 $0x6D40;
	v4 =	vld [tilespmem:s24+$0xFFFFFF00];
	[tilespmem:s24+$0x80] =	vst v6;
	v6 =	vmul.f32 $8.000000000e+00, v7  }
.LBB2_4:
0xa9: {  	v7 =	vld [tilespmem:s8+$0xF0];
	s25 =	sadd.s32 $0x8, s25;
	[tilespmem:s24+$0x90] =	vst v5;
	v0 =	vmul.f32 $8.000000000e+00, v0  }
0xaa: {  	v5 =	vld [tilespmem:s8+$0xFFFFFF10];
	p0 =	slt.u32 s25, $0x188;
	[tilespmem:s24+$0xA0] =	vst v6;
	v1 =	vmul.f32 $8.000000000e+00, v1  }
0xab: {  	v6 =	vld [tilespmem:s8+$0xFFFFFF20];
	[tilespmem:s24+$0xB0] =	vst v0;
	v0 =	vmul.f32 $8.000000000e+00, v2  }
0xac: {  	v2 =	vld [tilespmem:s8+$0xFFFFFF30];
	[tilespmem:s24+$0xC0] =	vst v1;
	v1 =	vmul.f32 $8.000000000e+00, v3  }
0xad: {  	v3 =	vld [tilespmem:s8+$0xFFFFFF40];
	v4 =	vmul.f32 $8.000000000e+00, v4;
	[tilespmem:s24+$0xD0] =	vst v0  }
0xae: {  	v0 =	vld [tilespmem:s8+$0xFFFFFF50];
	v7 =	vmul.f32 $8.000000000e+00, v7;
	[tilespmem:s24+$0xE0] =	vst v1  }
0xaf: {  	v1 =	vmul.f32 $8.000000000e+00, v5;
	v5 =	vld [tilespmem:s8+$0xFFFFFF60];
	[tilespmem:s24+$0xFFFFFF00] =	vst v4;
	s24 =	smov.u32 s8  }
0xb0: {  	v4 =	vmul.f32 $8.000000000e+00, v6;
	v6 =	vld [tilespmem:s8+$0xFFFFFF70];
	[tilespmem:s8+$0xF0] =	vst v7  }
0xb1: {  	[tilespmem:s8+$0xFFFFFF10] =	vst v1;
	v1 =	vmul.f32 $8.000000000e+00, v2;
	v2 =	vld [tilespmem:s8+$0xFFFFFF80]  }
0xb2: {  	[tilespmem:s8+$0xFFFFFF20] =	vst v4;
	v3 =	vmul.f32 $8.000000000e+00, v3;
	v4 =	vld [tilespmem:s8+$0xFFFFFF90]  }
0xb3: {  	[tilespmem:s8+$0xFFFFFF30] =	vst v1;
	v0 =	vmul.f32 $8.000000000e+00, v0;
	v1 =	vld [tilespmem:s8+$0xFFFFFFA0]  }
0xb4: {  	[tilespmem:s8+$0xFFFFFF40] =	vst v3;
	v3 =	vmul.f32 $8.000000000e+00, v5;
	v5 =	vld [tilespmem:s8+$0xFFFFFFB0]  }
0xb5: {  	[tilespmem:s8+$0xFFFFFF50] =	vst v0;
	v0 =	vmul.f32 $8.000000000e+00, v6;
	v6 =	vld [tilespmem:s8+$0xFFFFFFC0]  }
0xb6: {  	[tilespmem:s8+$0xFFFFFF60] =	vst v3;
	v2 =	vmul.f32 $8.000000000e+00, v2;
	v3 =	vld [tilespmem:s8+$0xFFFFFFD0]  }
0xb7: {  	[tilespmem:s8+$0xFFFFFF70] =	vst v0;
	v0 =	vmul.f32 $8.000000000e+00, v4;
	v4 =	vld [tilespmem:s8+$0xFFFFFFE0]  }
0xb8: {  	[tilespmem:s8+$0xFFFFFF80] =	vst v2;
	v1 =	vmul.f32 $8.000000000e+00, v1;
	v2 =	vld [tilespmem:s8+$0xFFFFFFF0]  }
0xb9: {  	[tilespmem:s8+$0xFFFFFF90] =	vst v0;
	v0 =	vmul.f32 $8.000000000e+00, v5;
	v5 =	vld [tilespmem:s8+$0x0]  }
0xba: {  	[tilespmem:s8+$0xFFFFFFA0] =	vst v1;
	v1 =	vmul.f32 $8.000000000e+00, v6;
	v6 =	vld [tilespmem:s8+$0x10]  }
0xbb: {  	[tilespmem:s8+$0xFFFFFFB0] =	vst v0;
	v0 =	vmul.f32 $8.000000000e+00, v3;
	v3 =	vld [tilespmem:s8+$0x20]  }
0xbc: {  	[tilespmem:s8+$0xFFFFFFC0] =	vst v1;
	v1 =	vmul.f32 $8.000000000e+00, v4;
	v4 =	vld [tilespmem:s8+$0x30]  }
0xbd: {  	[tilespmem:s8+$0xFFFFFFD0] =	vst v0;
	v0 =	vmul.f32 $8.000000000e+00, v2;
	v2 =	vld [tilespmem:s8+$0x40]  }
0xbe: {  	[tilespmem:s8+$0xFFFFFFE0] =	vst v1;
	v1 =	vmul.f32 $8.000000000e+00, v5;
	v5 =	vld [tilespmem:s8+$0x50]  }
0xbf: {  	[tilespmem:s8+$0xFFFFFFF0] =	vst v0;
	v0 =	vmul.f32 $8.000000000e+00, v6;
	v6 =	vld [tilespmem:s8+$0x60]  }
0xc0: {  	[tilespmem:s8+$0x0] =	vst v1;
	v1 =	vmul.f32 $8.000000000e+00, v3;
	v3 =	vld [tilespmem:s8+$0x70]  }
0xc1: {  	[tilespmem:s8+$0x10] =	vst v0;
	v0 =	vmul.f32 $8.000000000e+00, v4;
	v4 =	vld [tilespmem:s8+$0x80]  }
0xc2: {  	[tilespmem:s8+$0x20] =	vst v1;
	v1 =	vmul.f32 $8.000000000e+00, v2;
	v7 =	vld [tilespmem:s8+$0x90]  }
0xc3: {  	[tilespmem:s8+$0x30] =	vst v0;
	v2 =	vmul.f32 $8.000000000e+00, v5;
	v8 =	vld [tilespmem:s8+$0xA0]  }
.Ltmp1:
0xc4: {  	[tilespmem:s8+$0x40] =	vst v1;
	v5 =	vmul.f32 $8.000000000e+00, v6;
	v0 =	vld [tilespmem:s8+$0xB0];
	(pc) =	sbr.rel @p0 .LBB2_4-.Ltmp1, $4  }
0xc5: {  	[tilespmem:s8+$0x50] =	vst v2;
	v3 =	vmul.f32 $8.000000000e+00, v3;
	v1 =	vld [tilespmem:s8+$0xC0]  }
0xc6: {  	[tilespmem:s8+$0x60] =	vst v5;
	v6 =	vmul.f32 $8.000000000e+00, v4;
	v2 =	vld [tilespmem:s8+$0xD0]  }
0xc7: {  	[tilespmem:s8+$0x70] =	vst v3;
	v5 =	vmul.f32 $8.000000000e+00, v7;
	v3 =	vld [tilespmem:s8+$0xE0]  }
0xc8: {  	s8 =	sadd.s32 $0x200, s8;
	v4 =	vld [tilespmem:s24+$0xFFFFFF00];
	[tilespmem:s24+$0x80] =	vst v6;
	v6 =	vmul.f32 $8.000000000e+00, v8  }
0xc9: {  	[tilespmem:s24+$0x90] =	vst v5;
	v0 =	vmul.f32 $8.000000000e+00, v0  }
0xca: {  	[tilespmem:s24+$0xA0] =	vst v6;
	v1 =	vmul.f32 $8.000000000e+00, v1  }
0xcb: {  	[tilespmem:s24+$0xB0] =	vst v0;
	v0 =	vmul.f32 $8.000000000e+00, v2  }
0xcc: {  	[tilespmem:s24+$0xC0] =	vst v1;
	v1 =	vmul.f32 $8.000000000e+00, v3  }
0xcd: {  	v2 =	vmul.f32 $8.000000000e+00, v4;
	[tilespmem:s24+$0xD0] =	vst v0  }
0xce: {  	[tilespmem:s24+$0xE0] =	vst v1  }
0xcf: {  	[tilespmem:s24+$0xFFFFFF00] =	vst v2  }
0xd0: {  	s8 =	rddreg [dreg:$0x8]  }
0xd1: {  	[hbm4b:s8+s3] =	stream.linear.scatter [tilespmem:s0], [sflag:$0x6], $0x6400, $0x38;
	[tilespmem:$0x19640] =	vst v63  }
0xd2: {  	_ =	swait.ge [sflag:s18], $0x6400  }
0xd3: {  	[sflag:s18] =	ssyncset.done $0x0  }
0xd4: {  	s29 =	rddreg [dreg:$0xb];
	[sflag:s18] =	ssyncadd.s32 $0xFFFF9C00  }
0xd5: {  	[tilespmem:s3], [sflag:$0x9] =	stream.linear.gather [hbm4b:s29+s3], $0x190, $0x38;
	[tilespmem:$0x19640] =	vst v63  }
0xd6: {  	_ =	swait.ge [sflag:s30], $0x190  }
0xd7: {  	[sflag:s30] =	ssyncset.done $0x0  }
0xd8: {  	[sflag:s30] =	ssyncadd.s32 $0xFFFFFE70  }
0xd9: {  	[tilespmem:s1], [sflag:$0x1] =	stream.indirect.gather [hbm4b:s6+s31], $0x40, s3, s31, $0xb8;
	[tilespmem:$0x19640] =	vst v63  }
0xda: {  	_ =	swait.ge [sflag:s19], $0x6400  }
0xdb: {  	[sflag:s19] =	ssyncset.done $0x0  }
0xdc: {  	s24 =	simm.s32 $0xCF40;
	[sflag:s19] =	ssyncadd.s32 $0xFFFF9C00  }
0xdd: {  	v0 =	vld [tilespmem:s24+$0xF0]  }
0xde: {  	v1 =	vld [tilespmem:s24+$0xFFFFFF10]  }
0xdf: {  	v2 =	vld [tilespmem:s24+$0xFFFFFF20]  }
0xe0: {  	v3 =	vld [tilespmem:s24+$0xFFFFFF30]  }
0xe1: {  	v4 =	vld [tilespmem:s24+$0xFFFFFF40]  }
0xe2: {  	v5 =	vld [tilespmem:s24+$0xFFFFFF50];
	v0 =	vmul.f32 $8.000000000e+00, v0  }
0xe3: {  	v6 =	vld [tilespmem:s24+$0xFFFFFF60];
	v1 =	vmul.f32 $8.000000000e+00, v1  }
0xe4: {  	v7 =	vld [tilespmem:s24+$0xFFFFFF70];
	v2 =	vmul.f32 $8.000000000e+00, v2;
	[tilespmem:s24+$0xF0] =	vst v0  }
0xe5: {  	[tilespmem:s24+$0xFFFFFF10] =	vst v1;
	v0 =	vmul.f32 $8.000000000e+00, v3;
	v1 =	vld [tilespmem:s24+$0xFFFFFF80]  }
0xe6: {  	[tilespmem:s24+$0xFFFFFF20] =	vst v2;
	v2 =	vmul.f32 $8.000000000e+00, v4;
	v3 =	vld [tilespmem:s24+$0xFFFFFF90]  }
0xe7: {  	v4 =	vld [tilespmem:s24+$0xFFFFFFA0];
	[tilespmem:s24+$0xFFFFFF30] =	vst v0;
	v0 =	vmul.f32 $8.000000000e+00, v5  }
0xe8: {  	[tilespmem:s24+$0xFFFFFF40] =	vst v2;
	v2 =	vmul.f32 $8.000000000e+00, v6;
	v5 =	vld [tilespmem:s24+$0xFFFFFFB0]  }
0xe9: {  	v6 =	vld [tilespmem:s24+$0xFFFFFFC0];
	[tilespmem:s24+$0xFFFFFF50] =	vst v0;
	v0 =	vmul.f32 $8.000000000e+00, v7  }
0xea: {  	[tilespmem:s24+$0xFFFFFF60] =	vst v2;
	v2 =	vld [tilespmem:s24+$0xFFFFFFD0];
	v1 =	vmul.f32 $8.000000000e+00, v1  }
0xeb: {  	[tilespmem:s24+$0xFFFFFF70] =	vst v0;
	v0 =	vmul.f32 $8.000000000e+00, v3;
	v3 =	vld [tilespmem:s24+$0xFFFFFFE0]  }
0xec: {  	[tilespmem:s24+$0xFFFFFF80] =	vst v1;
	v1 =	vmul.f32 $8.000000000e+00, v4;
	v4 =	vld [tilespmem:s24+$0xFFFFFFF0]  }
0xed: {  	[tilespmem:s24+$0xFFFFFF90] =	vst v0;
	v0 =	vmul.f32 $8.000000000e+00, v5;
	v5 =	vld [tilespmem:s24+$0x0]  }
0xee: {  	[tilespmem:s24+$0xFFFFFFA0] =	vst v1;
	v1 =	vmul.f32 $8.000000000e+00, v6;
	v6 =	vld [tilespmem:s24+$0x10]  }
0xef: {  	[tilespmem:s24+$0xFFFFFFB0] =	vst v0;
	v0 =	vmul.f32 $8.000000000e+00, v2;
	v2 =	vld [tilespmem:s24+$0x20]  }
0xf0: {  	[tilespmem:s24+$0xFFFFFFC0] =	vst v1;
	v1 =	vmul.f32 $8.000000000e+00, v3;
	v3 =	vld [tilespmem:s24+$0x30]  }
0xf1: {  	[tilespmem:s24+$0xFFFFFFD0] =	vst v0;
	v0 =	vmul.f32 $8.000000000e+00, v4;
	v4 =	vld [tilespmem:s24+$0x40]  }
0xf2: {  	[tilespmem:s24+$0xFFFFFFE0] =	vst v1;
	v1 =	vmul.f32 $8.000000000e+00, v5;
	v5 =	vld [tilespmem:s24+$0x50]  }
0xf3: {  	[tilespmem:s24+$0xFFFFFFF0] =	vst v0;
	v0 =	vmul.f32 $8.000000000e+00, v6;
	v6 =	vld [tilespmem:s24+$0x60]  }
0xf4: {  	[tilespmem:s24+$0x0] =	vst v1;
	v1 =	vmul.f32 $8.000000000e+00, v2;
	v2 =	vld [tilespmem:s24+$0x70]  }
0xf5: {  	[tilespmem:s24+$0x10] =	vst v0;
	v0 =	vmul.f32 $8.000000000e+00, v3;
	v3 =	vld [tilespmem:s24+$0x80]  }
0xf6: {  	[tilespmem:s24+$0x20] =	vst v1;
	v1 =	vmul.f32 $8.000000000e+00, v4;
	v4 =	vld [tilespmem:s24+$0x90]  }
0xf7: {  	v7 =	vld [tilespmem:s24+$0xA0];
	[tilespmem:s24+$0x30] =	vst v0;
	v5 =	vmul.f32 $8.000000000e+00, v5  }
0xf8: {  	v0 =	vld [tilespmem:s24+$0xB0];
	[tilespmem:s24+$0x40] =	vst v1;
	v6 =	vmul.f32 $8.000000000e+00, v6  }
0xf9: {  	v1 =	vld [tilespmem:s24+$0xC0];
	[tilespmem:s24+$0x50] =	vst v5;
	v5 =	vmul.f32 $8.000000000e+00, v2  }
0xfa: {  	v2 =	vld [tilespmem:s24+$0xD0];
	[tilespmem:s24+$0x60] =	vst v6;
	v6 =	vmul.f32 $8.000000000e+00, v3  }
0xfb: {  	v3 =	vld [tilespmem:s24+$0xE0];
	[tilespmem:s24+$0x70] =	vst v5;
	v5 =	vmul.f32 $8.000000000e+00, v4  }
0xfc: {  	s25 =	simm.s32 $0x0;
	s8 =	simm.s32 $0xD140;
	v4 =	vld [tilespmem:s24+$0xFFFFFF00];
	[tilespmem:s24+$0x80] =	vst v6;
	v6 =	vmul.f32 $8.000000000e+00, v7  }
.LBB2_6:
0xfd: {  	v7 =	vld [tilespmem:s8+$0xF0];
	s25 =	sadd.s32 $0x8, s25;
	[tilespmem:s24+$0x90] =	vst v5;
	v0 =	vmul.f32 $8.000000000e+00, v0  }
0xfe: {  	v5 =	vld [tilespmem:s8+$0xFFFFFF10];
	p0 =	slt.u32 s25, $0x188;
	[tilespmem:s24+$0xA0] =	vst v6;
	v1 =	vmul.f32 $8.000000000e+00, v1  }
0xff: {  	v6 =	vld [tilespmem:s8+$0xFFFFFF20];
	[tilespmem:s24+$0xB0] =	vst v0;
	v0 =	vmul.f32 $8.000000000e+00, v2  }
0x100: {  	v2 =	vld [tilespmem:s8+$0xFFFFFF30];
	[tilespmem:s24+$0xC0] =	vst v1;
	v1 =	vmul.f32 $8.000000000e+00, v3  }
0x101: {  	v3 =	vld [tilespmem:s8+$0xFFFFFF40];
	v4 =	vmul.f32 $8.000000000e+00, v4;
	[tilespmem:s24+$0xD0] =	vst v0  }
0x102: {  	v0 =	vld [tilespmem:s8+$0xFFFFFF50];
	v7 =	vmul.f32 $8.000000000e+00, v7;
	[tilespmem:s24+$0xE0] =	vst v1  }
0x103: {  	v1 =	vmul.f32 $8.000000000e+00, v5;
	v5 =	vld [tilespmem:s8+$0xFFFFFF60];
	[tilespmem:s24+$0xFFFFFF00] =	vst v4;
	s24 =	smov.u32 s8  }
0x104: {  	v4 =	vmul.f32 $8.000000000e+00, v6;
	v6 =	vld [tilespmem:s8+$0xFFFFFF70];
	[tilespmem:s8+$0xF0] =	vst v7  }
0x105: {  	[tilespmem:s8+$0xFFFFFF10] =	vst v1;
	v1 =	vmul.f32 $8.000000000e+00, v2;
	v2 =	vld [tilespmem:s8+$0xFFFFFF80]  }
0x106: {  	[tilespmem:s8+$0xFFFFFF20] =	vst v4;
	v3 =	vmul.f32 $8.000000000e+00, v3;
	v4 =	vld [tilespmem:s8+$0xFFFFFF90]  }
0x107: {  	[tilespmem:s8+$0xFFFFFF30] =	vst v1;
	v0 =	vmul.f32 $8.000000000e+00, v0;
	v1 =	vld [tilespmem:s8+$0xFFFFFFA0]  }
0x108: {  	[tilespmem:s8+$0xFFFFFF40] =	vst v3;
	v3 =	vmul.f32 $8.000000000e+00, v5;
	v5 =	vld [tilespmem:s8+$0xFFFFFFB0]  }
0x109: {  	[tilespmem:s8+$0xFFFFFF50] =	vst v0;
	v0 =	vmul.f32 $8.000000000e+00, v6;
	v6 =	vld [tilespmem:s8+$0xFFFFFFC0]  }
0x10a: {  	[tilespmem:s8+$0xFFFFFF60] =	vst v3;
	v2 =	vmul.f32 $8.000000000e+00, v2;
	v3 =	vld [tilespmem:s8+$0xFFFFFFD0]  }
0x10b: {  	[tilespmem:s8+$0xFFFFFF70] =	vst v0;
	v0 =	vmul.f32 $8.000000000e+00, v4;
	v4 =	vld [tilespmem:s8+$0xFFFFFFE0]  }
0x10c: {  	[tilespmem:s8+$0xFFFFFF80] =	vst v2;
	v1 =	vmul.f32 $8.000000000e+00, v1;
	v2 =	vld [tilespmem:s8+$0xFFFFFFF0]  }
0x10d: {  	[tilespmem:s8+$0xFFFFFF90] =	vst v0;
	v0 =	vmul.f32 $8.000000000e+00, v5;
	v5 =	vld [tilespmem:s8+$0x0]  }
0x10e: {  	[tilespmem:s8+$0xFFFFFFA0] =	vst v1;
	v1 =	vmul.f32 $8.000000000e+00, v6;
	v6 =	vld [tilespmem:s8+$0x10]  }
0x10f: {  	[tilespmem:s8+$0xFFFFFFB0] =	vst v0;
	v0 =	vmul.f32 $8.000000000e+00, v3;
	v3 =	vld [tilespmem:s8+$0x20]  }
0x110: {  	[tilespmem:s8+$0xFFFFFFC0] =	vst v1;
	v1 =	vmul.f32 $8.000000000e+00, v4;
	v4 =	vld [tilespmem:s8+$0x30]  }
0x111: {  	[tilespmem:s8+$0xFFFFFFD0] =	vst v0;
	v0 =	vmul.f32 $8.000000000e+00, v2;
	v2 =	vld [tilespmem:s8+$0x40]  }
0x112: {  	[tilespmem:s8+$0xFFFFFFE0] =	vst v1;
	v1 =	vmul.f32 $8.000000000e+00, v5;
	v5 =	vld [tilespmem:s8+$0x50]  }
0x113: {  	[tilespmem:s8+$0xFFFFFFF0] =	vst v0;
	v0 =	vmul.f32 $8.000000000e+00, v6;
	v6 =	vld [tilespmem:s8+$0x60]  }
0x114: {  	[tilespmem:s8+$0x0] =	vst v1;
	v1 =	vmul.f32 $8.000000000e+00, v3;
	v3 =	vld [tilespmem:s8+$0x70]  }
0x115: {  	[tilespmem:s8+$0x10] =	vst v0;
	v0 =	vmul.f32 $8.000000000e+00, v4;
	v4 =	vld [tilespmem:s8+$0x80]  }
0x116: {  	[tilespmem:s8+$0x20] =	vst v1;
	v1 =	vmul.f32 $8.000000000e+00, v2;
	v7 =	vld [tilespmem:s8+$0x90]  }
0x117: {  	[tilespmem:s8+$0x30] =	vst v0;
	v2 =	vmul.f32 $8.000000000e+00, v5;
	v8 =	vld [tilespmem:s8+$0xA0]  }
.Ltmp2:
0x118: {  	[tilespmem:s8+$0x40] =	vst v1;
	v5 =	vmul.f32 $8.000000000e+00, v6;
	v0 =	vld [tilespmem:s8+$0xB0];
	(pc) =	sbr.rel @p0 .LBB2_6-.Ltmp2, $4  }
0x119: {  	[tilespmem:s8+$0x50] =	vst v2;
	v3 =	vmul.f32 $8.000000000e+00, v3;
	v1 =	vld [tilespmem:s8+$0xC0]  }
0x11a: {  	[tilespmem:s8+$0x60] =	vst v5;
	v6 =	vmul.f32 $8.000000000e+00, v4;
	v2 =	vld [tilespmem:s8+$0xD0]  }
0x11b: {  	[tilespmem:s8+$0x70] =	vst v3;
	v5 =	vmul.f32 $8.000000000e+00, v7;
	v3 =	vld [tilespmem:s8+$0xE0]  }
0x11c: {  	s8 =	sadd.s32 $0x200, s8;
	v4 =	vld [tilespmem:s24+$0xFFFFFF00];
	[tilespmem:s24+$0x80] =	vst v6;
	v6 =	vmul.f32 $8.000000000e+00, v8  }
0x11d: {  	[dreg:$0x16] =	wrdreg s9  }
0x11e: {  	v0 =	vmul.f32 $8.000000000e+00, v0;
	[tilespmem:s24+$0x90] =	vst v5  }
0x11f: {  	[tilespmem:s24+$0xA0] =	vst v6;
	v1 =	vmul.f32 $8.000000000e+00, v1  }
0x120: {  	[tilespmem:s24+$0xB0] =	vst v0;
	v0 =	vmul.f32 $8.000000000e+00, v2  }
0x121: {  	[tilespmem:s24+$0xC0] =	vst v1;
	v1 =	vmul.f32 $8.000000000e+00, v3  }
0x122: {  	v2 =	vmul.f32 $8.000000000e+00, v4;
	[tilespmem:s24+$0xD0] =	vst v0  }
0x123: {  	[tilespmem:s24+$0xE0] =	vst v1  }
0x124: {  	[tilespmem:s24+$0xFFFFFF00] =	vst v2  }
0x125: {  	s8 =	rddreg [dreg:$0xc]  }
0x126: {  	[hbm4b:s8+s3] =	stream.linear.scatter [tilespmem:s10], [sflag:$0x7], $0x6400, $0x38;
	[tilespmem:$0x19640] =	vst v63  }
0x127: {  	_ =	swait.ge [sflag:s20], $0x6400  }
0x128: {  	[sflag:s20] =	ssyncset.done $0x0  }
0x129: {  	s29 =	rddreg [dreg:$0xd];
	[sflag:s20] =	ssyncadd.s32 $0xFFFF9C00  }
0x12a: {  	[tilespmem:s31], [sflag:$0x9] =	stream.linear.gather [hbm4b:s29+s3], $0x190, $0x38;
	[tilespmem:$0x19640] =	vst v63  }
0x12b: {  	_ =	swait.ge [sflag:s30], $0x190  }
0x12c: {  	[sflag:s30] =	ssyncset.done $0x0  }
0x12d: {  	[sflag:s30] =	ssyncadd.s32 $0xFFFFFE70  }
0x12e: {  	[tilespmem:s0], [sflag:$0x2] =	stream.indirect.gather [hbm4b:s6+s31], $0x40, s31, s31, $0xb8;
	[tilespmem:$0x19640] =	vst v63  }
0x12f: {  	_ =	swait.ge [sflag:s21], $0x6400  }
0x130: {  	[sflag:s21] =	ssyncset.done $0x0  }
0x131: {  	s24 =	simm.s32 $0x13340;
	[sflag:s21] =	ssyncadd.s32 $0xFFFF9C00  }
0x132: {  	v0 =	vld [tilespmem:s24+$0xF0]  }
0x133: {  	v1 =	vld [tilespmem:s24+$0xFFFFFF10]  }
0x134: {  	v2 =	vld [tilespmem:s24+$0xFFFFFF20]  }
0x135: {  	v3 =	vld [tilespmem:s24+$0xFFFFFF30]  }
0x136: {  	v4 =	vld [tilespmem:s24+$0xFFFFFF40]  }
0x137: {  	v5 =	vld [tilespmem:s24+$0xFFFFFF50];
	v0 =	vmul.f32 $8.000000000e+00, v0  }
0x138: {  	v6 =	vld [tilespmem:s24+$0xFFFFFF60];
	v1 =	vmul.f32 $8.000000000e+00, v1  }
0x139: {  	v7 =	vld [tilespmem:s24+$0xFFFFFF70];
	v2 =	vmul.f32 $8.000000000e+00, v2;
	[tilespmem:s24+$0xF0] =	vst v0  }
0x13a: {  	[tilespmem:s24+$0xFFFFFF10] =	vst v1;
	v0 =	vmul.f32 $8.000000000e+00, v3;
	v1 =	vld [tilespmem:s24+$0xFFFFFF80]  }
0x13b: {  	[tilespmem:s24+$0xFFFFFF20] =	vst v2;
	v2 =	vmul.f32 $8.000000000e+00, v4;
	v3 =	vld [tilespmem:s24+$0xFFFFFF90]  }
0x13c: {  	v4 =	vld [tilespmem:s24+$0xFFFFFFA0];
	[tilespmem:s24+$0xFFFFFF30] =	vst v0;
	v0 =	vmul.f32 $8.000000000e+00, v5  }
0x13d: {  	[tilespmem:s24+$0xFFFFFF40] =	vst v2;
	v2 =	vmul.f32 $8.000000000e+00, v6;
	v5 =	vld [tilespmem:s24+$0xFFFFFFB0]  }
0x13e: {  	v6 =	vld [tilespmem:s24+$0xFFFFFFC0];
	[tilespmem:s24+$0xFFFFFF50] =	vst v0;
	v0 =	vmul.f32 $8.000000000e+00, v7  }
0x13f: {  	[tilespmem:s24+$0xFFFFFF60] =	vst v2;
	v2 =	vld [tilespmem:s24+$0xFFFFFFD0];
	v1 =	vmul.f32 $8.000000000e+00, v1  }
0x140: {  	[tilespmem:s24+$0xFFFFFF70] =	vst v0;
	v0 =	vmul.f32 $8.000000000e+00, v3;
	v3 =	vld [tilespmem:s24+$0xFFFFFFE0]  }
0x141: {  	[tilespmem:s24+$0xFFFFFF80] =	vst v1;
	v1 =	vmul.f32 $8.000000000e+00, v4;
	v4 =	vld [tilespmem:s24+$0xFFFFFFF0]  }
0x142: {  	[tilespmem:s24+$0xFFFFFF90] =	vst v0;
	v0 =	vmul.f32 $8.000000000e+00, v5;
	v5 =	vld [tilespmem:s24+$0x0]  }
0x143: {  	[tilespmem:s24+$0xFFFFFFA0] =	vst v1;
	v1 =	vmul.f32 $8.000000000e+00, v6;
	v6 =	vld [tilespmem:s24+$0x10]  }
0x144: {  	[tilespmem:s24+$0xFFFFFFB0] =	vst v0;
	v0 =	vmul.f32 $8.000000000e+00, v2;
	v2 =	vld [tilespmem:s24+$0x20]  }
0x145: {  	[tilespmem:s24+$0xFFFFFFC0] =	vst v1;
	v1 =	vmul.f32 $8.000000000e+00, v3;
	v3 =	vld [tilespmem:s24+$0x30]  }
0x146: {  	[tilespmem:s24+$0xFFFFFFD0] =	vst v0;
	v0 =	vmul.f32 $8.000000000e+00, v4;
	v4 =	vld [tilespmem:s24+$0x40]  }
0x147: {  	[tilespmem:s24+$0xFFFFFFE0] =	vst v1;
	v1 =	vmul.f32 $8.000000000e+00, v5;
	v5 =	vld [tilespmem:s24+$0x50]  }
0x148: {  	[tilespmem:s24+$0xFFFFFFF0] =	vst v0;
	v0 =	vmul.f32 $8.000000000e+00, v6;
	v6 =	vld [tilespmem:s24+$0x60]  }
0x149: {  	[tilespmem:s24+$0x0] =	vst v1;
	v1 =	vmul.f32 $8.000000000e+00, v2;
	v2 =	vld [tilespmem:s24+$0x70]  }
0x14a: {  	[tilespmem:s24+$0x10] =	vst v0;
	v0 =	vmul.f32 $8.000000000e+00, v3;
	v3 =	vld [tilespmem:s24+$0x80]  }
0x14b: {  	[tilespmem:s24+$0x20] =	vst v1;
	v1 =	vmul.f32 $8.000000000e+00, v4;
	v4 =	vld [tilespmem:s24+$0x90]  }
0x14c: {  	v7 =	vld [tilespmem:s24+$0xA0];
	[tilespmem:s24+$0x30] =	vst v0;
	v5 =	vmul.f32 $8.000000000e+00, v5  }
0x14d: {  	v0 =	vld [tilespmem:s24+$0xB0];
	[tilespmem:s24+$0x40] =	vst v1;
	v6 =	vmul.f32 $8.000000000e+00, v6  }
0x14e: {  	v1 =	vld [tilespmem:s24+$0xC0];
	[tilespmem:s24+$0x50] =	vst v5;
	v5 =	vmul.f32 $8.000000000e+00, v2  }
0x14f: {  	v2 =	vld [tilespmem:s24+$0xD0];
	[tilespmem:s24+$0x60] =	vst v6;
	v6 =	vmul.f32 $8.000000000e+00, v3  }
0x150: {  	v3 =	vld [tilespmem:s24+$0xE0];
	[tilespmem:s24+$0x70] =	vst v5;
	v5 =	vmul.f32 $8.000000000e+00, v4  }
0x151: {  	s25 =	simm.s32 $0x0;
	s8 =	simm.s32 $0x13540;
	v4 =	vld [tilespmem:s24+$0xFFFFFF00];
	[tilespmem:s24+$0x80] =	vst v6;
	v6 =	vmul.f32 $8.000000000e+00, v7  }
.LBB2_8:
0x152: {  	v7 =	vld [tilespmem:s8+$0xF0];
	s25 =	sadd.s32 $0x8, s25;
	[tilespmem:s24+$0x90] =	vst v5;
	v0 =	vmul.f32 $8.000000000e+00, v0  }
0x153: {  	v5 =	vld [tilespmem:s8+$0xFFFFFF10];
	p0 =	slt.u32 s25, $0x188;
	[tilespmem:s24+$0xA0] =	vst v6;
	v1 =	vmul.f32 $8.000000000e+00, v1  }
0x154: {  	v6 =	vld [tilespmem:s8+$0xFFFFFF20];
	[tilespmem:s24+$0xB0] =	vst v0;
	v0 =	vmul.f32 $8.000000000e+00, v2  }
0x155: {  	v2 =	vld [tilespmem:s8+$0xFFFFFF30];
	[tilespmem:s24+$0xC0] =	vst v1;
	v1 =	vmul.f32 $8.000000000e+00, v3  }
0x156: {  	v3 =	vld [tilespmem:s8+$0xFFFFFF40];
	v4 =	vmul.f32 $8.000000000e+00, v4;
	[tilespmem:s24+$0xD0] =	vst v0  }
0x157: {  	v0 =	vld [tilespmem:s8+$0xFFFFFF50];
	v7 =	vmul.f32 $8.000000000e+00, v7;
	[tilespmem:s24+$0xE0] =	vst v1  }
0x158: {  	v1 =	vmul.f32 $8.000000000e+00, v5;
	v5 =	vld [tilespmem:s8+$0xFFFFFF60];
	[tilespmem:s24+$0xFFFFFF00] =	vst v4;
	s24 =	smov.u32 s8  }
0x159: {  	v4 =	vmul.f32 $8.000000000e+00, v6;
	v6 =	vld [tilespmem:s8+$0xFFFFFF70];
	[tilespmem:s8+$0xF0] =	vst v7  }
0x15a: {  	[tilespmem:s8+$0xFFFFFF10] =	vst v1;
	v1 =	vmul.f32 $8.000000000e+00, v2;
	v2 =	vld [tilespmem:s8+$0xFFFFFF80]  }
0x15b: {  	[tilespmem:s8+$0xFFFFFF20] =	vst v4;
	v3 =	vmul.f32 $8.000000000e+00, v3;
	v4 =	vld [tilespmem:s8+$0xFFFFFF90]  }
0x15c: {  	[tilespmem:s8+$0xFFFFFF30] =	vst v1;
	v0 =	vmul.f32 $8.000000000e+00, v0;
	v1 =	vld [tilespmem:s8+$0xFFFFFFA0]  }
0x15d: {  	[tilespmem:s8+$0xFFFFFF40] =	vst v3;
	v3 =	vmul.f32 $8.000000000e+00, v5;
	v5 =	vld [tilespmem:s8+$0xFFFFFFB0]  }
0x15e: {  	[tilespmem:s8+$0xFFFFFF50] =	vst v0;
	v0 =	vmul.f32 $8.000000000e+00, v6;
	v6 =	vld [tilespmem:s8+$0xFFFFFFC0]  }
0x15f: {  	[tilespmem:s8+$0xFFFFFF60] =	vst v3;
	v2 =	vmul.f32 $8.000000000e+00, v2;
	v3 =	vld [tilespmem:s8+$0xFFFFFFD0]  }
0x160: {  	[tilespmem:s8+$0xFFFFFF70] =	vst v0;
	v0 =	vmul.f32 $8.000000000e+00, v4;
	v4 =	vld [tilespmem:s8+$0xFFFFFFE0]  }
0x161: {  	[tilespmem:s8+$0xFFFFFF80] =	vst v2;
	v1 =	vmul.f32 $8.000000000e+00, v1;
	v2 =	vld [tilespmem:s8+$0xFFFFFFF0]  }
0x162: {  	[tilespmem:s8+$0xFFFFFF90] =	vst v0;
	v0 =	vmul.f32 $8.000000000e+00, v5;
	v5 =	vld [tilespmem:s8+$0x0]  }
0x163: {  	[tilespmem:s8+$0xFFFFFFA0] =	vst v1;
	v1 =	vmul.f32 $8.000000000e+00, v6;
	v6 =	vld [tilespmem:s8+$0x10]  }
0x164: {  	[tilespmem:s8+$0xFFFFFFB0] =	vst v0;
	v0 =	vmul.f32 $8.000000000e+00, v3;
	v3 =	vld [tilespmem:s8+$0x20]  }
0x165: {  	[tilespmem:s8+$0xFFFFFFC0] =	vst v1;
	v1 =	vmul.f32 $8.000000000e+00, v4;
	v4 =	vld [tilespmem:s8+$0x30]  }
0x166: {  	[tilespmem:s8+$0xFFFFFFD0] =	vst v0;
	v0 =	vmul.f32 $8.000000000e+00, v2;
	v2 =	vld [tilespmem:s8+$0x40]  }
0x167: {  	[tilespmem:s8+$0xFFFFFFE0] =	vst v1;
	v1 =	vmul.f32 $8.000000000e+00, v5;
	v5 =	vld [tilespmem:s8+$0x50]  }
0x168: {  	[tilespmem:s8+$0xFFFFFFF0] =	vst v0;
	v0 =	vmul.f32 $8.000000000e+00, v6;
	v6 =	vld [tilespmem:s8+$0x60]  }
0x169: {  	[tilespmem:s8+$0x0] =	vst v1;
	v1 =	vmul.f32 $8.000000000e+00, v3;
	v3 =	vld [tilespmem:s8+$0x70]  }
0x16a: {  	[tilespmem:s8+$0x10] =	vst v0;
	v0 =	vmul.f32 $8.000000000e+00, v4;
	v4 =	vld [tilespmem:s8+$0x80]  }
0x16b: {  	[tilespmem:s8+$0x20] =	vst v1;
	v1 =	vmul.f32 $8.000000000e+00, v2;
	v7 =	vld [tilespmem:s8+$0x90]  }
0x16c: {  	[tilespmem:s8+$0x30] =	vst v0;
	v2 =	vmul.f32 $8.000000000e+00, v5;
	v8 =	vld [tilespmem:s8+$0xA0]  }
.Ltmp3:
0x16d: {  	[tilespmem:s8+$0x40] =	vst v1;
	v5 =	vmul.f32 $8.000000000e+00, v6;
	v0 =	vld [tilespmem:s8+$0xB0];
	(pc) =	sbr.rel @p0 .LBB2_8-.Ltmp3, $4  }
0x16e: {  	[tilespmem:s8+$0x50] =	vst v2;
	v3 =	vmul.f32 $8.000000000e+00, v3;
	v1 =	vld [tilespmem:s8+$0xC0]  }
0x16f: {  	[tilespmem:s8+$0x60] =	vst v5;
	v6 =	vmul.f32 $8.000000000e+00, v4;
	v2 =	vld [tilespmem:s8+$0xD0]  }
0x170: {  	[tilespmem:s8+$0x70] =	vst v3;
	v5 =	vmul.f32 $8.000000000e+00, v7;
	v3 =	vld [tilespmem:s8+$0xE0]  }
0x171: {  	s8 =	sadd.s32 $0x200, s8;
	v4 =	vld [tilespmem:s24+$0xFFFFFF00];
	[tilespmem:s24+$0x80] =	vst v6;
	v6 =	vmul.f32 $8.000000000e+00, v8  }
0x172: {  	[tilespmem:s24+$0x90] =	vst v5;
	v0 =	vmul.f32 $8.000000000e+00, v0  }
0x173: {  	[tilespmem:s24+$0xA0] =	vst v6;
	v1 =	vmul.f32 $8.000000000e+00, v1  }
0x174: {  	[tilespmem:s24+$0xB0] =	vst v0;
	v61 =	vmul.f32 $8.000000000e+00, v2  }
0x175: {  	[tilespmem:s24+$0xC0] =	vst v1;
	v62 =	vmul.f32 $8.000000000e+00, v3  }
0x176: {  	v63 =	vmul.f32 $8.000000000e+00, v4;
	[tilespmem:s24+$0xD0] =	vst v61  }
0x177: {  	[tilespmem:s24+$0xE0] =	vst v62  }
0x178: {  	[tilespmem:s24+$0xFFFFFF00] =	vst v63  }
0x179: {  	s25 =	simm.s32 $0x1;
	s8 =	rddreg [dreg:$0xe]  }
0x17a: {  	[hbm4b:s8+s3] =	stream.linear.scatter [tilespmem:s14], [sflag:$0x8], $0x6400, $0x38;
	[tilespmem:$0x19640] =	vst v63  }
.LBB2_10:
0x17b: {  	s26 =	smul.u32 $0x640, s25;
	_ =	sdelay $0x1  }
0x17c: {  	_ =	swait.ge [sflag:s22], $0x6400;
	s28 =	sadd.s32 s26, s4  }
0x17d: {  	[sflag:s22] =	ssyncset.done $0x0;
	s8 =	sshrl.u32 s28, $0x3  }
0x17e: {  	[sflag:s22] =	ssyncadd.s32 $0xFFFF9C00;
	s8 =	sadd.s32 s5, s8  }
0x17f: {  	[tilespmem:s7], [sflag:$0x9] =	stream.linear.gather [hbm4b:s8+s3], $0x190, $0x38;
	[tilespmem:$0x19640] =	vst v63  }
0x180: {  	_ =	swait.ge [sflag:s30], $0x190  }
0x181: {  	[sflag:s30] =	ssyncset.done $0x0  }
0x182: {  	[sflag:s30] =	ssyncadd.s32 $0xFFFFFE70  }
0x183: {  	[tilespmem:s10], [sflag:$0x3] =	stream.indirect.gather [hbm4b:s6+s31], $0x40, s7, s31, $0xb8;
	[tilespmem:$0x19640] =	vst v63  }
0x184: {  	_ =	swait.ge [sflag:s11], $0x6400  }
0x185: {  	[sflag:s11] =	ssyncset.done $0x0  }
0x186: {  	s29 =	simm.s32 $0x740;
	[sflag:s11] =	ssyncadd.s32 $0xFFFF9C00  }
0x187: {  	v0 =	vld [tilespmem:s29+$0xF0]  }
0x188: {  	v1 =	vld [tilespmem:s29+$0xFFFFFF10]  }
0x189: {  	v2 =	vld [tilespmem:s29+$0xFFFFFF20]  }
0x18a: {  	v3 =	vld [tilespmem:s29+$0xFFFFFF30]  }
0x18b: {  	v4 =	vld [tilespmem:s29+$0xFFFFFF40]  }
0x18c: {  	v5 =	vld [tilespmem:s29+$0xFFFFFF50];
	v0 =	vmul.f32 $8.000000000e+00, v0  }
0x18d: {  	v6 =	vld [tilespmem:s29+$0xFFFFFF60];
	v1 =	vmul.f32 $8.000000000e+00, v1  }
0x18e: {  	v7 =	vld [tilespmem:s29+$0xFFFFFF70];
	v2 =	vmul.f32 $8.000000000e+00, v2;
	[tilespmem:s29+$0xF0] =	vst v0  }
0x18f: {  	[tilespmem:s29+$0xFFFFFF10] =	vst v1;
	v0 =	vmul.f32 $8.000000000e+00, v3;
	v1 =	vld [tilespmem:s29+$0xFFFFFF80]  }
0x190: {  	[tilespmem:s29+$0xFFFFFF20] =	vst v2;
	v2 =	vmul.f32 $8.000000000e+00, v4;
	v3 =	vld [tilespmem:s29+$0xFFFFFF90]  }
0x191: {  	v4 =	vld [tilespmem:s29+$0xFFFFFFA0];
	[tilespmem:s29+$0xFFFFFF30] =	vst v0;
	v0 =	vmul.f32 $8.000000000e+00, v5  }
0x192: {  	[tilespmem:s29+$0xFFFFFF40] =	vst v2;
	v2 =	vmul.f32 $8.000000000e+00, v6;
	v5 =	vld [tilespmem:s29+$0xFFFFFFB0]  }
0x193: {  	v6 =	vld [tilespmem:s29+$0xFFFFFFC0];
	[tilespmem:s29+$0xFFFFFF50] =	vst v0;
	v0 =	vmul.f32 $8.000000000e+00, v7  }
0x194: {  	[tilespmem:s29+$0xFFFFFF60] =	vst v2;
	v2 =	vld [tilespmem:s29+$0xFFFFFFD0];
	v1 =	vmul.f32 $8.000000000e+00, v1  }
0x195: {  	[tilespmem:s29+$0xFFFFFF70] =	vst v0;
	v0 =	vmul.f32 $8.000000000e+00, v3;
	v3 =	vld [tilespmem:s29+$0xFFFFFFE0]  }
0x196: {  	[tilespmem:s29+$0xFFFFFF80] =	vst v1;
	v1 =	vmul.f32 $8.000000000e+00, v4;
	v4 =	vld [tilespmem:s29+$0xFFFFFFF0]  }
0x197: {  	[tilespmem:s29+$0xFFFFFF90] =	vst v0;
	v0 =	vmul.f32 $8.000000000e+00, v5;
	v5 =	vld [tilespmem:s29+$0x0]  }
0x198: {  	[tilespmem:s29+$0xFFFFFFA0] =	vst v1;
	v1 =	vmul.f32 $8.000000000e+00, v6;
	v6 =	vld [tilespmem:s29+$0x10]  }
0x199: {  	[tilespmem:s29+$0xFFFFFFB0] =	vst v0;
	v0 =	vmul.f32 $8.000000000e+00, v2;
	v2 =	vld [tilespmem:s29+$0x20]  }
0x19a: {  	[tilespmem:s29+$0xFFFFFFC0] =	vst v1;
	v1 =	vmul.f32 $8.000000000e+00, v3;
	v3 =	vld [tilespmem:s29+$0x30]  }
0x19b: {  	[tilespmem:s29+$0xFFFFFFD0] =	vst v0;
	v0 =	vmul.f32 $8.000000000e+00, v4;
	v4 =	vld [tilespmem:s29+$0x40]  }
0x19c: {  	[tilespmem:s29+$0xFFFFFFE0] =	vst v1;
	v1 =	vmul.f32 $8.000000000e+00, v5;
	v5 =	vld [tilespmem:s29+$0x50]  }
0x19d: {  	[tilespmem:s29+$0xFFFFFFF0] =	vst v0;
	v0 =	vmul.f32 $8.000000000e+00, v6;
	v6 =	vld [tilespmem:s29+$0x60]  }
0x19e: {  	[tilespmem:s29+$0x0] =	vst v1;
	v1 =	vmul.f32 $8.000000000e+00, v2;
	v2 =	vld [tilespmem:s29+$0x70]  }
0x19f: {  	[tilespmem:s29+$0x10] =	vst v0;
	v0 =	vmul.f32 $8.000000000e+00, v3;
	v3 =	vld [tilespmem:s29+$0x80]  }
0x1a0: {  	[tilespmem:s29+$0x20] =	vst v1;
	v1 =	vmul.f32 $8.000000000e+00, v4;
	v4 =	vld [tilespmem:s29+$0x90]  }
0x1a1: {  	v7 =	vld [tilespmem:s29+$0xA0];
	[tilespmem:s29+$0x30] =	vst v0;
	v5 =	vmul.f32 $8.000000000e+00, v5  }
0x1a2: {  	v0 =	vld [tilespmem:s29+$0xB0];
	[tilespmem:s29+$0x40] =	vst v1;
	v6 =	vmul.f32 $8.000000000e+00, v6  }
0x1a3: {  	v1 =	vld [tilespmem:s29+$0xC0];
	[tilespmem:s29+$0x50] =	vst v5;
	v5 =	vmul.f32 $8.000000000e+00, v2  }
0x1a4: {  	v2 =	vld [tilespmem:s29+$0xD0];
	[tilespmem:s29+$0x60] =	vst v6;
	v6 =	vmul.f32 $8.000000000e+00, v3  }
0x1a5: {  	v3 =	vld [tilespmem:s29+$0xE0];
	[tilespmem:s29+$0x70] =	vst v5;
	v5 =	vmul.f32 $8.000000000e+00, v4  }
0x1a6: {  	s24 =	simm.s32 $0x0;
	s8 =	simm.s32 $0x940;
	v4 =	vld [tilespmem:s29+$0xFFFFFF00];
	[tilespmem:s29+$0x80] =	vst v6;
	v6 =	vmul.f32 $8.000000000e+00, v7  }
.LBB2_11:
0x1a7: {  	v7 =	vld [tilespmem:s8+$0xF0];
	s24 =	sadd.s32 $0x8, s24;
	[tilespmem:s29+$0x90] =	vst v5;
	v0 =	vmul.f32 $8.000000000e+00, v0  }
0x1a8: {  	v5 =	vld [tilespmem:s8+$0xFFFFFF10];
	p0 =	slt.u32 s24, $0x188;
	[tilespmem:s29+$0xA0] =	vst v6;
	v1 =	vmul.f32 $8.000000000e+00, v1  }
0x1a9: {  	v6 =	vld [tilespmem:s8+$0xFFFFFF20];
	[tilespmem:s29+$0xB0] =	vst v0;
	v0 =	vmul.f32 $8.000000000e+00, v2  }
0x1aa: {  	v2 =	vld [tilespmem:s8+$0xFFFFFF30];
	[tilespmem:s29+$0xC0] =	vst v1;
	v1 =	vmul.f32 $8.000000000e+00, v3  }
0x1ab: {  	v3 =	vld [tilespmem:s8+$0xFFFFFF40];
	v4 =	vmul.f32 $8.000000000e+00, v4;
	[tilespmem:s29+$0xD0] =	vst v0  }
0x1ac: {  	v0 =	vld [tilespmem:s8+$0xFFFFFF50];
	v7 =	vmul.f32 $8.000000000e+00, v7;
	[tilespmem:s29+$0xE0] =	vst v1  }
0x1ad: {  	v1 =	vmul.f32 $8.000000000e+00, v5;
	v5 =	vld [tilespmem:s8+$0xFFFFFF60];
	[tilespmem:s29+$0xFFFFFF00] =	vst v4;
	s29 =	smov.u32 s8  }
0x1ae: {  	v4 =	vmul.f32 $8.000000000e+00, v6;
	v6 =	vld [tilespmem:s8+$0xFFFFFF70];
	[tilespmem:s8+$0xF0] =	vst v7  }
0x1af: {  	[tilespmem:s8+$0xFFFFFF10] =	vst v1;
	v1 =	vmul.f32 $8.000000000e+00, v2;
	v2 =	vld [tilespmem:s8+$0xFFFFFF80]  }
0x1b0: {  	[tilespmem:s8+$0xFFFFFF20] =	vst v4;
	v3 =	vmul.f32 $8.000000000e+00, v3;
	v4 =	vld [tilespmem:s8+$0xFFFFFF90]  }
0x1b1: {  	[tilespmem:s8+$0xFFFFFF30] =	vst v1;
	v0 =	vmul.f32 $8.000000000e+00, v0;
	v1 =	vld [tilespmem:s8+$0xFFFFFFA0]  }
0x1b2: {  	[tilespmem:s8+$0xFFFFFF40] =	vst v3;
	v3 =	vmul.f32 $8.000000000e+00, v5;
	v5 =	vld [tilespmem:s8+$0xFFFFFFB0]  }
0x1b3: {  	[tilespmem:s8+$0xFFFFFF50] =	vst v0;
	v0 =	vmul.f32 $8.000000000e+00, v6;
	v6 =	vld [tilespmem:s8+$0xFFFFFFC0]  }
0x1b4: {  	[tilespmem:s8+$0xFFFFFF60] =	vst v3;
	v2 =	vmul.f32 $8.000000000e+00, v2;
	v3 =	vld [tilespmem:s8+$0xFFFFFFD0]  }
0x1b5: {  	[tilespmem:s8+$0xFFFFFF70] =	vst v0;
	v0 =	vmul.f32 $8.000000000e+00, v4;
	v4 =	vld [tilespmem:s8+$0xFFFFFFE0]  }
0x1b6: {  	[tilespmem:s8+$0xFFFFFF80] =	vst v2;
	v1 =	vmul.f32 $8.000000000e+00, v1;
	v2 =	vld [tilespmem:s8+$0xFFFFFFF0]  }
0x1b7: {  	[tilespmem:s8+$0xFFFFFF90] =	vst v0;
	v0 =	vmul.f32 $8.000000000e+00, v5;
	v5 =	vld [tilespmem:s8+$0x0]  }
0x1b8: {  	[tilespmem:s8+$0xFFFFFFA0] =	vst v1;
	v1 =	vmul.f32 $8.000000000e+00, v6;
	v6 =	vld [tilespmem:s8+$0x10]  }
0x1b9: {  	[tilespmem:s8+$0xFFFFFFB0] =	vst v0;
	v0 =	vmul.f32 $8.000000000e+00, v3;
	v3 =	vld [tilespmem:s8+$0x20]  }
0x1ba: {  	[tilespmem:s8+$0xFFFFFFC0] =	vst v1;
	v1 =	vmul.f32 $8.000000000e+00, v4;
	v4 =	vld [tilespmem:s8+$0x30]  }
0x1bb: {  	[tilespmem:s8+$0xFFFFFFD0] =	vst v0;
	v0 =	vmul.f32 $8.000000000e+00, v2;
	v2 =	vld [tilespmem:s8+$0x40]  }
0x1bc: {  	[tilespmem:s8+$0xFFFFFFE0] =	vst v1;
	v1 =	vmul.f32 $8.000000000e+00, v5;
	v5 =	vld [tilespmem:s8+$0x50]  }
0x1bd: {  	[tilespmem:s8+$0xFFFFFFF0] =	vst v0;
	v0 =	vmul.f32 $8.000000000e+00, v6;
	v6 =	vld [tilespmem:s8+$0x60]  }
0x1be: {  	[tilespmem:s8+$0x0] =	vst v1;
	v1 =	vmul.f32 $8.000000000e+00, v3;
	v3 =	vld [tilespmem:s8+$0x70]  }
0x1bf: {  	[tilespmem:s8+$0x10] =	vst v0;
	v0 =	vmul.f32 $8.000000000e+00, v4;
	v4 =	vld [tilespmem:s8+$0x80]  }
0x1c0: {  	[tilespmem:s8+$0x20] =	vst v1;
	v1 =	vmul.f32 $8.000000000e+00, v2;
	v7 =	vld [tilespmem:s8+$0x90]  }
0x1c1: {  	[tilespmem:s8+$0x30] =	vst v0;
	v2 =	vmul.f32 $8.000000000e+00, v5;
	v8 =	vld [tilespmem:s8+$0xA0]  }
.Ltmp4:
0x1c2: {  	[tilespmem:s8+$0x40] =	vst v1;
	v5 =	vmul.f32 $8.000000000e+00, v6;
	v0 =	vld [tilespmem:s8+$0xB0];
	(pc) =	sbr.rel @p0 .LBB2_11-.Ltmp4, $4  }
0x1c3: {  	[tilespmem:s8+$0x50] =	vst v2;
	v3 =	vmul.f32 $8.000000000e+00, v3;
	v1 =	vld [tilespmem:s8+$0xC0]  }
0x1c4: {  	[tilespmem:s8+$0x60] =	vst v5;
	v6 =	vmul.f32 $8.000000000e+00, v4;
	v2 =	vld [tilespmem:s8+$0xD0]  }
0x1c5: {  	[tilespmem:s8+$0x70] =	vst v3;
	v5 =	vmul.f32 $8.000000000e+00, v7;
	v3 =	vld [tilespmem:s8+$0xE0]  }
0x1c6: {  	s8 =	sadd.s32 $0x200, s8;
	v4 =	vld [tilespmem:s29+$0xFFFFFF00];
	[tilespmem:s29+$0x80] =	vst v6;
	v6 =	vmul.f32 $8.000000000e+00, v8  }
0x1c7: {  	[tilespmem:s29+$0x90] =	vst v5;
	v0 =	vmul.f32 $8.000000000e+00, v0  }
0x1c8: {  	[tilespmem:s29+$0xA0] =	vst v6;
	v1 =	vmul.f32 $8.000000000e+00, v1  }
0x1c9: {  	[tilespmem:s29+$0xB0] =	vst v0;
	v0 =	vmul.f32 $8.000000000e+00, v2  }
0x1ca: {  	s8 =	sadd.s32 s16, s26;
	[tilespmem:s29+$0xC0] =	vst v1;
	v1 =	vmul.f32 $8.000000000e+00, v3  }
0x1cb: {  	s8 =	sshll.u32 s8, $0x3;
	v2 =	vmul.f32 $8.000000000e+00, v4;
	[tilespmem:s29+$0xD0] =	vst v0  }
0x1cc: {  	s8 =	sand.u32 $0x1FFFFE00, s8;
	[tilespmem:s29+$0xE0] =	vst v1  }
0x1cd: {  	s8 =	sadd.s32 s2, s8;
	[tilespmem:s29+$0xFFFFFF00] =	vst v2  }
0x1ce: {  	[hbm4b:s8+s3] =	stream.linear.scatter [tilespmem:s1], [sflag:$0x5], $0x6400, $0x38;
	[tilespmem:$0x19640] =	vst v63  }
0x1cf: {  	s29 =	sadd.s32 s26, s17;
	_ =	swait.ge [sflag:s23], $0x6400  }
0x1d0: {  	s24 =	sshrl.u32 s29, $0x3;
	[sflag:s23] =	ssyncset.done $0x0  }
0x1d1: {  	s8 =	sadd.s32 s5, s24;
	[sflag:s23] =	ssyncadd.s32 $0xFFFF9C00  }
0x1d2: {  	[tilespmem:s13], [sflag:$0x9] =	stream.linear.gather [hbm4b:s8+s3], $0x190, $0x38;
	[tilespmem:$0x19640] =	vst v63  }
0x1d3: {  	_ =	swait.ge [sflag:s30], $0x190  }
0x1d4: {  	[sflag:s30] =	ssyncset.done $0x0  }
0x1d5: {  	[sflag:s30] =	ssyncadd.s32 $0xFFFFFE70  }
0x1d6: {  	[tilespmem:s14], [sflag:$0x4] =	stream.indirect.gather [hbm4b:s6+s31], $0x40, s13, s31, $0xb8;
	[tilespmem:$0x19640] =	vst v63  }
0x1d7: {  	_ =	swait.ge [sflag:s15], $0x6400  }
0x1d8: {  	[sflag:s15] =	ssyncset.done $0x0  }
0x1d9: {  	s24 =	simm.s32 $0x6B40;
	[sflag:s15] =	ssyncadd.s32 $0xFFFF9C00  }
0x1da: {  	v0 =	vld [tilespmem:s24+$0xF0]  }
0x1db: {  	v1 =	vld [tilespmem:s24+$0xFFFFFF10]  }
0x1dc: {  	v2 =	vld [tilespmem:s24+$0xFFFFFF20]  }
0x1dd: {  	v3 =	vld [tilespmem:s24+$0xFFFFFF30]  }
0x1de: {  	v4 =	vld [tilespmem:s24+$0xFFFFFF40]  }
0x1df: {  	v5 =	vld [tilespmem:s24+$0xFFFFFF50];
	v0 =	vmul.f32 $8.000000000e+00, v0  }
0x1e0: {  	v6 =	vld [tilespmem:s24+$0xFFFFFF60];
	v1 =	vmul.f32 $8.000000000e+00, v1  }
0x1e1: {  	v7 =	vld [tilespmem:s24+$0xFFFFFF70];
	v2 =	vmul.f32 $8.000000000e+00, v2;
	[tilespmem:s24+$0xF0] =	vst v0  }
0x1e2: {  	[tilespmem:s24+$0xFFFFFF10] =	vst v1;
	v0 =	vmul.f32 $8.000000000e+00, v3;
	v1 =	vld [tilespmem:s24+$0xFFFFFF80]  }
0x1e3: {  	[tilespmem:s24+$0xFFFFFF20] =	vst v2;
	v2 =	vmul.f32 $8.000000000e+00, v4;
	v3 =	vld [tilespmem:s24+$0xFFFFFF90]  }
0x1e4: {  	v4 =	vld [tilespmem:s24+$0xFFFFFFA0];
	[tilespmem:s24+$0xFFFFFF30] =	vst v0;
	v0 =	vmul.f32 $8.000000000e+00, v5  }
0x1e5: {  	[tilespmem:s24+$0xFFFFFF40] =	vst v2;
	v2 =	vmul.f32 $8.000000000e+00, v6;
	v5 =	vld [tilespmem:s24+$0xFFFFFFB0]  }
0x1e6: {  	v6 =	vld [tilespmem:s24+$0xFFFFFFC0];
	[tilespmem:s24+$0xFFFFFF50] =	vst v0;
	v0 =	vmul.f32 $8.000000000e+00, v7  }
0x1e7: {  	[tilespmem:s24+$0xFFFFFF60] =	vst v2;
	v2 =	vld [tilespmem:s24+$0xFFFFFFD0];
	v1 =	vmul.f32 $8.000000000e+00, v1  }
0x1e8: {  	[tilespmem:s24+$0xFFFFFF70] =	vst v0;
	v0 =	vmul.f32 $8.000000000e+00, v3;
	v3 =	vld [tilespmem:s24+$0xFFFFFFE0]  }
0x1e9: {  	[tilespmem:s24+$0xFFFFFF80] =	vst v1;
	v1 =	vmul.f32 $8.000000000e+00, v4;
	v4 =	vld [tilespmem:s24+$0xFFFFFFF0]  }
0x1ea: {  	[tilespmem:s24+$0xFFFFFF90] =	vst v0;
	v0 =	vmul.f32 $8.000000000e+00, v5;
	v5 =	vld [tilespmem:s24+$0x0]  }
0x1eb: {  	[tilespmem:s24+$0xFFFFFFA0] =	vst v1;
	v1 =	vmul.f32 $8.000000000e+00, v6;
	v6 =	vld [tilespmem:s24+$0x10]  }
0x1ec: {  	[tilespmem:s24+$0xFFFFFFB0] =	vst v0;
	v0 =	vmul.f32 $8.000000000e+00, v2;
	v2 =	vld [tilespmem:s24+$0x20]  }
0x1ed: {  	[tilespmem:s24+$0xFFFFFFC0] =	vst v1;
	v1 =	vmul.f32 $8.000000000e+00, v3;
	v3 =	vld [tilespmem:s24+$0x30]  }
0x1ee: {  	[tilespmem:s24+$0xFFFFFFD0] =	vst v0;
	v0 =	vmul.f32 $8.000000000e+00, v4;
	v4 =	vld [tilespmem:s24+$0x40]  }
0x1ef: {  	[tilespmem:s24+$0xFFFFFFE0] =	vst v1;
	v1 =	vmul.f32 $8.000000000e+00, v5;
	v5 =	vld [tilespmem:s24+$0x50]  }
0x1f0: {  	[tilespmem:s24+$0xFFFFFFF0] =	vst v0;
	v0 =	vmul.f32 $8.000000000e+00, v6;
	v6 =	vld [tilespmem:s24+$0x60]  }
0x1f1: {  	[tilespmem:s24+$0x0] =	vst v1;
	v1 =	vmul.f32 $8.000000000e+00, v2;
	v2 =	vld [tilespmem:s24+$0x70]  }
0x1f2: {  	[tilespmem:s24+$0x10] =	vst v0;
	v0 =	vmul.f32 $8.000000000e+00, v3;
	v3 =	vld [tilespmem:s24+$0x80]  }
0x1f3: {  	[tilespmem:s24+$0x20] =	vst v1;
	v1 =	vmul.f32 $8.000000000e+00, v4;
	v4 =	vld [tilespmem:s24+$0x90]  }
0x1f4: {  	v7 =	vld [tilespmem:s24+$0xA0];
	[tilespmem:s24+$0x30] =	vst v0;
	v5 =	vmul.f32 $8.000000000e+00, v5  }
0x1f5: {  	v0 =	vld [tilespmem:s24+$0xB0];
	[tilespmem:s24+$0x40] =	vst v1;
	v6 =	vmul.f32 $8.000000000e+00, v6  }
0x1f6: {  	v1 =	vld [tilespmem:s24+$0xC0];
	[tilespmem:s24+$0x50] =	vst v5;
	v5 =	vmul.f32 $8.000000000e+00, v2  }
0x1f7: {  	v2 =	vld [tilespmem:s24+$0xD0];
	[tilespmem:s24+$0x60] =	vst v6;
	v6 =	vmul.f32 $8.000000000e+00, v3  }
0x1f8: {  	v3 =	vld [tilespmem:s24+$0xE0];
	[tilespmem:s24+$0x70] =	vst v5;
	v5 =	vmul.f32 $8.000000000e+00, v4  }
0x1f9: {  	s9 =	simm.s32 $0x6D40;
	s8 =	simm.s32 $0x0;
	v4 =	vld [tilespmem:s24+$0xFFFFFF00];
	[tilespmem:s24+$0x80] =	vst v6;
	v6 =	vmul.f32 $8.000000000e+00, v7  }
.LBB2_13:
0x1fa: {  	v7 =	vld [tilespmem:s9+$0xF0];
	s8 =	sadd.s32 $0x8, s8;
	[tilespmem:s24+$0x90] =	vst v5;
	v0 =	vmul.f32 $8.000000000e+00, v0  }
0x1fb: {  	v5 =	vld [tilespmem:s9+$0xFFFFFF10];
	p0 =	slt.u32 s8, $0x188;
	[tilespmem:s24+$0xA0] =	vst v6;
	v1 =	vmul.f32 $8.000000000e+00, v1  }
0x1fc: {  	v6 =	vld [tilespmem:s9+$0xFFFFFF20];
	[tilespmem:s24+$0xB0] =	vst v0;
	v0 =	vmul.f32 $8.000000000e+00, v2  }
0x1fd: {  	v2 =	vld [tilespmem:s9+$0xFFFFFF30];
	[tilespmem:s24+$0xC0] =	vst v1;
	v1 =	vmul.f32 $8.000000000e+00, v3  }
0x1fe: {  	v3 =	vld [tilespmem:s9+$0xFFFFFF40];
	v4 =	vmul.f32 $8.000000000e+00, v4;
	[tilespmem:s24+$0xD0] =	vst v0  }
0x1ff: {  	v0 =	vld [tilespmem:s9+$0xFFFFFF50];
	v7 =	vmul.f32 $8.000000000e+00, v7;
	[tilespmem:s24+$0xE0] =	vst v1  }
0x200: {  	v1 =	vmul.f32 $8.000000000e+00, v5;
	v5 =	vld [tilespmem:s9+$0xFFFFFF60];
	[tilespmem:s24+$0xFFFFFF00] =	vst v4;
	s24 =	smov.u32 s9  }
0x201: {  	v4 =	vmul.f32 $8.000000000e+00, v6;
	v6 =	vld [tilespmem:s9+$0xFFFFFF70];
	[tilespmem:s9+$0xF0] =	vst v7  }
0x202: {  	[tilespmem:s9+$0xFFFFFF10] =	vst v1;
	v1 =	vmul.f32 $8.000000000e+00, v2;
	v2 =	vld [tilespmem:s9+$0xFFFFFF80]  }
0x203: {  	[tilespmem:s9+$0xFFFFFF20] =	vst v4;
	v3 =	vmul.f32 $8.000000000e+00, v3;
	v4 =	vld [tilespmem:s9+$0xFFFFFF90]  }
0x204: {  	[tilespmem:s9+$0xFFFFFF30] =	vst v1;
	v0 =	vmul.f32 $8.000000000e+00, v0;
	v1 =	vld [tilespmem:s9+$0xFFFFFFA0]  }
0x205: {  	[tilespmem:s9+$0xFFFFFF40] =	vst v3;
	v3 =	vmul.f32 $8.000000000e+00, v5;
	v5 =	vld [tilespmem:s9+$0xFFFFFFB0]  }
0x206: {  	[tilespmem:s9+$0xFFFFFF50] =	vst v0;
	v0 =	vmul.f32 $8.000000000e+00, v6;
	v6 =	vld [tilespmem:s9+$0xFFFFFFC0]  }
0x207: {  	[tilespmem:s9+$0xFFFFFF60] =	vst v3;
	v2 =	vmul.f32 $8.000000000e+00, v2;
	v3 =	vld [tilespmem:s9+$0xFFFFFFD0]  }
0x208: {  	[tilespmem:s9+$0xFFFFFF70] =	vst v0;
	v0 =	vmul.f32 $8.000000000e+00, v4;
	v4 =	vld [tilespmem:s9+$0xFFFFFFE0]  }
0x209: {  	[tilespmem:s9+$0xFFFFFF80] =	vst v2;
	v1 =	vmul.f32 $8.000000000e+00, v1;
	v2 =	vld [tilespmem:s9+$0xFFFFFFF0]  }
0x20a: {  	[tilespmem:s9+$0xFFFFFF90] =	vst v0;
	v0 =	vmul.f32 $8.000000000e+00, v5;
	v5 =	vld [tilespmem:s9+$0x0]  }
0x20b: {  	[tilespmem:s9+$0xFFFFFFA0] =	vst v1;
	v1 =	vmul.f32 $8.000000000e+00, v6;
	v6 =	vld [tilespmem:s9+$0x10]  }
0x20c: {  	[tilespmem:s9+$0xFFFFFFB0] =	vst v0;
	v0 =	vmul.f32 $8.000000000e+00, v3;
	v3 =	vld [tilespmem:s9+$0x20]  }
0x20d: {  	[tilespmem:s9+$0xFFFFFFC0] =	vst v1;
	v1 =	vmul.f32 $8.000000000e+00, v4;
	v4 =	vld [tilespmem:s9+$0x30]  }
0x20e: {  	[tilespmem:s9+$0xFFFFFFD0] =	vst v0;
	v0 =	vmul.f32 $8.000000000e+00, v2;
	v2 =	vld [tilespmem:s9+$0x40]  }
0x20f: {  	[tilespmem:s9+$0xFFFFFFE0] =	vst v1;
	v1 =	vmul.f32 $8.000000000e+00, v5;
	v5 =	vld [tilespmem:s9+$0x50]  }
0x210: {  	[tilespmem:s9+$0xFFFFFFF0] =	vst v0;
	v0 =	vmul.f32 $8.000000000e+00, v6;
	v6 =	vld [tilespmem:s9+$0x60]  }
0x211: {  	[tilespmem:s9+$0x0] =	vst v1;
	v1 =	vmul.f32 $8.000000000e+00, v3;
	v3 =	vld [tilespmem:s9+$0x70]  }
0x212: {  	[tilespmem:s9+$0x10] =	vst v0;
	v0 =	vmul.f32 $8.000000000e+00, v4;
	v4 =	vld [tilespmem:s9+$0x80]  }
0x213: {  	[tilespmem:s9+$0x20] =	vst v1;
	v1 =	vmul.f32 $8.000000000e+00, v2;
	v7 =	vld [tilespmem:s9+$0x90]  }
0x214: {  	[tilespmem:s9+$0x30] =	vst v0;
	v2 =	vmul.f32 $8.000000000e+00, v5;
	v8 =	vld [tilespmem:s9+$0xA0]  }
.Ltmp5:
0x215: {  	[tilespmem:s9+$0x40] =	vst v1;
	v5 =	vmul.f32 $8.000000000e+00, v6;
	v0 =	vld [tilespmem:s9+$0xB0];
	(pc) =	sbr.rel @p0 .LBB2_13-.Ltmp5, $4  }
0x216: {  	[tilespmem:s9+$0x50] =	vst v2;
	v3 =	vmul.f32 $8.000000000e+00, v3;
	v1 =	vld [tilespmem:s9+$0xC0]  }
0x217: {  	[tilespmem:s9+$0x60] =	vst v5;
	v6 =	vmul.f32 $8.000000000e+00, v4;
	v2 =	vld [tilespmem:s9+$0xD0]  }
0x218: {  	[tilespmem:s9+$0x70] =	vst v3;
	v5 =	vmul.f32 $8.000000000e+00, v7;
	v3 =	vld [tilespmem:s9+$0xE0]  }
0x219: {  	s9 =	sadd.s32 $0x200, s9;
	v4 =	vld [tilespmem:s24+$0xFFFFFF00];
	[tilespmem:s24+$0x80] =	vst v6;
	v6 =	vmul.f32 $8.000000000e+00, v8  }
0x21a: {  	[tilespmem:s24+$0x90] =	vst v5;
	v0 =	vmul.f32 $8.000000000e+00, v0  }
0x21b: {  	[tilespmem:s24+$0xA0] =	vst v6;
	v1 =	vmul.f32 $8.000000000e+00, v1  }
0x21c: {  	[tilespmem:s24+$0xB0] =	vst v0  }
0x21d: {  	[tilespmem:s24+$0xC0] =	vst v1  }
0x21e: {  	v0 =	vmul.f32 $8.000000000e+00, v2;
	s8 =	rddreg [dreg:$0x9]  }
0x21f: {  	v1 =	vmul.f32 $8.000000000e+00, v3;
	s8 =	sadd.s32 s26, s8  }
0x220: {  	v2 =	vmul.f32 $8.000000000e+00, v4;
	[tilespmem:s24+$0xD0] =	vst v0;
	s8 =	sshll.u32 s8, $0x3  }
0x221: {  	[tilespmem:s24+$0xE0] =	vst v1;
	s8 =	sand.u32 $0x1FFFFE80, s8  }
0x222: {  	[tilespmem:s24+$0xFFFFFF00] =	vst v2;
	s8 =	sadd.s32 s2, s8  }
0x223: {  	[hbm4b:s8+s3] =	stream.linear.scatter [tilespmem:s0], [sflag:$0x6], $0x6400, $0x38;
	[tilespmem:$0x19640] =	vst v63  }
0x224: {  	_ =	swait.ge [sflag:s18], $0x6400  }
0x225: {  	s24 =	rddreg [dreg:$0xa]  }
0x226: {  	s8 =	sadd.s32 s26, s24  }
0x227: {  	[sflag:s18] =	ssyncset.done $0x0;
	s8 =	sshrl.u32 s8, $0x3  }
0x228: {  	[sflag:s18] =	ssyncadd.s32 $0xFFFF9C00;
	s8 =	sadd.s32 s5, s8  }
0x229: {  	[tilespmem:s3], [sflag:$0x9] =	stream.linear.gather [hbm4b:s8+s3], $0x190, $0x38;
	[tilespmem:$0x19640] =	vst v63  }
0x22a: {  	_ =	swait.ge [sflag:s30], $0x190  }
0x22b: {  	[sflag:s30] =	ssyncset.done $0x0  }
0x22c: {  	[sflag:s30] =	ssyncadd.s32 $0xFFFFFE70  }
0x22d: {  	[tilespmem:s1], [sflag:$0x1] =	stream.indirect.gather [hbm4b:s6+s31], $0x40, s3, s31, $0xb8;
	[tilespmem:$0x19640] =	vst v63  }
0x22e: {  	_ =	swait.ge [sflag:s19], $0x6400  }
0x22f: {  	[sflag:s19] =	ssyncset.done $0x0  }
0x230: {  	s24 =	simm.s32 $0xCF40;
	[sflag:s19] =	ssyncadd.s32 $0xFFFF9C00  }
0x231: {  	v0 =	vld [tilespmem:s24+$0xF0]  }
0x232: {  	v1 =	vld [tilespmem:s24+$0xFFFFFF10]  }
0x233: {  	v2 =	vld [tilespmem:s24+$0xFFFFFF20]  }
0x234: {  	v3 =	vld [tilespmem:s24+$0xFFFFFF30]  }
0x235: {  	v4 =	vld [tilespmem:s24+$0xFFFFFF40]  }
0x236: {  	v5 =	vld [tilespmem:s24+$0xFFFFFF50];
	v0 =	vmul.f32 $8.000000000e+00, v0  }
0x237: {  	v6 =	vld [tilespmem:s24+$0xFFFFFF60];
	v1 =	vmul.f32 $8.000000000e+00, v1  }
0x238: {  	v7 =	vld [tilespmem:s24+$0xFFFFFF70];
	v2 =	vmul.f32 $8.000000000e+00, v2;
	[tilespmem:s24+$0xF0] =	vst v0  }
0x239: {  	[tilespmem:s24+$0xFFFFFF10] =	vst v1;
	v0 =	vmul.f32 $8.000000000e+00, v3;
	v1 =	vld [tilespmem:s24+$0xFFFFFF80]  }
0x23a: {  	[tilespmem:s24+$0xFFFFFF20] =	vst v2;
	v2 =	vmul.f32 $8.000000000e+00, v4;
	v3 =	vld [tilespmem:s24+$0xFFFFFF90]  }
0x23b: {  	v4 =	vld [tilespmem:s24+$0xFFFFFFA0];
	[tilespmem:s24+$0xFFFFFF30] =	vst v0;
	v0 =	vmul.f32 $8.000000000e+00, v5  }
0x23c: {  	[tilespmem:s24+$0xFFFFFF40] =	vst v2;
	v2 =	vmul.f32 $8.000000000e+00, v6;
	v5 =	vld [tilespmem:s24+$0xFFFFFFB0]  }
0x23d: {  	v6 =	vld [tilespmem:s24+$0xFFFFFFC0];
	[tilespmem:s24+$0xFFFFFF50] =	vst v0;
	v0 =	vmul.f32 $8.000000000e+00, v7  }
0x23e: {  	[tilespmem:s24+$0xFFFFFF60] =	vst v2;
	v2 =	vld [tilespmem:s24+$0xFFFFFFD0];
	v1 =	vmul.f32 $8.000000000e+00, v1  }
0x23f: {  	[tilespmem:s24+$0xFFFFFF70] =	vst v0;
	v0 =	vmul.f32 $8.000000000e+00, v3;
	v3 =	vld [tilespmem:s24+$0xFFFFFFE0]  }
0x240: {  	[tilespmem:s24+$0xFFFFFF80] =	vst v1;
	v1 =	vmul.f32 $8.000000000e+00, v4;
	v4 =	vld [tilespmem:s24+$0xFFFFFFF0]  }
0x241: {  	[tilespmem:s24+$0xFFFFFF90] =	vst v0;
	v0 =	vmul.f32 $8.000000000e+00, v5;
	v5 =	vld [tilespmem:s24+$0x0]  }
0x242: {  	[tilespmem:s24+$0xFFFFFFA0] =	vst v1;
	v1 =	vmul.f32 $8.000000000e+00, v6;
	v6 =	vld [tilespmem:s24+$0x10]  }
0x243: {  	[tilespmem:s24+$0xFFFFFFB0] =	vst v0;
	v0 =	vmul.f32 $8.000000000e+00, v2;
	v2 =	vld [tilespmem:s24+$0x20]  }
0x244: {  	[tilespmem:s24+$0xFFFFFFC0] =	vst v1;
	v1 =	vmul.f32 $8.000000000e+00, v3;
	v3 =	vld [tilespmem:s24+$0x30]  }
0x245: {  	[tilespmem:s24+$0xFFFFFFD0] =	vst v0;
	v0 =	vmul.f32 $8.000000000e+00, v4;
	v4 =	vld [tilespmem:s24+$0x40]  }
0x246: {  	[tilespmem:s24+$0xFFFFFFE0] =	vst v1;
	v1 =	vmul.f32 $8.000000000e+00, v5;
	v5 =	vld [tilespmem:s24+$0x50]  }
0x247: {  	[tilespmem:s24+$0xFFFFFFF0] =	vst v0;
	v0 =	vmul.f32 $8.000000000e+00, v6;
	v6 =	vld [tilespmem:s24+$0x60]  }
0x248: {  	[tilespmem:s24+$0x0] =	vst v1;
	v1 =	vmul.f32 $8.000000000e+00, v2;
	v2 =	vld [tilespmem:s24+$0x70]  }
0x249: {  	[tilespmem:s24+$0x10] =	vst v0;
	v0 =	vmul.f32 $8.000000000e+00, v3;
	v3 =	vld [tilespmem:s24+$0x80]  }
0x24a: {  	[tilespmem:s24+$0x20] =	vst v1;
	v1 =	vmul.f32 $8.000000000e+00, v4;
	v4 =	vld [tilespmem:s24+$0x90]  }
0x24b: {  	v7 =	vld [tilespmem:s24+$0xA0];
	[tilespmem:s24+$0x30] =	vst v0;
	v5 =	vmul.f32 $8.000000000e+00, v5  }
0x24c: {  	v0 =	vld [tilespmem:s24+$0xB0];
	[tilespmem:s24+$0x40] =	vst v1;
	v6 =	vmul.f32 $8.000000000e+00, v6  }
0x24d: {  	v1 =	vld [tilespmem:s24+$0xC0];
	[tilespmem:s24+$0x50] =	vst v5;
	v5 =	vmul.f32 $8.000000000e+00, v2  }
0x24e: {  	v2 =	vld [tilespmem:s24+$0xD0];
	[tilespmem:s24+$0x60] =	vst v6;
	v6 =	vmul.f32 $8.000000000e+00, v3  }
0x24f: {  	v3 =	vld [tilespmem:s24+$0xE0];
	[tilespmem:s24+$0x70] =	vst v5;
	v5 =	vmul.f32 $8.000000000e+00, v4  }
0x250: {  	s9 =	simm.s32 $0xD140;
	s8 =	simm.s32 $0x0;
	v4 =	vld [tilespmem:s24+$0xFFFFFF00];
	[tilespmem:s24+$0x80] =	vst v6;
	v6 =	vmul.f32 $8.000000000e+00, v7  }
.LBB2_15:
0x251: {  	v7 =	vld [tilespmem:s9+$0xF0];
	s8 =	sadd.s32 $0x8, s8;
	[tilespmem:s24+$0x90] =	vst v5;
	v0 =	vmul.f32 $8.000000000e+00, v0  }
0x252: {  	v5 =	vld [tilespmem:s9+$0xFFFFFF10];
	p0 =	slt.u32 s8, $0x188;
	[tilespmem:s24+$0xA0] =	vst v6;
	v1 =	vmul.f32 $8.000000000e+00, v1  }
0x253: {  	v6 =	vld [tilespmem:s9+$0xFFFFFF20];
	[tilespmem:s24+$0xB0] =	vst v0;
	v0 =	vmul.f32 $8.000000000e+00, v2  }
0x254: {  	v2 =	vld [tilespmem:s9+$0xFFFFFF30];
	[tilespmem:s24+$0xC0] =	vst v1;
	v1 =	vmul.f32 $8.000000000e+00, v3  }
0x255: {  	v3 =	vld [tilespmem:s9+$0xFFFFFF40];
	v4 =	vmul.f32 $8.000000000e+00, v4;
	[tilespmem:s24+$0xD0] =	vst v0  }
0x256: {  	v0 =	vld [tilespmem:s9+$0xFFFFFF50];
	v7 =	vmul.f32 $8.000000000e+00, v7;
	[tilespmem:s24+$0xE0] =	vst v1  }
0x257: {  	v1 =	vmul.f32 $8.000000000e+00, v5;
	v5 =	vld [tilespmem:s9+$0xFFFFFF60];
	[tilespmem:s24+$0xFFFFFF00] =	vst v4;
	s24 =	smov.u32 s9  }
0x258: {  	v4 =	vmul.f32 $8.000000000e+00, v6;
	v6 =	vld [tilespmem:s9+$0xFFFFFF70];
	[tilespmem:s9+$0xF0] =	vst v7  }
0x259: {  	[tilespmem:s9+$0xFFFFFF10] =	vst v1;
	v1 =	vmul.f32 $8.000000000e+00, v2;
	v2 =	vld [tilespmem:s9+$0xFFFFFF80]  }
0x25a: {  	[tilespmem:s9+$0xFFFFFF20] =	vst v4;
	v3 =	vmul.f32 $8.000000000e+00, v3;
	v4 =	vld [tilespmem:s9+$0xFFFFFF90]  }
0x25b: {  	[tilespmem:s9+$0xFFFFFF30] =	vst v1;
	v0 =	vmul.f32 $8.000000000e+00, v0;
	v1 =	vld [tilespmem:s9+$0xFFFFFFA0]  }
0x25c: {  	[tilespmem:s9+$0xFFFFFF40] =	vst v3;
	v3 =	vmul.f32 $8.000000000e+00, v5;
	v5 =	vld [tilespmem:s9+$0xFFFFFFB0]  }
0x25d: {  	[tilespmem:s9+$0xFFFFFF50] =	vst v0;
	v0 =	vmul.f32 $8.000000000e+00, v6;
	v6 =	vld [tilespmem:s9+$0xFFFFFFC0]  }
0x25e: {  	[tilespmem:s9+$0xFFFFFF60] =	vst v3;
	v2 =	vmul.f32 $8.000000000e+00, v2;
	v3 =	vld [tilespmem:s9+$0xFFFFFFD0]  }
0x25f: {  	[tilespmem:s9+$0xFFFFFF70] =	vst v0;
	v0 =	vmul.f32 $8.000000000e+00, v4;
	v4 =	vld [tilespmem:s9+$0xFFFFFFE0]  }
0x260: {  	[tilespmem:s9+$0xFFFFFF80] =	vst v2;
	v1 =	vmul.f32 $8.000000000e+00, v1;
	v2 =	vld [tilespmem:s9+$0xFFFFFFF0]  }
0x261: {  	[tilespmem:s9+$0xFFFFFF90] =	vst v0;
	v0 =	vmul.f32 $8.000000000e+00, v5;
	v5 =	vld [tilespmem:s9+$0x0]  }
0x262: {  	[tilespmem:s9+$0xFFFFFFA0] =	vst v1;
	v1 =	vmul.f32 $8.000000000e+00, v6;
	v6 =	vld [tilespmem:s9+$0x10]  }
0x263: {  	[tilespmem:s9+$0xFFFFFFB0] =	vst v0;
	v0 =	vmul.f32 $8.000000000e+00, v3;
	v3 =	vld [tilespmem:s9+$0x20]  }
0x264: {  	[tilespmem:s9+$0xFFFFFFC0] =	vst v1;
	v1 =	vmul.f32 $8.000000000e+00, v4;
	v4 =	vld [tilespmem:s9+$0x30]  }
0x265: {  	[tilespmem:s9+$0xFFFFFFD0] =	vst v0;
	v0 =	vmul.f32 $8.000000000e+00, v2;
	v2 =	vld [tilespmem:s9+$0x40]  }
0x266: {  	[tilespmem:s9+$0xFFFFFFE0] =	vst v1;
	v1 =	vmul.f32 $8.000000000e+00, v5;
	v5 =	vld [tilespmem:s9+$0x50]  }
0x267: {  	[tilespmem:s9+$0xFFFFFFF0] =	vst v0;
	v0 =	vmul.f32 $8.000000000e+00, v6;
	v6 =	vld [tilespmem:s9+$0x60]  }
0x268: {  	[tilespmem:s9+$0x0] =	vst v1;
	v1 =	vmul.f32 $8.000000000e+00, v3;
	v3 =	vld [tilespmem:s9+$0x70]  }
0x269: {  	[tilespmem:s9+$0x10] =	vst v0;
	v0 =	vmul.f32 $8.000000000e+00, v4;
	v4 =	vld [tilespmem:s9+$0x80]  }
0x26a: {  	[tilespmem:s9+$0x20] =	vst v1;
	v1 =	vmul.f32 $8.000000000e+00, v2;
	v7 =	vld [tilespmem:s9+$0x90]  }
0x26b: {  	[tilespmem:s9+$0x30] =	vst v0;
	v2 =	vmul.f32 $8.000000000e+00, v5;
	v8 =	vld [tilespmem:s9+$0xA0]  }
.Ltmp6:
0x26c: {  	[tilespmem:s9+$0x40] =	vst v1;
	v5 =	vmul.f32 $8.000000000e+00, v6;
	v0 =	vld [tilespmem:s9+$0xB0];
	(pc) =	sbr.rel @p0 .LBB2_15-.Ltmp6, $4  }
0x26d: {  	[tilespmem:s9+$0x50] =	vst v2;
	v3 =	vmul.f32 $8.000000000e+00, v3;
	v1 =	vld [tilespmem:s9+$0xC0]  }
0x26e: {  	[tilespmem:s9+$0x60] =	vst v5;
	v6 =	vmul.f32 $8.000000000e+00, v4;
	v2 =	vld [tilespmem:s9+$0xD0]  }
0x26f: {  	[tilespmem:s9+$0x70] =	vst v3;
	v5 =	vmul.f32 $8.000000000e+00, v7;
	v3 =	vld [tilespmem:s9+$0xE0]  }
0x270: {  	s9 =	sadd.s32 $0x200, s9;
	v4 =	vld [tilespmem:s24+$0xFFFFFF00];
	[tilespmem:s24+$0x80] =	vst v6;
	v6 =	vmul.f32 $8.000000000e+00, v8  }
0x271: {  	[tilespmem:s24+$0x90] =	vst v5;
	v0 =	vmul.f32 $8.000000000e+00, v0  }
0x272: {  	[tilespmem:s24+$0xA0] =	vst v6;
	v1 =	vmul.f32 $8.000000000e+00, v1  }
0x273: {  	[tilespmem:s24+$0xB0] =	vst v0;
	v0 =	vmul.f32 $8.000000000e+00, v2  }
0x274: {  	[tilespmem:s24+$0xC0] =	vst v1;
	v1 =	vmul.f32 $8.000000000e+00, v3  }
0x275: {  	s8 =	sshll.u32 s28, $0x3;
	v2 =	vmul.f32 $8.000000000e+00, v4;
	[tilespmem:s24+$0xD0] =	vst v0  }
0x276: {  	s8 =	sand.u32 $0x1FFFFF00, s8;
	[tilespmem:s24+$0xE0] =	vst v1  }
0x277: {  	s8 =	sadd.s32 s2, s8;
	[tilespmem:s24+$0xFFFFFF00] =	vst v2  }
0x278: {  	[hbm4b:s8+s3] =	stream.linear.scatter [tilespmem:s10], [sflag:$0x7], $0x6400, $0x38;
	[tilespmem:$0x19640] =	vst v63  }
0x279: {  	s28 =	sadd.s32 s26, s12;
	_ =	swait.ge [sflag:s20], $0x6400  }
0x27a: {  	s8 =	sshrl.u32 s28, $0x3;
	[sflag:s20] =	ssyncset.done $0x0  }
0x27b: {  	s8 =	sadd.s32 s5, s8;
	[sflag:s20] =	ssyncadd.s32 $0xFFFF9C00  }
0x27c: {  	[tilespmem:s31], [sflag:$0x9] =	stream.linear.gather [hbm4b:s8+s3], $0x190, $0x38;
	[tilespmem:$0x19640] =	vst v63  }
0x27d: {  	_ =	swait.ge [sflag:s30], $0x190  }
0x27e: {  	[sflag:s30] =	ssyncset.done $0x0  }
0x27f: {  	[sflag:s30] =	ssyncadd.s32 $0xFFFFFE70  }
0x280: {  	[tilespmem:s0], [sflag:$0x2] =	stream.indirect.gather [hbm4b:s6+s31], $0x40, s31, s31, $0xb8;
	[tilespmem:$0x19640] =	vst v63  }
0x281: {  	_ =	swait.ge [sflag:s21], $0x6400  }
0x282: {  	[sflag:s21] =	ssyncset.done $0x0  }
0x283: {  	s24 =	simm.s32 $0x13340;
	[sflag:s21] =	ssyncadd.s32 $0xFFFF9C00  }
0x284: {  	v0 =	vld [tilespmem:s24+$0xF0]  }
0x285: {  	v1 =	vld [tilespmem:s24+$0xFFFFFF10]  }
0x286: {  	v2 =	vld [tilespmem:s24+$0xFFFFFF20]  }
0x287: {  	v3 =	vld [tilespmem:s24+$0xFFFFFF30]  }
0x288: {  	v4 =	vld [tilespmem:s24+$0xFFFFFF40]  }
0x289: {  	v5 =	vld [tilespmem:s24+$0xFFFFFF50];
	v0 =	vmul.f32 $8.000000000e+00, v0  }
0x28a: {  	v6 =	vld [tilespmem:s24+$0xFFFFFF60];
	v1 =	vmul.f32 $8.000000000e+00, v1  }
0x28b: {  	v7 =	vld [tilespmem:s24+$0xFFFFFF70];
	v2 =	vmul.f32 $8.000000000e+00, v2;
	[tilespmem:s24+$0xF0] =	vst v0  }
0x28c: {  	[tilespmem:s24+$0xFFFFFF10] =	vst v1;
	v0 =	vmul.f32 $8.000000000e+00, v3;
	v1 =	vld [tilespmem:s24+$0xFFFFFF80]  }
0x28d: {  	[tilespmem:s24+$0xFFFFFF20] =	vst v2;
	v2 =	vmul.f32 $8.000000000e+00, v4;
	v3 =	vld [tilespmem:s24+$0xFFFFFF90]  }
0x28e: {  	v4 =	vld [tilespmem:s24+$0xFFFFFFA0];
	[tilespmem:s24+$0xFFFFFF30] =	vst v0;
	v0 =	vmul.f32 $8.000000000e+00, v5  }
0x28f: {  	[tilespmem:s24+$0xFFFFFF40] =	vst v2;
	v2 =	vmul.f32 $8.000000000e+00, v6;
	v5 =	vld [tilespmem:s24+$0xFFFFFFB0]  }
0x290: {  	v6 =	vld [tilespmem:s24+$0xFFFFFFC0];
	[tilespmem:s24+$0xFFFFFF50] =	vst v0;
	v0 =	vmul.f32 $8.000000000e+00, v7  }
0x291: {  	[tilespmem:s24+$0xFFFFFF60] =	vst v2;
	v2 =	vld [tilespmem:s24+$0xFFFFFFD0];
	v1 =	vmul.f32 $8.000000000e+00, v1  }
0x292: {  	[tilespmem:s24+$0xFFFFFF70] =	vst v0;
	v0 =	vmul.f32 $8.000000000e+00, v3;
	v3 =	vld [tilespmem:s24+$0xFFFFFFE0]  }
0x293: {  	[tilespmem:s24+$0xFFFFFF80] =	vst v1;
	v1 =	vmul.f32 $8.000000000e+00, v4;
	v4 =	vld [tilespmem:s24+$0xFFFFFFF0]  }
0x294: {  	[tilespmem:s24+$0xFFFFFF90] =	vst v0;
	v0 =	vmul.f32 $8.000000000e+00, v5;
	v5 =	vld [tilespmem:s24+$0x0]  }
0x295: {  	[tilespmem:s24+$0xFFFFFFA0] =	vst v1;
	v1 =	vmul.f32 $8.000000000e+00, v6;
	v6 =	vld [tilespmem:s24+$0x10]  }
0x296: {  	[tilespmem:s24+$0xFFFFFFB0] =	vst v0;
	v0 =	vmul.f32 $8.000000000e+00, v2;
	v2 =	vld [tilespmem:s24+$0x20]  }
0x297: {  	[tilespmem:s24+$0xFFFFFFC0] =	vst v1;
	v1 =	vmul.f32 $8.000000000e+00, v3;
	v3 =	vld [tilespmem:s24+$0x30]  }
0x298: {  	[tilespmem:s24+$0xFFFFFFD0] =	vst v0;
	v0 =	vmul.f32 $8.000000000e+00, v4;
	v4 =	vld [tilespmem:s24+$0x40]  }
0x299: {  	[tilespmem:s24+$0xFFFFFFE0] =	vst v1;
	v1 =	vmul.f32 $8.000000000e+00, v5;
	v5 =	vld [tilespmem:s24+$0x50]  }
0x29a: {  	[tilespmem:s24+$0xFFFFFFF0] =	vst v0;
	v0 =	vmul.f32 $8.000000000e+00, v6;
	v6 =	vld [tilespmem:s24+$0x60]  }
0x29b: {  	[tilespmem:s24+$0x0] =	vst v1;
	v1 =	vmul.f32 $8.000000000e+00, v2;
	v2 =	vld [tilespmem:s24+$0x70]  }
0x29c: {  	[tilespmem:s24+$0x10] =	vst v0;
	v0 =	vmul.f32 $8.000000000e+00, v3;
	v3 =	vld [tilespmem:s24+$0x80]  }
0x29d: {  	[tilespmem:s24+$0x20] =	vst v1;
	v1 =	vmul.f32 $8.000000000e+00, v4;
	v4 =	vld [tilespmem:s24+$0x90]  }
0x29e: {  	v7 =	vld [tilespmem:s24+$0xA0];
	[tilespmem:s24+$0x30] =	vst v0;
	v5 =	vmul.f32 $8.000000000e+00, v5  }
0x29f: {  	v0 =	vld [tilespmem:s24+$0xB0];
	[tilespmem:s24+$0x40] =	vst v1;
	v6 =	vmul.f32 $8.000000000e+00, v6  }
0x2a0: {  	v1 =	vld [tilespmem:s24+$0xC0];
	[tilespmem:s24+$0x50] =	vst v5;
	v5 =	vmul.f32 $8.000000000e+00, v2  }
0x2a1: {  	v2 =	vld [tilespmem:s24+$0xD0];
	[tilespmem:s24+$0x60] =	vst v6;
	v6 =	vmul.f32 $8.000000000e+00, v3  }
0x2a2: {  	v3 =	vld [tilespmem:s24+$0xE0];
	[tilespmem:s24+$0x70] =	vst v5;
	v5 =	vmul.f32 $8.000000000e+00, v4  }
0x2a3: {  	s9 =	simm.s32 $0x13540;
	s8 =	simm.s32 $0x0;
	v4 =	vld [tilespmem:s24+$0xFFFFFF00];
	[tilespmem:s24+$0x80] =	vst v6;
	v6 =	vmul.f32 $8.000000000e+00, v7  }
.LBB2_17:
0x2a4: {  	v7 =	vld [tilespmem:s9+$0xF0];
	s8 =	sadd.s32 $0x8, s8;
	[tilespmem:s24+$0x90] =	vst v5;
	v0 =	vmul.f32 $8.000000000e+00, v0  }
0x2a5: {  	v5 =	vld [tilespmem:s9+$0xFFFFFF10];
	p0 =	slt.u32 s8, $0x188;
	[tilespmem:s24+$0xA0] =	vst v6;
	v1 =	vmul.f32 $8.000000000e+00, v1  }
0x2a6: {  	v6 =	vld [tilespmem:s9+$0xFFFFFF20];
	[tilespmem:s24+$0xB0] =	vst v0;
	v0 =	vmul.f32 $8.000000000e+00, v2  }
0x2a7: {  	v2 =	vld [tilespmem:s9+$0xFFFFFF30];
	[tilespmem:s24+$0xC0] =	vst v1;
	v1 =	vmul.f32 $8.000000000e+00, v3  }
0x2a8: {  	v3 =	vld [tilespmem:s9+$0xFFFFFF40];
	v4 =	vmul.f32 $8.000000000e+00, v4;
	[tilespmem:s24+$0xD0] =	vst v0  }
0x2a9: {  	v0 =	vld [tilespmem:s9+$0xFFFFFF50];
	v7 =	vmul.f32 $8.000000000e+00, v7;
	[tilespmem:s24+$0xE0] =	vst v1  }
0x2aa: {  	v1 =	vmul.f32 $8.000000000e+00, v5;
	v5 =	vld [tilespmem:s9+$0xFFFFFF60];
	[tilespmem:s24+$0xFFFFFF00] =	vst v4;
	s24 =	smov.u32 s9  }
0x2ab: {  	v4 =	vmul.f32 $8.000000000e+00, v6;
	v6 =	vld [tilespmem:s9+$0xFFFFFF70];
	[tilespmem:s9+$0xF0] =	vst v7  }
0x2ac: {  	[tilespmem:s9+$0xFFFFFF10] =	vst v1;
	v1 =	vmul.f32 $8.000000000e+00, v2;
	v2 =	vld [tilespmem:s9+$0xFFFFFF80]  }
0x2ad: {  	[tilespmem:s9+$0xFFFFFF20] =	vst v4;
	v3 =	vmul.f32 $8.000000000e+00, v3;
	v4 =	vld [tilespmem:s9+$0xFFFFFF90]  }
0x2ae: {  	[tilespmem:s9+$0xFFFFFF30] =	vst v1;
	v0 =	vmul.f32 $8.000000000e+00, v0;
	v1 =	vld [tilespmem:s9+$0xFFFFFFA0]  }
0x2af: {  	[tilespmem:s9+$0xFFFFFF40] =	vst v3;
	v3 =	vmul.f32 $8.000000000e+00, v5;
	v5 =	vld [tilespmem:s9+$0xFFFFFFB0]  }
0x2b0: {  	[tilespmem:s9+$0xFFFFFF50] =	vst v0;
	v0 =	vmul.f32 $8.000000000e+00, v6;
	v6 =	vld [tilespmem:s9+$0xFFFFFFC0]  }
0x2b1: {  	[tilespmem:s9+$0xFFFFFF60] =	vst v3;
	v2 =	vmul.f32 $8.000000000e+00, v2;
	v3 =	vld [tilespmem:s9+$0xFFFFFFD0]  }
0x2b2: {  	[tilespmem:s9+$0xFFFFFF70] =	vst v0;
	v0 =	vmul.f32 $8.000000000e+00, v4;
	v4 =	vld [tilespmem:s9+$0xFFFFFFE0]  }
0x2b3: {  	[tilespmem:s9+$0xFFFFFF80] =	vst v2;
	v1 =	vmul.f32 $8.000000000e+00, v1;
	v2 =	vld [tilespmem:s9+$0xFFFFFFF0]  }
0x2b4: {  	[tilespmem:s9+$0xFFFFFF90] =	vst v0;
	v0 =	vmul.f32 $8.000000000e+00, v5;
	v5 =	vld [tilespmem:s9+$0x0]  }
0x2b5: {  	[tilespmem:s9+$0xFFFFFFA0] =	vst v1;
	v1 =	vmul.f32 $8.000000000e+00, v6;
	v6 =	vld [tilespmem:s9+$0x10]  }
0x2b6: {  	[tilespmem:s9+$0xFFFFFFB0] =	vst v0;
	v0 =	vmul.f32 $8.000000000e+00, v3;
	v3 =	vld [tilespmem:s9+$0x20]  }
0x2b7: {  	[tilespmem:s9+$0xFFFFFFC0] =	vst v1;
	v1 =	vmul.f32 $8.000000000e+00, v4;
	v4 =	vld [tilespmem:s9+$0x30]  }
0x2b8: {  	[tilespmem:s9+$0xFFFFFFD0] =	vst v0;
	v0 =	vmul.f32 $8.000000000e+00, v2;
	v2 =	vld [tilespmem:s9+$0x40]  }
0x2b9: {  	[tilespmem:s9+$0xFFFFFFE0] =	vst v1;
	v1 =	vmul.f32 $8.000000000e+00, v5;
	v5 =	vld [tilespmem:s9+$0x50]  }
0x2ba: {  	[tilespmem:s9+$0xFFFFFFF0] =	vst v0;
	v0 =	vmul.f32 $8.000000000e+00, v6;
	v6 =	vld [tilespmem:s9+$0x60]  }
0x2bb: {  	[tilespmem:s9+$0x0] =	vst v1;
	v1 =	vmul.f32 $8.000000000e+00, v3;
	v3 =	vld [tilespmem:s9+$0x70]  }
0x2bc: {  	[tilespmem:s9+$0x10] =	vst v0;
	v0 =	vmul.f32 $8.000000000e+00, v4;
	v4 =	vld [tilespmem:s9+$0x80]  }
0x2bd: {  	[tilespmem:s9+$0x20] =	vst v1;
	v1 =	vmul.f32 $8.000000000e+00, v2;
	v7 =	vld [tilespmem:s9+$0x90]  }
0x2be: {  	[tilespmem:s9+$0x30] =	vst v0;
	v2 =	vmul.f32 $8.000000000e+00, v5;
	v8 =	vld [tilespmem:s9+$0xA0]  }
.Ltmp7:
0x2bf: {  	[tilespmem:s9+$0x40] =	vst v1;
	v5 =	vmul.f32 $8.000000000e+00, v6;
	v0 =	vld [tilespmem:s9+$0xB0];
	(pc) =	sbr.rel @p0 .LBB2_17-.Ltmp7, $4  }
0x2c0: {  	[tilespmem:s9+$0x50] =	vst v2;
	v3 =	vmul.f32 $8.000000000e+00, v3;
	v1 =	vld [tilespmem:s9+$0xC0]  }
0x2c1: {  	[tilespmem:s9+$0x60] =	vst v5;
	v6 =	vmul.f32 $8.000000000e+00, v4;
	v2 =	vld [tilespmem:s9+$0xD0]  }
0x2c2: {  	[tilespmem:s9+$0x70] =	vst v3;
	v5 =	vmul.f32 $8.000000000e+00, v7;
	v3 =	vld [tilespmem:s9+$0xE0]  }
0x2c3: {  	s9 =	sadd.s32 $0x200, s9;
	v4 =	vld [tilespmem:s24+$0xFFFFFF00];
	[tilespmem:s24+$0x80] =	vst v6;
	v6 =	vmul.f32 $8.000000000e+00, v8  }
0x2c4: {  	[tilespmem:s24+$0x90] =	vst v5;
	v0 =	vmul.f32 $8.000000000e+00, v0  }
0x2c5: {  	s25 =	sadd.s32 $0x1, s25;
	[tilespmem:s24+$0xA0] =	vst v6;
	v1 =	vmul.f32 $8.000000000e+00, v1  }
0x2c6: {  	p0 =	sne.s32 s25, $0xF;
	[tilespmem:s24+$0xB0] =	vst v0;
	v61 =	vmul.f32 $8.000000000e+00, v2  }
.Ltmp8:
0x2c7: {  	[tilespmem:s24+$0xC0] =	vst v1;
	v62 =	vmul.f32 $8.000000000e+00, v3;
	(pc) =	sbr.rel @p0 .LBB2_10-.Ltmp8, $4  }
0x2c8: {  	s8 =	sshll.u32 s29, $0x3;
	v63 =	vmul.f32 $8.000000000e+00, v4;
	[tilespmem:s24+$0xD0] =	vst v61  }
0x2c9: {  	s8 =	sand.u32 $0x1FFFFF80, s8;
	[tilespmem:s24+$0xE0] =	vst v62  }
0x2ca: {  	s8 =	sadd.s32 s2, s8;
	[tilespmem:s24+$0xFFFFFF00] =	vst v63  }
0x2cb: {  	[hbm4b:s8+s3] =	stream.linear.scatter [tilespmem:s14], [sflag:$0x8], $0x6400, $0x38;
	[tilespmem:$0x19640] =	vst v63  }
0x2cc: {  	_ =	swait.ge [sflag:s22], $0x6400  }
0x2cd: {  	[sflag:s22] =	ssyncset.done $0x0  }
0x2ce: {  	s8 =	rddreg [dreg:$0xf];
	[sflag:s22] =	ssyncadd.s32 $0xFFFF9C00  }
0x2cf: {  	[tilespmem:s7], [sflag:$0x9] =	stream.linear.gather [hbm4b:s8+s3], $0x190, $0x38;
	[tilespmem:$0x19640] =	vst v63  }
0x2d0: {  	_ =	swait.ge [sflag:s30], $0x190  }
0x2d1: {  	[sflag:s30] =	ssyncset.done $0x0  }
0x2d2: {  	[sflag:s30] =	ssyncadd.s32 $0xFFFFFE70  }
0x2d3: {  	[tilespmem:s10], [sflag:$0x3] =	stream.indirect.gather [hbm4b:s6+s31], $0x40, s7, s31, $0xb8;
	[tilespmem:$0x19640] =	vst v63  }
0x2d4: {  	_ =	swait.ge [sflag:s11], $0x6400  }
0x2d5: {  	[sflag:s11] =	ssyncset.done $0x0  }
0x2d6: {  	s24 =	simm.s32 $0x740;
	[sflag:s11] =	ssyncadd.s32 $0xFFFF9C00  }
0x2d7: {  	v0 =	vld [tilespmem:s24+$0xF0]  }
0x2d8: {  	v1 =	vld [tilespmem:s24+$0xFFFFFF10]  }
0x2d9: {  	v2 =	vld [tilespmem:s24+$0xFFFFFF20]  }
0x2da: {  	v3 =	vld [tilespmem:s24+$0xFFFFFF30]  }
0x2db: {  	v4 =	vld [tilespmem:s24+$0xFFFFFF40]  }
0x2dc: {  	v5 =	vld [tilespmem:s24+$0xFFFFFF50];
	v0 =	vmul.f32 $8.000000000e+00, v0  }
0x2dd: {  	v6 =	vld [tilespmem:s24+$0xFFFFFF60];
	v1 =	vmul.f32 $8.000000000e+00, v1  }
0x2de: {  	v7 =	vld [tilespmem:s24+$0xFFFFFF70];
	v2 =	vmul.f32 $8.000000000e+00, v2;
	[tilespmem:s24+$0xF0] =	vst v0  }
0x2df: {  	[tilespmem:s24+$0xFFFFFF10] =	vst v1;
	v0 =	vmul.f32 $8.000000000e+00, v3;
	v1 =	vld [tilespmem:s24+$0xFFFFFF80]  }
0x2e0: {  	[tilespmem:s24+$0xFFFFFF20] =	vst v2;
	v2 =	vmul.f32 $8.000000000e+00, v4;
	v3 =	vld [tilespmem:s24+$0xFFFFFF90]  }
0x2e1: {  	v4 =	vld [tilespmem:s24+$0xFFFFFFA0];
	[tilespmem:s24+$0xFFFFFF30] =	vst v0;
	v0 =	vmul.f32 $8.000000000e+00, v5  }
0x2e2: {  	[tilespmem:s24+$0xFFFFFF40] =	vst v2;
	v2 =	vmul.f32 $8.000000000e+00, v6;
	v5 =	vld [tilespmem:s24+$0xFFFFFFB0]  }
0x2e3: {  	v6 =	vld [tilespmem:s24+$0xFFFFFFC0];
	[tilespmem:s24+$0xFFFFFF50] =	vst v0;
	v0 =	vmul.f32 $8.000000000e+00, v7  }
0x2e4: {  	[tilespmem:s24+$0xFFFFFF60] =	vst v2;
	v2 =	vld [tilespmem:s24+$0xFFFFFFD0];
	v1 =	vmul.f32 $8.000000000e+00, v1  }
0x2e5: {  	[tilespmem:s24+$0xFFFFFF70] =	vst v0;
	v0 =	vmul.f32 $8.000000000e+00, v3;
	v3 =	vld [tilespmem:s24+$0xFFFFFFE0]  }
0x2e6: {  	[tilespmem:s24+$0xFFFFFF80] =	vst v1;
	v1 =	vmul.f32 $8.000000000e+00, v4;
	v4 =	vld [tilespmem:s24+$0xFFFFFFF0]  }
0x2e7: {  	[tilespmem:s24+$0xFFFFFF90] =	vst v0;
	v0 =	vmul.f32 $8.000000000e+00, v5;
	v5 =	vld [tilespmem:s24+$0x0]  }
0x2e8: {  	[tilespmem:s24+$0xFFFFFFA0] =	vst v1;
	v1 =	vmul.f32 $8.000000000e+00, v6;
	v6 =	vld [tilespmem:s24+$0x10]  }
0x2e9: {  	[tilespmem:s24+$0xFFFFFFB0] =	vst v0;
	v0 =	vmul.f32 $8.000000000e+00, v2;
	v2 =	vld [tilespmem:s24+$0x20]  }
0x2ea: {  	[tilespmem:s24+$0xFFFFFFC0] =	vst v1;
	v1 =	vmul.f32 $8.000000000e+00, v3;
	v3 =	vld [tilespmem:s24+$0x30]  }
0x2eb: {  	[tilespmem:s24+$0xFFFFFFD0] =	vst v0;
	v0 =	vmul.f32 $8.000000000e+00, v4;
	v4 =	vld [tilespmem:s24+$0x40]  }
0x2ec: {  	[tilespmem:s24+$0xFFFFFFE0] =	vst v1;
	v1 =	vmul.f32 $8.000000000e+00, v5;
	v5 =	vld [tilespmem:s24+$0x50]  }
0x2ed: {  	[tilespmem:s24+$0xFFFFFFF0] =	vst v0;
	v0 =	vmul.f32 $8.000000000e+00, v6;
	v6 =	vld [tilespmem:s24+$0x60]  }
0x2ee: {  	[tilespmem:s24+$0x0] =	vst v1;
	v1 =	vmul.f32 $8.000000000e+00, v2;
	v2 =	vld [tilespmem:s24+$0x70]  }
0x2ef: {  	[tilespmem:s24+$0x10] =	vst v0;
	v0 =	vmul.f32 $8.000000000e+00, v3;
	v3 =	vld [tilespmem:s24+$0x80]  }
0x2f0: {  	[tilespmem:s24+$0x20] =	vst v1;
	v1 =	vmul.f32 $8.000000000e+00, v4;
	v4 =	vld [tilespmem:s24+$0x90]  }
0x2f1: {  	v7 =	vld [tilespmem:s24+$0xA0];
	[tilespmem:s24+$0x30] =	vst v0;
	v5 =	vmul.f32 $8.000000000e+00, v5  }
0x2f2: {  	v0 =	vld [tilespmem:s24+$0xB0];
	[tilespmem:s24+$0x40] =	vst v1;
	v6 =	vmul.f32 $8.000000000e+00, v6  }
0x2f3: {  	v1 =	vld [tilespmem:s24+$0xC0];
	[tilespmem:s24+$0x50] =	vst v5;
	v5 =	vmul.f32 $8.000000000e+00, v2  }
0x2f4: {  	v2 =	vld [tilespmem:s24+$0xD0];
	[tilespmem:s24+$0x60] =	vst v6;
	v6 =	vmul.f32 $8.000000000e+00, v3  }
0x2f5: {  	v3 =	vld [tilespmem:s24+$0xE0];
	[tilespmem:s24+$0x70] =	vst v5;
	v5 =	vmul.f32 $8.000000000e+00, v4  }
0x2f6: {  	s9 =	simm.s32 $0x940;
	s8 =	simm.s32 $0x0;
	v4 =	vld [tilespmem:s24+$0xFFFFFF00];
	[tilespmem:s24+$0x80] =	vst v6;
	v6 =	vmul.f32 $8.000000000e+00, v7  }
.LBB2_20:
0x2f7: {  	v7 =	vld [tilespmem:s9+$0xF0];
	s8 =	sadd.s32 $0x8, s8;
	[tilespmem:s24+$0x90] =	vst v5;
	v0 =	vmul.f32 $8.000000000e+00, v0  }
0x2f8: {  	v5 =	vld [tilespmem:s9+$0xFFFFFF10];
	p0 =	slt.u32 s8, $0x188;
	[tilespmem:s24+$0xA0] =	vst v6;
	v1 =	vmul.f32 $8.000000000e+00, v1  }
0x2f9: {  	v6 =	vld [tilespmem:s9+$0xFFFFFF20];
	[tilespmem:s24+$0xB0] =	vst v0;
	v0 =	vmul.f32 $8.000000000e+00, v2  }
0x2fa: {  	v2 =	vld [tilespmem:s9+$0xFFFFFF30];
	[tilespmem:s24+$0xC0] =	vst v1;
	v1 =	vmul.f32 $8.000000000e+00, v3  }
0x2fb: {  	v3 =	vld [tilespmem:s9+$0xFFFFFF40];
	v4 =	vmul.f32 $8.000000000e+00, v4;
	[tilespmem:s24+$0xD0] =	vst v0  }
0x2fc: {  	v0 =	vld [tilespmem:s9+$0xFFFFFF50];
	v7 =	vmul.f32 $8.000000000e+00, v7;
	[tilespmem:s24+$0xE0] =	vst v1  }
0x2fd: {  	v1 =	vmul.f32 $8.000000000e+00, v5;
	v5 =	vld [tilespmem:s9+$0xFFFFFF60];
	[tilespmem:s24+$0xFFFFFF00] =	vst v4;
	s24 =	smov.u32 s9  }
0x2fe: {  	v4 =	vmul.f32 $8.000000000e+00, v6;
	v6 =	vld [tilespmem:s9+$0xFFFFFF70];
	[tilespmem:s9+$0xF0] =	vst v7  }
0x2ff: {  	[tilespmem:s9+$0xFFFFFF10] =	vst v1;
	v1 =	vmul.f32 $8.000000000e+00, v2;
	v2 =	vld [tilespmem:s9+$0xFFFFFF80]  }
0x300: {  	[tilespmem:s9+$0xFFFFFF20] =	vst v4;
	v3 =	vmul.f32 $8.000000000e+00, v3;
	v4 =	vld [tilespmem:s9+$0xFFFFFF90]  }
0x301: {  	[tilespmem:s9+$0xFFFFFF30] =	vst v1;
	v0 =	vmul.f32 $8.000000000e+00, v0;
	v1 =	vld [tilespmem:s9+$0xFFFFFFA0]  }
0x302: {  	[tilespmem:s9+$0xFFFFFF40] =	vst v3;
	v3 =	vmul.f32 $8.000000000e+00, v5;
	v5 =	vld [tilespmem:s9+$0xFFFFFFB0]  }
0x303: {  	[tilespmem:s9+$0xFFFFFF50] =	vst v0;
	v0 =	vmul.f32 $8.000000000e+00, v6;
	v6 =	vld [tilespmem:s9+$0xFFFFFFC0]  }
0x304: {  	[tilespmem:s9+$0xFFFFFF60] =	vst v3;
	v2 =	vmul.f32 $8.000000000e+00, v2;
	v3 =	vld [tilespmem:s9+$0xFFFFFFD0]  }
0x305: {  	[tilespmem:s9+$0xFFFFFF70] =	vst v0;
	v0 =	vmul.f32 $8.000000000e+00, v4;
	v4 =	vld [tilespmem:s9+$0xFFFFFFE0]  }
0x306: {  	[tilespmem:s9+$0xFFFFFF80] =	vst v2;
	v1 =	vmul.f32 $8.000000000e+00, v1;
	v2 =	vld [tilespmem:s9+$0xFFFFFFF0]  }
0x307: {  	[tilespmem:s9+$0xFFFFFF90] =	vst v0;
	v0 =	vmul.f32 $8.000000000e+00, v5;
	v5 =	vld [tilespmem:s9+$0x0]  }
0x308: {  	[tilespmem:s9+$0xFFFFFFA0] =	vst v1;
	v1 =	vmul.f32 $8.000000000e+00, v6;
	v6 =	vld [tilespmem:s9+$0x10]  }
0x309: {  	[tilespmem:s9+$0xFFFFFFB0] =	vst v0;
	v0 =	vmul.f32 $8.000000000e+00, v3;
	v3 =	vld [tilespmem:s9+$0x20]  }
0x30a: {  	[tilespmem:s9+$0xFFFFFFC0] =	vst v1;
	v1 =	vmul.f32 $8.000000000e+00, v4;
	v4 =	vld [tilespmem:s9+$0x30]  }
0x30b: {  	[tilespmem:s9+$0xFFFFFFD0] =	vst v0;
	v0 =	vmul.f32 $8.000000000e+00, v2;
	v2 =	vld [tilespmem:s9+$0x40]  }
0x30c: {  	[tilespmem:s9+$0xFFFFFFE0] =	vst v1;
	v1 =	vmul.f32 $8.000000000e+00, v5;
	v5 =	vld [tilespmem:s9+$0x50]  }
0x30d: {  	[tilespmem:s9+$0xFFFFFFF0] =	vst v0;
	v0 =	vmul.f32 $8.000000000e+00, v6;
	v6 =	vld [tilespmem:s9+$0x60]  }
0x30e: {  	[tilespmem:s9+$0x0] =	vst v1;
	v1 =	vmul.f32 $8.000000000e+00, v3;
	v3 =	vld [tilespmem:s9+$0x70]  }
0x30f: {  	[tilespmem:s9+$0x10] =	vst v0;
	v0 =	vmul.f32 $8.000000000e+00, v4;
	v4 =	vld [tilespmem:s9+$0x80]  }
0x310: {  	[tilespmem:s9+$0x20] =	vst v1;
	v1 =	vmul.f32 $8.000000000e+00, v2;
	v7 =	vld [tilespmem:s9+$0x90]  }
0x311: {  	[tilespmem:s9+$0x30] =	vst v0;
	v2 =	vmul.f32 $8.000000000e+00, v5;
	v8 =	vld [tilespmem:s9+$0xA0]  }
.Ltmp9:
0x312: {  	[tilespmem:s9+$0x40] =	vst v1;
	v5 =	vmul.f32 $8.000000000e+00, v6;
	v0 =	vld [tilespmem:s9+$0xB0];
	(pc) =	sbr.rel @p0 .LBB2_20-.Ltmp9, $4  }
0x313: {  	[tilespmem:s9+$0x50] =	vst v2;
	v3 =	vmul.f32 $8.000000000e+00, v3;
	v1 =	vld [tilespmem:s9+$0xC0]  }
0x314: {  	[tilespmem:s9+$0x60] =	vst v5;
	v6 =	vmul.f32 $8.000000000e+00, v4;
	v2 =	vld [tilespmem:s9+$0xD0]  }
0x315: {  	[tilespmem:s9+$0x70] =	vst v3;
	v5 =	vmul.f32 $8.000000000e+00, v7;
	v3 =	vld [tilespmem:s9+$0xE0]  }
0x316: {  	s9 =	sadd.s32 $0x200, s9;
	v4 =	vld [tilespmem:s24+$0xFFFFFF00];
	[tilespmem:s24+$0x80] =	vst v6;
	v6 =	vmul.f32 $8.000000000e+00, v8  }
0x317: {  	[tilespmem:s24+$0x90] =	vst v5;
	v0 =	vmul.f32 $8.000000000e+00, v0  }
0x318: {  	[tilespmem:s24+$0xA0] =	vst v6;
	v1 =	vmul.f32 $8.000000000e+00, v1  }
0x319: {  	[tilespmem:s24+$0xB0] =	vst v0;
	v0 =	vmul.f32 $8.000000000e+00, v2  }
0x31a: {  	[tilespmem:s24+$0xC0] =	vst v1;
	v1 =	vmul.f32 $8.000000000e+00, v3  }
0x31b: {  	v2 =	vmul.f32 $8.000000000e+00, v4;
	[tilespmem:s24+$0xD0] =	vst v0  }
0x31c: {  	[tilespmem:s24+$0xE0] =	vst v1  }
0x31d: {  	[tilespmem:s24+$0xFFFFFF00] =	vst v2  }
0x31e: {  	s8 =	rddreg [dreg:$0x11]  }
0x31f: {  	[hbm4b:s8+s3] =	stream.linear.scatter [tilespmem:s1], [sflag:$0x5], $0x6400, $0x38;
	[tilespmem:$0x19640] =	vst v63  }
0x320: {  	_ =	swait.ge [sflag:s23], $0x6400  }
0x321: {  	[sflag:s23] =	ssyncset.done $0x0  }
0x322: {  	s29 =	rddreg [dreg:$0x10];
	[sflag:s23] =	ssyncadd.s32 $0xFFFF9C00  }
0x323: {  	[tilespmem:s13], [sflag:$0x9] =	stream.linear.gather [hbm4b:s29+s3], $0x190, $0x38;
	[tilespmem:$0x19640] =	vst v63  }
0x324: {  	_ =	swait.ge [sflag:s30], $0x190  }
0x325: {  	[sflag:s30] =	ssyncset.done $0x0  }
0x326: {  	[sflag:s30] =	ssyncadd.s32 $0xFFFFFE70  }
0x327: {  	[tilespmem:s14], [sflag:$0x4] =	stream.indirect.gather [hbm4b:s6+s31], $0x40, s13, s31, $0xb8;
	[tilespmem:$0x19640] =	vst v63  }
0x328: {  	_ =	swait.ge [sflag:s15], $0x6400  }
0x329: {  	[sflag:s15] =	ssyncset.done $0x0  }
0x32a: {  	s24 =	simm.s32 $0x6B40;
	[sflag:s15] =	ssyncadd.s32 $0xFFFF9C00  }
0x32b: {  	v0 =	vld [tilespmem:s24+$0xF0]  }
0x32c: {  	v1 =	vld [tilespmem:s24+$0xFFFFFF10]  }
0x32d: {  	v2 =	vld [tilespmem:s24+$0xFFFFFF20]  }
0x32e: {  	v3 =	vld [tilespmem:s24+$0xFFFFFF30]  }
0x32f: {  	v4 =	vld [tilespmem:s24+$0xFFFFFF40]  }
0x330: {  	v5 =	vld [tilespmem:s24+$0xFFFFFF50];
	v0 =	vmul.f32 $8.000000000e+00, v0  }
0x331: {  	v6 =	vld [tilespmem:s24+$0xFFFFFF60];
	v1 =	vmul.f32 $8.000000000e+00, v1  }
0x332: {  	v7 =	vld [tilespmem:s24+$0xFFFFFF70];
	v2 =	vmul.f32 $8.000000000e+00, v2;
	[tilespmem:s24+$0xF0] =	vst v0  }
0x333: {  	[tilespmem:s24+$0xFFFFFF10] =	vst v1;
	v0 =	vmul.f32 $8.000000000e+00, v3;
	v1 =	vld [tilespmem:s24+$0xFFFFFF80]  }
0x334: {  	[tilespmem:s24+$0xFFFFFF20] =	vst v2;
	v2 =	vmul.f32 $8.000000000e+00, v4;
	v3 =	vld [tilespmem:s24+$0xFFFFFF90]  }
0x335: {  	v4 =	vld [tilespmem:s24+$0xFFFFFFA0];
	[tilespmem:s24+$0xFFFFFF30] =	vst v0;
	v0 =	vmul.f32 $8.000000000e+00, v5  }
0x336: {  	[tilespmem:s24+$0xFFFFFF40] =	vst v2;
	v2 =	vmul.f32 $8.000000000e+00, v6;
	v5 =	vld [tilespmem:s24+$0xFFFFFFB0]  }
0x337: {  	v6 =	vld [tilespmem:s24+$0xFFFFFFC0];
	[tilespmem:s24+$0xFFFFFF50] =	vst v0;
	v0 =	vmul.f32 $8.000000000e+00, v7  }
0x338: {  	[tilespmem:s24+$0xFFFFFF60] =	vst v2;
	v2 =	vld [tilespmem:s24+$0xFFFFFFD0];
	v1 =	vmul.f32 $8.000000000e+00, v1  }
0x339: {  	[tilespmem:s24+$0xFFFFFF70] =	vst v0;
	v0 =	vmul.f32 $8.000000000e+00, v3;
	v3 =	vld [tilespmem:s24+$0xFFFFFFE0]  }
0x33a: {  	[tilespmem:s24+$0xFFFFFF80] =	vst v1;
	v1 =	vmul.f32 $8.000000000e+00, v4;
	v4 =	vld [tilespmem:s24+$0xFFFFFFF0]  }
0x33b: {  	[tilespmem:s24+$0xFFFFFF90] =	vst v0;
	v0 =	vmul.f32 $8.000000000e+00, v5;
	v5 =	vld [tilespmem:s24+$0x0]  }
0x33c: {  	[tilespmem:s24+$0xFFFFFFA0] =	vst v1;
	v1 =	vmul.f32 $8.000000000e+00, v6;
	v6 =	vld [tilespmem:s24+$0x10]  }
0x33d: {  	[tilespmem:s24+$0xFFFFFFB0] =	vst v0;
	v0 =	vmul.f32 $8.000000000e+00, v2;
	v2 =	vld [tilespmem:s24+$0x20]  }
0x33e: {  	[tilespmem:s24+$0xFFFFFFC0] =	vst v1;
	v1 =	vmul.f32 $8.000000000e+00, v3;
	v3 =	vld [tilespmem:s24+$0x30]  }
0x33f: {  	[tilespmem:s24+$0xFFFFFFD0] =	vst v0;
	v0 =	vmul.f32 $8.000000000e+00, v4;
	v4 =	vld [tilespmem:s24+$0x40]  }
0x340: {  	[tilespmem:s24+$0xFFFFFFE0] =	vst v1;
	v1 =	vmul.f32 $8.000000000e+00, v5;
	v5 =	vld [tilespmem:s24+$0x50]  }
0x341: {  	[tilespmem:s24+$0xFFFFFFF0] =	vst v0;
	v0 =	vmul.f32 $8.000000000e+00, v6;
	v6 =	vld [tilespmem:s24+$0x60]  }
0x342: {  	[tilespmem:s24+$0x0] =	vst v1;
	v1 =	vmul.f32 $8.000000000e+00, v2;
	v2 =	vld [tilespmem:s24+$0x70]  }
0x343: {  	[tilespmem:s24+$0x10] =	vst v0;
	v0 =	vmul.f32 $8.000000000e+00, v3;
	v3 =	vld [tilespmem:s24+$0x80]  }
0x344: {  	[tilespmem:s24+$0x20] =	vst v1;
	v1 =	vmul.f32 $8.000000000e+00, v4;
	v4 =	vld [tilespmem:s24+$0x90]  }
0x345: {  	v7 =	vld [tilespmem:s24+$0xA0];
	[tilespmem:s24+$0x30] =	vst v0;
	v5 =	vmul.f32 $8.000000000e+00, v5  }
0x346: {  	v0 =	vld [tilespmem:s24+$0xB0];
	[tilespmem:s24+$0x40] =	vst v1;
	v6 =	vmul.f32 $8.000000000e+00, v6  }
0x347: {  	v1 =	vld [tilespmem:s24+$0xC0];
	[tilespmem:s24+$0x50] =	vst v5;
	v5 =	vmul.f32 $8.000000000e+00, v2  }
0x348: {  	v2 =	vld [tilespmem:s24+$0xD0];
	[tilespmem:s24+$0x60] =	vst v6;
	v6 =	vmul.f32 $8.000000000e+00, v3  }
0x349: {  	v3 =	vld [tilespmem:s24+$0xE0];
	[tilespmem:s24+$0x70] =	vst v5;
	v5 =	vmul.f32 $8.000000000e+00, v4  }
0x34a: {  	s9 =	simm.s32 $0x6D40;
	s8 =	simm.s32 $0x0;
	v4 =	vld [tilespmem:s24+$0xFFFFFF00];
	[tilespmem:s24+$0x80] =	vst v6;
	v6 =	vmul.f32 $8.000000000e+00, v7  }
.LBB2_22:
0x34b: {  	v7 =	vld [tilespmem:s9+$0xF0];
	s8 =	sadd.s32 $0x8, s8;
	[tilespmem:s24+$0x90] =	vst v5;
	v0 =	vmul.f32 $8.000000000e+00, v0  }
0x34c: {  	v5 =	vld [tilespmem:s9+$0xFFFFFF10];
	p0 =	slt.u32 s8, $0x188;
	[tilespmem:s24+$0xA0] =	vst v6;
	v1 =	vmul.f32 $8.000000000e+00, v1  }
0x34d: {  	v6 =	vld [tilespmem:s9+$0xFFFFFF20];
	[tilespmem:s24+$0xB0] =	vst v0;
	v0 =	vmul.f32 $8.000000000e+00, v2  }
0x34e: {  	v2 =	vld [tilespmem:s9+$0xFFFFFF30];
	[tilespmem:s24+$0xC0] =	vst v1;
	v1 =	vmul.f32 $8.000000000e+00, v3  }
0x34f: {  	v3 =	vld [tilespmem:s9+$0xFFFFFF40];
	v4 =	vmul.f32 $8.000000000e+00, v4;
	[tilespmem:s24+$0xD0] =	vst v0  }
0x350: {  	v0 =	vld [tilespmem:s9+$0xFFFFFF50];
	v7 =	vmul.f32 $8.000000000e+00, v7;
	[tilespmem:s24+$0xE0] =	vst v1  }
0x351: {  	v1 =	vmul.f32 $8.000000000e+00, v5;
	v5 =	vld [tilespmem:s9+$0xFFFFFF60];
	[tilespmem:s24+$0xFFFFFF00] =	vst v4;
	s24 =	smov.u32 s9  }
0x352: {  	v4 =	vmul.f32 $8.000000000e+00, v6;
	v6 =	vld [tilespmem:s9+$0xFFFFFF70];
	[tilespmem:s9+$0xF0] =	vst v7  }
0x353: {  	[tilespmem:s9+$0xFFFFFF10] =	vst v1;
	v1 =	vmul.f32 $8.000000000e+00, v2;
	v2 =	vld [tilespmem:s9+$0xFFFFFF80]  }
0x354: {  	[tilespmem:s9+$0xFFFFFF20] =	vst v4;
	v3 =	vmul.f32 $8.000000000e+00, v3;
	v4 =	vld [tilespmem:s9+$0xFFFFFF90]  }
0x355: {  	[tilespmem:s9+$0xFFFFFF30] =	vst v1;
	v0 =	vmul.f32 $8.000000000e+00, v0;
	v1 =	vld [tilespmem:s9+$0xFFFFFFA0]  }
0x356: {  	[tilespmem:s9+$0xFFFFFF40] =	vst v3;
	v3 =	vmul.f32 $8.000000000e+00, v5;
	v5 =	vld [tilespmem:s9+$0xFFFFFFB0]  }
0x357: {  	[tilespmem:s9+$0xFFFFFF50] =	vst v0;
	v0 =	vmul.f32 $8.000000000e+00, v6;
	v6 =	vld [tilespmem:s9+$0xFFFFFFC0]  }
0x358: {  	[tilespmem:s9+$0xFFFFFF60] =	vst v3;
	v2 =	vmul.f32 $8.000000000e+00, v2;
	v3 =	vld [tilespmem:s9+$0xFFFFFFD0]  }
0x359: {  	[tilespmem:s9+$0xFFFFFF70] =	vst v0;
	v0 =	vmul.f32 $8.000000000e+00, v4;
	v4 =	vld [tilespmem:s9+$0xFFFFFFE0]  }
0x35a: {  	[tilespmem:s9+$0xFFFFFF80] =	vst v2;
	v1 =	vmul.f32 $8.000000000e+00, v1;
	v2 =	vld [tilespmem:s9+$0xFFFFFFF0]  }
0x35b: {  	[tilespmem:s9+$0xFFFFFF90] =	vst v0;
	v0 =	vmul.f32 $8.000000000e+00, v5;
	v5 =	vld [tilespmem:s9+$0x0]  }
0x35c: {  	[tilespmem:s9+$0xFFFFFFA0] =	vst v1;
	v1 =	vmul.f32 $8.000000000e+00, v6;
	v6 =	vld [tilespmem:s9+$0x10]  }
0x35d: {  	[tilespmem:s9+$0xFFFFFFB0] =	vst v0;
	v0 =	vmul.f32 $8.000000000e+00, v3;
	v3 =	vld [tilespmem:s9+$0x20]  }
0x35e: {  	[tilespmem:s9+$0xFFFFFFC0] =	vst v1;
	v1 =	vmul.f32 $8.000000000e+00, v4;
	v4 =	vld [tilespmem:s9+$0x30]  }
0x35f: {  	[tilespmem:s9+$0xFFFFFFD0] =	vst v0;
	v0 =	vmul.f32 $8.000000000e+00, v2;
	v2 =	vld [tilespmem:s9+$0x40]  }
0x360: {  	[tilespmem:s9+$0xFFFFFFE0] =	vst v1;
	v1 =	vmul.f32 $8.000000000e+00, v5;
	v5 =	vld [tilespmem:s9+$0x50]  }
0x361: {  	[tilespmem:s9+$0xFFFFFFF0] =	vst v0;
	v0 =	vmul.f32 $8.000000000e+00, v6;
	v6 =	vld [tilespmem:s9+$0x60]  }
0x362: {  	[tilespmem:s9+$0x0] =	vst v1;
	v1 =	vmul.f32 $8.000000000e+00, v3;
	v3 =	vld [tilespmem:s9+$0x70]  }
0x363: {  	[tilespmem:s9+$0x10] =	vst v0;
	v0 =	vmul.f32 $8.000000000e+00, v4;
	v4 =	vld [tilespmem:s9+$0x80]  }
0x364: {  	[tilespmem:s9+$0x20] =	vst v1;
	v1 =	vmul.f32 $8.000000000e+00, v2;
	v7 =	vld [tilespmem:s9+$0x90]  }
0x365: {  	[tilespmem:s9+$0x30] =	vst v0;
	v2 =	vmul.f32 $8.000000000e+00, v5;
	v8 =	vld [tilespmem:s9+$0xA0]  }
.Ltmp10:
0x366: {  	[tilespmem:s9+$0x40] =	vst v1;
	v5 =	vmul.f32 $8.000000000e+00, v6;
	v0 =	vld [tilespmem:s9+$0xB0];
	(pc) =	sbr.rel @p0 .LBB2_22-.Ltmp10, $4  }
0x367: {  	[tilespmem:s9+$0x50] =	vst v2;
	v3 =	vmul.f32 $8.000000000e+00, v3;
	v1 =	vld [tilespmem:s9+$0xC0]  }
0x368: {  	[tilespmem:s9+$0x60] =	vst v5;
	v6 =	vmul.f32 $8.000000000e+00, v4;
	v2 =	vld [tilespmem:s9+$0xD0]  }
0x369: {  	[tilespmem:s9+$0x70] =	vst v3;
	v5 =	vmul.f32 $8.000000000e+00, v7;
	v3 =	vld [tilespmem:s9+$0xE0]  }
0x36a: {  	s9 =	sadd.s32 $0x200, s9;
	v4 =	vld [tilespmem:s24+$0xFFFFFF00];
	[tilespmem:s24+$0x80] =	vst v6;
	v6 =	vmul.f32 $8.000000000e+00, v8  }
0x36b: {  	[tilespmem:s24+$0x90] =	vst v5;
	v0 =	vmul.f32 $8.000000000e+00, v0  }
0x36c: {  	[tilespmem:s24+$0xA0] =	vst v6;
	v1 =	vmul.f32 $8.000000000e+00, v1  }
0x36d: {  	[tilespmem:s24+$0xB0] =	vst v0;
	v0 =	vmul.f32 $8.000000000e+00, v2  }
0x36e: {  	[tilespmem:s24+$0xC0] =	vst v1;
	v1 =	vmul.f32 $8.000000000e+00, v3  }
0x36f: {  	v2 =	vmul.f32 $8.000000000e+00, v4;
	[tilespmem:s24+$0xD0] =	vst v0  }
0x370: {  	[tilespmem:s24+$0xE0] =	vst v1  }
0x371: {  	[tilespmem:s24+$0xFFFFFF00] =	vst v2  }
0x372: {  	s8 =	rddreg [dreg:$0x12]  }
0x373: {  	[hbm4b:s8+s3] =	stream.linear.scatter [tilespmem:s0], [sflag:$0x6], $0x6400, $0x38;
	[tilespmem:$0x19640] =	vst v63  }
0x374: {  	_ =	swait.ge [sflag:s19], $0x6400  }
0x375: {  	[sflag:s19] =	ssyncset.done $0x0  }
0x376: {  	s24 =	simm.s32 $0xCF40;
	[sflag:s19] =	ssyncadd.s32 $0xFFFF9C00  }
0x377: {  	v0 =	vld [tilespmem:s24+$0xF0]  }
0x378: {  	v1 =	vld [tilespmem:s24+$0xFFFFFF10]  }
0x379: {  	v2 =	vld [tilespmem:s24+$0xFFFFFF20]  }
0x37a: {  	v3 =	vld [tilespmem:s24+$0xFFFFFF30]  }
0x37b: {  	v4 =	vld [tilespmem:s24+$0xFFFFFF40]  }
0x37c: {  	v5 =	vld [tilespmem:s24+$0xFFFFFF50];
	v0 =	vmul.f32 $8.000000000e+00, v0  }
0x37d: {  	v6 =	vld [tilespmem:s24+$0xFFFFFF60];
	v1 =	vmul.f32 $8.000000000e+00, v1  }
0x37e: {  	v7 =	vld [tilespmem:s24+$0xFFFFFF70];
	v2 =	vmul.f32 $8.000000000e+00, v2;
	[tilespmem:s24+$0xF0] =	vst v0  }
0x37f: {  	[tilespmem:s24+$0xFFFFFF10] =	vst v1;
	v0 =	vmul.f32 $8.000000000e+00, v3;
	v1 =	vld [tilespmem:s24+$0xFFFFFF80]  }
0x380: {  	[tilespmem:s24+$0xFFFFFF20] =	vst v2;
	v2 =	vmul.f32 $8.000000000e+00, v4;
	v3 =	vld [tilespmem:s24+$0xFFFFFF90]  }
0x381: {  	v4 =	vld [tilespmem:s24+$0xFFFFFFA0];
	[tilespmem:s24+$0xFFFFFF30] =	vst v0;
	v0 =	vmul.f32 $8.000000000e+00, v5  }
0x382: {  	[tilespmem:s24+$0xFFFFFF40] =	vst v2;
	v2 =	vmul.f32 $8.000000000e+00, v6;
	v5 =	vld [tilespmem:s24+$0xFFFFFFB0]  }
0x383: {  	v6 =	vld [tilespmem:s24+$0xFFFFFFC0];
	[tilespmem:s24+$0xFFFFFF50] =	vst v0;
	v0 =	vmul.f32 $8.000000000e+00, v7  }
0x384: {  	[tilespmem:s24+$0xFFFFFF60] =	vst v2;
	v2 =	vld [tilespmem:s24+$0xFFFFFFD0];
	v1 =	vmul.f32 $8.000000000e+00, v1  }
0x385: {  	[tilespmem:s24+$0xFFFFFF70] =	vst v0;
	v0 =	vmul.f32 $8.000000000e+00, v3;
	v3 =	vld [tilespmem:s24+$0xFFFFFFE0]  }
0x386: {  	[tilespmem:s24+$0xFFFFFF80] =	vst v1;
	v1 =	vmul.f32 $8.000000000e+00, v4;
	v4 =	vld [tilespmem:s24+$0xFFFFFFF0]  }
0x387: {  	[tilespmem:s24+$0xFFFFFF90] =	vst v0;
	v0 =	vmul.f32 $8.000000000e+00, v5;
	v5 =	vld [tilespmem:s24+$0x0]  }
0x388: {  	[tilespmem:s24+$0xFFFFFFA0] =	vst v1;
	v1 =	vmul.f32 $8.000000000e+00, v6;
	v6 =	vld [tilespmem:s24+$0x10]  }
0x389: {  	[tilespmem:s24+$0xFFFFFFB0] =	vst v0;
	v0 =	vmul.f32 $8.000000000e+00, v2;
	v2 =	vld [tilespmem:s24+$0x20]  }
0x38a: {  	[tilespmem:s24+$0xFFFFFFC0] =	vst v1;
	v1 =	vmul.f32 $8.000000000e+00, v3;
	v3 =	vld [tilespmem:s24+$0x30]  }
0x38b: {  	[tilespmem:s24+$0xFFFFFFD0] =	vst v0;
	v0 =	vmul.f32 $8.000000000e+00, v4;
	v4 =	vld [tilespmem:s24+$0x40]  }
0x38c: {  	[tilespmem:s24+$0xFFFFFFE0] =	vst v1;
	v1 =	vmul.f32 $8.000000000e+00, v5;
	v5 =	vld [tilespmem:s24+$0x50]  }
0x38d: {  	[tilespmem:s24+$0xFFFFFFF0] =	vst v0;
	v0 =	vmul.f32 $8.000000000e+00, v6;
	v6 =	vld [tilespmem:s24+$0x60]  }
0x38e: {  	[tilespmem:s24+$0x0] =	vst v1;
	v1 =	vmul.f32 $8.000000000e+00, v2;
	v2 =	vld [tilespmem:s24+$0x70]  }
0x38f: {  	[tilespmem:s24+$0x10] =	vst v0;
	v0 =	vmul.f32 $8.000000000e+00, v3;
	v3 =	vld [tilespmem:s24+$0x80]  }
0x390: {  	[tilespmem:s24+$0x20] =	vst v1;
	v1 =	vmul.f32 $8.000000000e+00, v4;
	v4 =	vld [tilespmem:s24+$0x90]  }
0x391: {  	v7 =	vld [tilespmem:s24+$0xA0];
	[tilespmem:s24+$0x30] =	vst v0;
	v5 =	vmul.f32 $8.000000000e+00, v5  }
0x392: {  	v0 =	vld [tilespmem:s24+$0xB0];
	[tilespmem:s24+$0x40] =	vst v1;
	v6 =	vmul.f32 $8.000000000e+00, v6  }
0x393: {  	v1 =	vld [tilespmem:s24+$0xC0];
	[tilespmem:s24+$0x50] =	vst v5;
	v5 =	vmul.f32 $8.000000000e+00, v2  }
0x394: {  	v2 =	vld [tilespmem:s24+$0xD0];
	[tilespmem:s24+$0x60] =	vst v6;
	v6 =	vmul.f32 $8.000000000e+00, v3  }
0x395: {  	v3 =	vld [tilespmem:s24+$0xE0];
	[tilespmem:s24+$0x70] =	vst v5;
	v5 =	vmul.f32 $8.000000000e+00, v4  }
0x396: {  	s9 =	simm.s32 $0xD140;
	s8 =	simm.s32 $0x0;
	v4 =	vld [tilespmem:s24+$0xFFFFFF00];
	[tilespmem:s24+$0x80] =	vst v6;
	v6 =	vmul.f32 $8.000000000e+00, v7  }
.LBB2_24:
0x397: {  	v7 =	vld [tilespmem:s9+$0xF0];
	s8 =	sadd.s32 $0x8, s8;
	[tilespmem:s24+$0x90] =	vst v5;
	v0 =	vmul.f32 $8.000000000e+00, v0  }
0x398: {  	v5 =	vld [tilespmem:s9+$0xFFFFFF10];
	p0 =	slt.u32 s8, $0x188;
	[tilespmem:s24+$0xA0] =	vst v6;
	v1 =	vmul.f32 $8.000000000e+00, v1  }
0x399: {  	v6 =	vld [tilespmem:s9+$0xFFFFFF20];
	[tilespmem:s24+$0xB0] =	vst v0;
	v0 =	vmul.f32 $8.000000000e+00, v2  }
0x39a: {  	v2 =	vld [tilespmem:s9+$0xFFFFFF30];
	[tilespmem:s24+$0xC0] =	vst v1;
	v1 =	vmul.f32 $8.000000000e+00, v3  }
0x39b: {  	v3 =	vld [tilespmem:s9+$0xFFFFFF40];
	v4 =	vmul.f32 $8.000000000e+00, v4;
	[tilespmem:s24+$0xD0] =	vst v0  }
0x39c: {  	v0 =	vld [tilespmem:s9+$0xFFFFFF50];
	v7 =	vmul.f32 $8.000000000e+00, v7;
	[tilespmem:s24+$0xE0] =	vst v1  }
0x39d: {  	v1 =	vmul.f32 $8.000000000e+00, v5;
	v5 =	vld [tilespmem:s9+$0xFFFFFF60];
	[tilespmem:s24+$0xFFFFFF00] =	vst v4;
	s24 =	smov.u32 s9  }
0x39e: {  	v4 =	vmul.f32 $8.000000000e+00, v6;
	v6 =	vld [tilespmem:s9+$0xFFFFFF70];
	[tilespmem:s9+$0xF0] =	vst v7  }
0x39f: {  	[tilespmem:s9+$0xFFFFFF10] =	vst v1;
	v1 =	vmul.f32 $8.000000000e+00, v2;
	v2 =	vld [tilespmem:s9+$0xFFFFFF80]  }
0x3a0: {  	[tilespmem:s9+$0xFFFFFF20] =	vst v4;
	v3 =	vmul.f32 $8.000000000e+00, v3;
	v4 =	vld [tilespmem:s9+$0xFFFFFF90]  }
0x3a1: {  	[tilespmem:s9+$0xFFFFFF30] =	vst v1;
	v0 =	vmul.f32 $8.000000000e+00, v0;
	v1 =	vld [tilespmem:s9+$0xFFFFFFA0]  }
0x3a2: {  	[tilespmem:s9+$0xFFFFFF40] =	vst v3;
	v3 =	vmul.f32 $8.000000000e+00, v5;
	v5 =	vld [tilespmem:s9+$0xFFFFFFB0]  }
0x3a3: {  	[tilespmem:s9+$0xFFFFFF50] =	vst v0;
	v0 =	vmul.f32 $8.000000000e+00, v6;
	v6 =	vld [tilespmem:s9+$0xFFFFFFC0]  }
0x3a4: {  	[tilespmem:s9+$0xFFFFFF60] =	vst v3;
	v2 =	vmul.f32 $8.000000000e+00, v2;
	v3 =	vld [tilespmem:s9+$0xFFFFFFD0]  }
0x3a5: {  	[tilespmem:s9+$0xFFFFFF70] =	vst v0;
	v0 =	vmul.f32 $8.000000000e+00, v4;
	v4 =	vld [tilespmem:s9+$0xFFFFFFE0]  }
0x3a6: {  	[tilespmem:s9+$0xFFFFFF80] =	vst v2;
	v1 =	vmul.f32 $8.000000000e+00, v1;
	v2 =	vld [tilespmem:s9+$0xFFFFFFF0]  }
0x3a7: {  	[tilespmem:s9+$0xFFFFFF90] =	vst v0;
	v0 =	vmul.f32 $8.000000000e+00, v5;
	v5 =	vld [tilespmem:s9+$0x0]  }
0x3a8: {  	[tilespmem:s9+$0xFFFFFFA0] =	vst v1;
	v1 =	vmul.f32 $8.000000000e+00, v6;
	v6 =	vld [tilespmem:s9+$0x10]  }
0x3a9: {  	[tilespmem:s9+$0xFFFFFFB0] =	vst v0;
	v0 =	vmul.f32 $8.000000000e+00, v3;
	v3 =	vld [tilespmem:s9+$0x20]  }
0x3aa: {  	[tilespmem:s9+$0xFFFFFFC0] =	vst v1;
	v1 =	vmul.f32 $8.000000000e+00, v4;
	v4 =	vld [tilespmem:s9+$0x30]  }
0x3ab: {  	[tilespmem:s9+$0xFFFFFFD0] =	vst v0;
	v0 =	vmul.f32 $8.000000000e+00, v2;
	v2 =	vld [tilespmem:s9+$0x40]  }
0x3ac: {  	[tilespmem:s9+$0xFFFFFFE0] =	vst v1;
	v1 =	vmul.f32 $8.000000000e+00, v5;
	v5 =	vld [tilespmem:s9+$0x50]  }
0x3ad: {  	[tilespmem:s9+$0xFFFFFFF0] =	vst v0;
	v0 =	vmul.f32 $8.000000000e+00, v6;
	v6 =	vld [tilespmem:s9+$0x60]  }
0x3ae: {  	[tilespmem:s9+$0x0] =	vst v1;
	v1 =	vmul.f32 $8.000000000e+00, v3;
	v3 =	vld [tilespmem:s9+$0x70]  }
0x3af: {  	[tilespmem:s9+$0x10] =	vst v0;
	v0 =	vmul.f32 $8.000000000e+00, v4;
	v4 =	vld [tilespmem:s9+$0x80]  }
0x3b0: {  	[tilespmem:s9+$0x20] =	vst v1;
	v1 =	vmul.f32 $8.000000000e+00, v2;
	v7 =	vld [tilespmem:s9+$0x90]  }
0x3b1: {  	[tilespmem:s9+$0x30] =	vst v0;
	v2 =	vmul.f32 $8.000000000e+00, v5;
	v8 =	vld [tilespmem:s9+$0xA0]  }
.Ltmp11:
0x3b2: {  	[tilespmem:s9+$0x40] =	vst v1;
	v5 =	vmul.f32 $8.000000000e+00, v6;
	v0 =	vld [tilespmem:s9+$0xB0];
	(pc) =	sbr.rel @p0 .LBB2_24-.Ltmp11, $4  }
0x3b3: {  	[tilespmem:s9+$0x50] =	vst v2;
	v3 =	vmul.f32 $8.000000000e+00, v3;
	v1 =	vld [tilespmem:s9+$0xC0]  }
0x3b4: {  	[tilespmem:s9+$0x60] =	vst v5;
	v6 =	vmul.f32 $8.000000000e+00, v4;
	v2 =	vld [tilespmem:s9+$0xD0]  }
0x3b5: {  	[tilespmem:s9+$0x70] =	vst v3;
	v5 =	vmul.f32 $8.000000000e+00, v7;
	v3 =	vld [tilespmem:s9+$0xE0]  }
0x3b6: {  	s9 =	sadd.s32 $0x200, s9;
	v4 =	vld [tilespmem:s24+$0xFFFFFF00];
	[tilespmem:s24+$0x80] =	vst v6;
	v6 =	vmul.f32 $8.000000000e+00, v8  }
0x3b7: {  	[tilespmem:s24+$0x90] =	vst v5;
	v0 =	vmul.f32 $8.000000000e+00, v0  }
0x3b8: {  	[tilespmem:s24+$0xA0] =	vst v6;
	v1 =	vmul.f32 $8.000000000e+00, v1  }
0x3b9: {  	[tilespmem:s24+$0xB0] =	vst v0;
	v0 =	vmul.f32 $8.000000000e+00, v2  }
0x3ba: {  	[tilespmem:s24+$0xC0] =	vst v1;
	v1 =	vmul.f32 $8.000000000e+00, v3  }
0x3bb: {  	v2 =	vmul.f32 $8.000000000e+00, v4;
	[tilespmem:s24+$0xD0] =	vst v0  }
0x3bc: {  	[tilespmem:s24+$0xE0] =	vst v1  }
0x3bd: {  	[tilespmem:s24+$0xFFFFFF00] =	vst v2  }
0x3be: {  	s8 =	rddreg [dreg:$0x13]  }
0x3bf: {  	[hbm4b:s8+s3] =	stream.linear.scatter [tilespmem:s10], [sflag:$0x7], $0x6400, $0x38;
	[tilespmem:$0x19640] =	vst v63  }
0x3c0: {  	_ =	swait.ge [sflag:s21], $0x6400  }
0x3c1: {  	[sflag:s21] =	ssyncset.done $0x0  }
0x3c2: {  	s24 =	simm.s32 $0x13340;
	[sflag:s21] =	ssyncadd.s32 $0xFFFF9C00  }
0x3c3: {  	v0 =	vld [tilespmem:s24+$0xF0]  }
0x3c4: {  	v1 =	vld [tilespmem:s24+$0xFFFFFF10]  }
0x3c5: {  	v2 =	vld [tilespmem:s24+$0xFFFFFF20]  }
0x3c6: {  	v3 =	vld [tilespmem:s24+$0xFFFFFF30]  }
0x3c7: {  	v4 =	vld [tilespmem:s24+$0xFFFFFF40]  }
0x3c8: {  	v5 =	vld [tilespmem:s24+$0xFFFFFF50];
	v0 =	vmul.f32 $8.000000000e+00, v0  }
0x3c9: {  	v6 =	vld [tilespmem:s24+$0xFFFFFF60];
	v1 =	vmul.f32 $8.000000000e+00, v1  }
0x3ca: {  	v7 =	vld [tilespmem:s24+$0xFFFFFF70];
	v2 =	vmul.f32 $8.000000000e+00, v2;
	[tilespmem:s24+$0xF0] =	vst v0  }
0x3cb: {  	[tilespmem:s24+$0xFFFFFF10] =	vst v1;
	v0 =	vmul.f32 $8.000000000e+00, v3;
	v1 =	vld [tilespmem:s24+$0xFFFFFF80]  }
0x3cc: {  	[tilespmem:s24+$0xFFFFFF20] =	vst v2;
	v2 =	vmul.f32 $8.000000000e+00, v4;
	v3 =	vld [tilespmem:s24+$0xFFFFFF90]  }
0x3cd: {  	v4 =	vld [tilespmem:s24+$0xFFFFFFA0];
	[tilespmem:s24+$0xFFFFFF30] =	vst v0;
	v0 =	vmul.f32 $8.000000000e+00, v5  }
0x3ce: {  	[tilespmem:s24+$0xFFFFFF40] =	vst v2;
	v2 =	vmul.f32 $8.000000000e+00, v6;
	v5 =	vld [tilespmem:s24+$0xFFFFFFB0]  }
0x3cf: {  	v6 =	vld [tilespmem:s24+$0xFFFFFFC0];
	[tilespmem:s24+$0xFFFFFF50] =	vst v0;
	v0 =	vmul.f32 $8.000000000e+00, v7  }
0x3d0: {  	[tilespmem:s24+$0xFFFFFF60] =	vst v2;
	v2 =	vld [tilespmem:s24+$0xFFFFFFD0];
	v1 =	vmul.f32 $8.000000000e+00, v1  }
0x3d1: {  	[tilespmem:s24+$0xFFFFFF70] =	vst v0;
	v0 =	vmul.f32 $8.000000000e+00, v3;
	v3 =	vld [tilespmem:s24+$0xFFFFFFE0]  }
0x3d2: {  	[tilespmem:s24+$0xFFFFFF80] =	vst v1;
	v1 =	vmul.f32 $8.000000000e+00, v4;
	v4 =	vld [tilespmem:s24+$0xFFFFFFF0]  }
0x3d3: {  	[tilespmem:s24+$0xFFFFFF90] =	vst v0;
	v0 =	vmul.f32 $8.000000000e+00, v5;
	v5 =	vld [tilespmem:s24+$0x0]  }
0x3d4: {  	[tilespmem:s24+$0xFFFFFFA0] =	vst v1;
	v1 =	vmul.f32 $8.000000000e+00, v6;
	v6 =	vld [tilespmem:s24+$0x10]  }
0x3d5: {  	[tilespmem:s24+$0xFFFFFFB0] =	vst v0;
	v0 =	vmul.f32 $8.000000000e+00, v2;
	v2 =	vld [tilespmem:s24+$0x20]  }
0x3d6: {  	[tilespmem:s24+$0xFFFFFFC0] =	vst v1;
	v1 =	vmul.f32 $8.000000000e+00, v3;
	v3 =	vld [tilespmem:s24+$0x30]  }
0x3d7: {  	[tilespmem:s24+$0xFFFFFFD0] =	vst v0;
	v0 =	vmul.f32 $8.000000000e+00, v4;
	v4 =	vld [tilespmem:s24+$0x40]  }
0x3d8: {  	[tilespmem:s24+$0xFFFFFFE0] =	vst v1;
	v1 =	vmul.f32 $8.000000000e+00, v5;
	v5 =	vld [tilespmem:s24+$0x50]  }
0x3d9: {  	[tilespmem:s24+$0xFFFFFFF0] =	vst v0;
	v0 =	vmul.f32 $8.000000000e+00, v6;
	v6 =	vld [tilespmem:s24+$0x60]  }
0x3da: {  	[tilespmem:s24+$0x0] =	vst v1;
	v1 =	vmul.f32 $8.000000000e+00, v2;
	v2 =	vld [tilespmem:s24+$0x70]  }
0x3db: {  	[tilespmem:s24+$0x10] =	vst v0;
	v0 =	vmul.f32 $8.000000000e+00, v3;
	v3 =	vld [tilespmem:s24+$0x80]  }
0x3dc: {  	[tilespmem:s24+$0x20] =	vst v1;
	v1 =	vmul.f32 $8.000000000e+00, v4;
	v4 =	vld [tilespmem:s24+$0x90]  }
0x3dd: {  	v7 =	vld [tilespmem:s24+$0xA0];
	[tilespmem:s24+$0x30] =	vst v0;
	v5 =	vmul.f32 $8.000000000e+00, v5  }
0x3de: {  	v0 =	vld [tilespmem:s24+$0xB0];
	[tilespmem:s24+$0x40] =	vst v1;
	v6 =	vmul.f32 $8.000000000e+00, v6  }
0x3df: {  	v1 =	vld [tilespmem:s24+$0xC0];
	[tilespmem:s24+$0x50] =	vst v5;
	v5 =	vmul.f32 $8.000000000e+00, v2  }
0x3e0: {  	v2 =	vld [tilespmem:s24+$0xD0];
	[tilespmem:s24+$0x60] =	vst v6;
	v6 =	vmul.f32 $8.000000000e+00, v3  }
0x3e1: {  	v3 =	vld [tilespmem:s24+$0xE0];
	[tilespmem:s24+$0x70] =	vst v5;
	v5 =	vmul.f32 $8.000000000e+00, v4  }
0x3e2: {  	s9 =	simm.s32 $0x13540;
	s8 =	simm.s32 $0x0;
	v4 =	vld [tilespmem:s24+$0xFFFFFF00];
	[tilespmem:s24+$0x80] =	vst v6;
	v6 =	vmul.f32 $8.000000000e+00, v7  }
.LBB2_26:
0x3e3: {  	v7 =	vld [tilespmem:s9+$0xF0];
	s8 =	sadd.s32 $0x8, s8;
	[tilespmem:s24+$0x90] =	vst v5;
	v0 =	vmul.f32 $8.000000000e+00, v0  }
0x3e4: {  	v5 =	vld [tilespmem:s9+$0xFFFFFF10];
	p0 =	slt.u32 s8, $0x188;
	[tilespmem:s24+$0xA0] =	vst v6;
	v1 =	vmul.f32 $8.000000000e+00, v1  }
0x3e5: {  	v6 =	vld [tilespmem:s9+$0xFFFFFF20];
	[tilespmem:s24+$0xB0] =	vst v0;
	v0 =	vmul.f32 $8.000000000e+00, v2  }
0x3e6: {  	v2 =	vld [tilespmem:s9+$0xFFFFFF30];
	[tilespmem:s24+$0xC0] =	vst v1;
	v1 =	vmul.f32 $8.000000000e+00, v3  }
0x3e7: {  	v3 =	vld [tilespmem:s9+$0xFFFFFF40];
	v4 =	vmul.f32 $8.000000000e+00, v4;
	[tilespmem:s24+$0xD0] =	vst v0  }
0x3e8: {  	v0 =	vld [tilespmem:s9+$0xFFFFFF50];
	v7 =	vmul.f32 $8.000000000e+00, v7;
	[tilespmem:s24+$0xE0] =	vst v1  }
0x3e9: {  	v1 =	vmul.f32 $8.000000000e+00, v5;
	v5 =	vld [tilespmem:s9+$0xFFFFFF60];
	[tilespmem:s24+$0xFFFFFF00] =	vst v4;
	s24 =	smov.u32 s9  }
0x3ea: {  	v4 =	vmul.f32 $8.000000000e+00, v6;
	v6 =	vld [tilespmem:s9+$0xFFFFFF70];
	[tilespmem:s9+$0xF0] =	vst v7  }
0x3eb: {  	[tilespmem:s9+$0xFFFFFF10] =	vst v1;
	v1 =	vmul.f32 $8.000000000e+00, v2;
	v2 =	vld [tilespmem:s9+$0xFFFFFF80]  }
0x3ec: {  	[tilespmem:s9+$0xFFFFFF20] =	vst v4;
	v3 =	vmul.f32 $8.000000000e+00, v3;
	v4 =	vld [tilespmem:s9+$0xFFFFFF90]  }
0x3ed: {  	[tilespmem:s9+$0xFFFFFF30] =	vst v1;
	v0 =	vmul.f32 $8.000000000e+00, v0;
	v1 =	vld [tilespmem:s9+$0xFFFFFFA0]  }
0x3ee: {  	[tilespmem:s9+$0xFFFFFF40] =	vst v3;
	v3 =	vmul.f32 $8.000000000e+00, v5;
	v5 =	vld [tilespmem:s9+$0xFFFFFFB0]  }
0x3ef: {  	[tilespmem:s9+$0xFFFFFF50] =	vst v0;
	v0 =	vmul.f32 $8.000000000e+00, v6;
	v6 =	vld [tilespmem:s9+$0xFFFFFFC0]  }
0x3f0: {  	[tilespmem:s9+$0xFFFFFF60] =	vst v3;
	v2 =	vmul.f32 $8.000000000e+00, v2;
	v3 =	vld [tilespmem:s9+$0xFFFFFFD0]  }
0x3f1: {  	[tilespmem:s9+$0xFFFFFF70] =	vst v0;
	v0 =	vmul.f32 $8.000000000e+00, v4;
	v4 =	vld [tilespmem:s9+$0xFFFFFFE0]  }
0x3f2: {  	[tilespmem:s9+$0xFFFFFF80] =	vst v2;
	v1 =	vmul.f32 $8.000000000e+00, v1;
	v2 =	vld [tilespmem:s9+$0xFFFFFFF0]  }
0x3f3: {  	[tilespmem:s9+$0xFFFFFF90] =	vst v0;
	v0 =	vmul.f32 $8.000000000e+00, v5;
	v5 =	vld [tilespmem:s9+$0x0]  }
0x3f4: {  	[tilespmem:s9+$0xFFFFFFA0] =	vst v1;
	v1 =	vmul.f32 $8.000000000e+00, v6;
	v6 =	vld [tilespmem:s9+$0x10]  }
0x3f5: {  	[tilespmem:s9+$0xFFFFFFB0] =	vst v0;
	v0 =	vmul.f32 $8.000000000e+00, v3;
	v3 =	vld [tilespmem:s9+$0x20]  }
0x3f6: {  	[tilespmem:s9+$0xFFFFFFC0] =	vst v1;
	v1 =	vmul.f32 $8.000000000e+00, v4;
	v4 =	vld [tilespmem:s9+$0x30]  }
0x3f7: {  	[tilespmem:s9+$0xFFFFFFD0] =	vst v0;
	v0 =	vmul.f32 $8.000000000e+00, v2;
	v2 =	vld [tilespmem:s9+$0x40]  }
0x3f8: {  	[tilespmem:s9+$0xFFFFFFE0] =	vst v1;
	v1 =	vmul.f32 $8.000000000e+00, v5;
	v5 =	vld [tilespmem:s9+$0x50]  }
0x3f9: {  	[tilespmem:s9+$0xFFFFFFF0] =	vst v0;
	v0 =	vmul.f32 $8.000000000e+00, v6;
	v6 =	vld [tilespmem:s9+$0x60]  }
0x3fa: {  	[tilespmem:s9+$0x0] =	vst v1;
	v1 =	vmul.f32 $8.000000000e+00, v3;
	v3 =	vld [tilespmem:s9+$0x70]  }
0x3fb: {  	[tilespmem:s9+$0x10] =	vst v0;
	v0 =	vmul.f32 $8.000000000e+00, v4;
	v4 =	vld [tilespmem:s9+$0x80]  }
0x3fc: {  	[tilespmem:s9+$0x20] =	vst v1;
	v1 =	vmul.f32 $8.000000000e+00, v2;
	v7 =	vld [tilespmem:s9+$0x90]  }
0x3fd: {  	[tilespmem:s9+$0x30] =	vst v0;
	v2 =	vmul.f32 $8.000000000e+00, v5;
	v8 =	vld [tilespmem:s9+$0xA0]  }
.Ltmp12:
0x3fe: {  	[tilespmem:s9+$0x40] =	vst v1;
	v5 =	vmul.f32 $8.000000000e+00, v6;
	v0 =	vld [tilespmem:s9+$0xB0];
	(pc) =	sbr.rel @p0 .LBB2_26-.Ltmp12, $4  }
0x3ff: {  	[tilespmem:s9+$0x50] =	vst v2;
	v3 =	vmul.f32 $8.000000000e+00, v3;
	v1 =	vld [tilespmem:s9+$0xC0]  }
0x400: {  	[tilespmem:s9+$0x60] =	vst v5;
	v6 =	vmul.f32 $8.000000000e+00, v4;
	v2 =	vld [tilespmem:s9+$0xD0]  }
0x401: {  	[tilespmem:s9+$0x70] =	vst v3;
	v5 =	vmul.f32 $8.000000000e+00, v7;
	v3 =	vld [tilespmem:s9+$0xE0]  }
0x402: {  	s9 =	sadd.s32 $0x200, s9;
	v4 =	vld [tilespmem:s24+$0xFFFFFF00];
	[tilespmem:s24+$0x80] =	vst v6;
	v6 =	vmul.f32 $8.000000000e+00, v8  }
0x403: {  	[tilespmem:s24+$0x90] =	vst v5;
	v0 =	vmul.f32 $8.000000000e+00, v0  }
0x404: {  	[tilespmem:s24+$0xA0] =	vst v6;
	v1 =	vmul.f32 $8.000000000e+00, v1  }
0x405: {  	[tilespmem:s24+$0xB0] =	vst v0;
	v61 =	vmul.f32 $8.000000000e+00, v2  }
0x406: {  	[tilespmem:s24+$0xC0] =	vst v1;
	v62 =	vmul.f32 $8.000000000e+00, v3  }
0x407: {  	v63 =	vmul.f32 $8.000000000e+00, v4;
	[tilespmem:s24+$0xD0] =	vst v61  }
0x408: {  	[tilespmem:s24+$0xE0] =	vst v62  }
0x409: {  	[tilespmem:s24+$0xFFFFFF00] =	vst v63  }
0x40a: {  	s8 =	rddreg [dreg:$0x14]  }
0x40b: {  	[hbm4b:s8+s3] =	stream.linear.scatter [tilespmem:s14], [sflag:$0x8], $0x6400, $0x38;
	[tilespmem:$0x19640] =	vst v63  }
0x40c: {  	_ =	swait.ge [sflag:s18], $0x6400  }
0x40d: {  	[sflag:s18] =	ssyncset.done $0x0  }
0x40e: {  	[sflag:s18] =	ssyncadd.s32 $0xFFFF9C00  }
0x40f: {  	_ =	swait.ge [sflag:s20], $0x6400  }
0x410: {  	[sflag:s20] =	ssyncset.done $0x0  }
0x411: {  	[sflag:s20] =	ssyncadd.s32 $0xFFFF9C00  }
0x412: {  	_ =	swait.ge [sflag:s22], $0x6400  }
0x413: {  	[sflag:s22] =	ssyncset.done $0x0  }
0x414: {  	[sflag:s22] =	ssyncadd.s32 $0xFFFF9C00  }
0x415: {  	_ =	swait.ge [sflag:s23], $0x6400  }
0x416: {  	s9 =	rddreg [dreg:$0x16]  }
0x417: {  	s29 =	rddreg [dreg:$0x15];
	s9 =	sadd.s32 $0x1, s9  }
0x418: {  	p0 =	sne.s32 s9, s29  }
.Ltmp13:
0x419: {  	_ = 	snop;
	(pc) =	sbr.rel @p0 .LBB2_1-.Ltmp13, $3  }
0x41a: {  	_ =	sdelay $0x1  }
0x41b: {  	[sflag:s23] =	ssyncset.done $0x0  }
0x41c: {  	[sflag:s23] =	ssyncadd.s32 $0xFFFF9C00  }
0x41d: {  	_ =	sfence.sel $0x180000  }
0x41e: {  	[bflag:$0x0] =	sbarrier.arrive $0xFFFF  }
0x41f: {  	_ =	strace $0x90000047  }
0x420: {  	s0 =	stileid.u32;
	[bflag:$0x2] =	sbarrier.arrive $0xFFFF  }
0x421: {  	p0 =	sne.s32 s0, $0x0;
	s0 =	rddreg [dreg:$0x2]  }
0x422: {  	s0 =	sadd.s32 @!p0 $0x100000, s0  }
0x423: {  	[sflag:s0] =	ssyncadd.tile.s32 @!p0 $0x1;
	_ =	shalt  }
.Lfunc_end2:
_tile_overlayer_lowered:
.L_overlay_start_2:
0x424: {  	(tag) =	ssettag $0x2  }
0x425: {  	s0 =	rddreg [dreg:$0x0];
	s2 =	stileid.u32  }
0x426: {  	s1 =	rddreg [dreg:$0x1];
	p0 =	sne.s32 s2, $0x0  }
0x427: {  	s3 =	rddreg [dreg:$0x2];
	[bflag:$0x3] =	sbarrier.arrive $0xFFFF;
	s2 =	simm.s32 @!p0 $0x1C09  }
0x428: {  	[timem:s3], [sflag:s2] =	dma.local @!p0 [hbm:s0], s1  }
0x429: {  	s0 =	simm.s32 @!p0 $0x9  }
0x42a: {  	_ =	swait.ge @!p0 [sflag:s0], s1  }
0x42b: {  	s1 =	ssub.s32 @!p0 $0x0, s1;
	[sflag:s0] =	ssyncset.done @!p0 $0x0  }
0x42c: {  	[sflag:s0] =	ssyncadd.s32 @!p0 s1  }
0x42d: {  	[bflag:$0x3] =	sbarrier.arrive $0xFFFF  }
0x42e: {  	_ =	shalt  }

// kernel: sparse-core-data-format-call.cloned.1.call-start
scs
called_computation_lowered:
.L_overlay_start_0:
0x0: {  	s2 =	sld [smem:$0x3FD9]  }
0x1: {  	s3 =	sld [smem:$0x3FFE];
	_ =	sdelay $0x1  }
0x2: {  	s1 =	srdreg.scid  }
0x3: {  	s0 =	sand.u32 $0x1, s1  }
0x4: {  	s18 =	sshll.u32 s0, $0xA;
	s2 =	sadd.s32 s3, s2  }
0x5: {  	s2 =	sadd.s32 s2, s18  }
0x6: {  	[smem:$0x3FC6] =	sst s2  }
0x7: {  	_ = 	snop  }
0x8: {  	s2 =	sld [smem:$0x3FD0];
	(tm) =	ssettm $0x1  }
0x9: {  	s19 =	sld [smem:$0x3FFB];
	_ =	sdelay $0x3  }
0xa: {  	_ =	strace s19  }
0xb: {  	s3 =	sld [smem:$0x3FFC];
	_ =	sdelay $0x3  }
0xc: {  	_ =	strace s3  }
0xd: {  	s3 =	sld [smem:$0x3FFD];
	_ =	sdelay $0x3  }
0xe: {  	_ =	strace s3  }
0xf: {  	_ =	strace $0x8FFFFFFF  }
0x10: {  	s20 =	sld [smem:$0x3FDB];
	_ =	sdelay $0x1  }
0x11: {  	s4 =	simm.s32 $_scs_section_size  }
0x12: {  	s5 =	simm.s32 $_size__tile_overlayer_lowered;
	s6 =	simm.s32 $_tile_overlayer_lowered  }
0x13: {  	s23 =	simm.s32 $0x1BFF;
	s22 =	sshll.u32 s6, $0x1;
	s3 =	sadd.s32 s4, s20  }
0x14: {  	s7 =	simm.s32 $0x0;
	s21 =	sshll.u32 s5, $0x1;
	s5 =	sadd.s32 s22, s3  }
0x15: {  	[timem:s7], [sflag:s23] =	dma.local [hbm:s5], s21  }
0x16: {  	_ =	swait.ge [sflag:s23], s21  }
0x17: {  	s4 =	ssub.s32 $0x0, s21;
	[sflag:s23] =	ssyncset.done $0x0  }
0x18: {  	[sflag:s23] =	ssyncadd.s32 s4;
	_ =	sdelay $0x1  }
0x19: {  	s24 =	simm.s32 $0x1B8B  }
0x1a: {  	_ =	swait.ge [sflag:s24], $0x1  }
0x1b: {  	[sflag:s24] =	ssyncset.done $0x0  }
0x1c: {  	s26 =	simm.s32 $0x1B8E;
	s25 =	sld [smem:$0x3FFE];
	[sflag:s24] =	ssyncadd.s32 $0xFFFFFFFF  }
0x1d: {  	s27 =	simm.s32 $execute0_lowered;
	[smem:$0x3FD2] =	sst s26  }
0x1e: {  	s5 =	sshll.u32 s27, $0x1;
	_ =	strace $0x80000049;
	[dreg:$0x1] =	wrdreg $0xFFFFFFFF  }
0x1f: {  	s28 =	simm.s32 $_size_execute0_lowered;
	s3 =	sadd.s32 s3, s5;
	[dreg:$0x0] =	wrdreg $0x0  }
0x20: {  	s5 =	sshll.u32 s28, $0x1;
	[dreg:$0x2] =	wrdreg s3  }
0x21: {  	[dreg:$0x3] =	wrdreg s5  }
0x22: {  	[dreg:$0x4] =	wrdreg $0xC0  }
0x23: {  	_ =	task [dreg:s7], $0x5FFFF  }
0x24: {  	[dreg:$0x1] =	wrdreg $0xFFFFFFFF  }
0x25: {  	[dreg:$0x0] =	wrdreg $0x60  }
0x26: {  	[dreg:$0x2] =	wrdreg s25  }
0x27: {  	[dreg:$0x3] =	wrdreg s2  }
0x28: {  	[dreg:$0x4] =	wrdreg $0x9  }
0x29: {  	_ =	task.clear_ibuf [dreg:s7], $0x5FFFF;
	_ =	strace $0x90000049  }
0x2a: {  	s29 =	simm.s32 $0x9;
	_ =	strace $0x8000004B  }
0x2b: {  	_ =	swait.ge [sflag:s29], $0x1  }
0x2c: {  	[sflag:s29] =	ssyncadd.s32 $0xFFFFFFFF  }
0x2d: {  	_ =	strace $0x9000004B  }
0x2e: {  	_ =	sfence  }
0x2f: {  	s30 =	sld [smem:$0x0];
	_ =	sdelay $0x2  }
0x30: {  	s31 =	sshll.u32 s1, $0xD;
	s1 =	sshrl.u32 s1, $0x2  }
0x31: {  	s3 =	sand.u32 $0x4000, s31;
	s1 =	sadd.s32 s1, s30  }
0x32: {  	s0 =	sor.u32 s3, s0;
	s1 =	sshll.u32 s1, $0x11  }
0x33: {  	s0 =	sor.u32 s1, s0  }
0x34: {  	s0 =	sadd.s32 $0x8F2B, s0  }
0x35: {  	[sflag:s0] =	ssyncadd.remote.s32 $0x1  }
0x36: {  	_ =	sfence.sel $0xFFFF  }
0x37: {  	[dreg:$0x0] =	wrdreg $0xFFFFFFFF;
	(pc) =	sbr.abs _section_cstart, $3  }
0x38: {  	[dreg:$0x1] =	wrdreg $0xFFFFFFFF  }
0x39: {  	_ =	task.clear_ibuf [dreg:s7], $0x2FFFF;
	_ =	strace $0x9FFFFFFF  }
0x3a: {  	(tm) =	ssettm $0x7FFFFFFF  }
0x3b: {  	_ =	shalt  }
tec
execute0_lowered:
.L_overlay_start_1:
0x0: {  	(tag) =	ssettag $0x1  }
0x1: {  	s0 =	srdreg.scid  }
0x2: {  	s1 =	sshll.u32 s0, $0x4  }
0x3: {  	s0 =	stileid.u32;
	s1 =	sand.u32 $0x10, s1  }
0x4: {  	s1 =	sor.u32 s0, s1  }
0x5: {  	s6 =	rddreg [dreg:$0x0];
	s4 =	simm.s32 $0x1;
	s2 =	sshll.u32 s1, $0x7  }
0x6: {  	s7 =	simm.s32 $0x2;
	s12 =	simm.s32 $0x0;
	s1 =	ssub.s32 $0x1000, s2  }
0x7: {  	s8 =	simm.s32 $0x8000;
	s13 =	simm.s32 $0x0;
	s3 =	sand.u32 $0xF80, s1  }
0x8: {  	s9 =	simm.s32 $0x0;
	s5 =	sshrl.u32 s1, $0xC;
	p0 =	sne.s32 s3, $0x0  }
.Ltmp0:
0x9: {  	s1 =	rddreg [dreg:$0x2];
	s4 =	simm.s32 @!p0 $0x0;
	(pc) =	sbr.rel .LBB1_1-.Ltmp0, $4  }
0xa: {  	s11 =	simm.s32 $0x0;
	s3 =	rddreg [dreg:$0x1];
	s5 =	sadd.s32 s4, s5  }
0xb: {  	_ =	strace $0x8000004A;
	s4 =	simm.s32 $0x1;
	s5 =	smul.u32 $0xC8, s5  }
0xc: {  	s6 =	sadd.s32 $0xA00, s6;
	s10 =	smov.u32 s2;
	[sflag:s4] =	ssyncpa.u1 $0x0  }
0xd: {  	p0 =	por $0x0, $0x0;
	[sflag:s7] =	ssyncpa.u1 $0x0;
	s7 =	sor.u32 $0x1, s5  }
.LBB1_4:
0xe: {  	s16 =	sshll.u32 s13, $0x3;
	s17 =	sand.u32 $0x78, s13  }
0xf: {  	s30 =	sand.u32 $0x7E00, s13;
	s12 =	sshll.u32 s12, $0xF;
	s16 =	sand.u32 $0xC00, s16  }
0x10: {  	[tilespmem:s15+$0x810 ss:$0x81] =	vst.msk $0xffff, v2;
	s31 =	sand.u32 $0x7, s13;
	s16 =	sor.u32 s17, s16;
	s17 =	sadd.s32 s3, s30  }
0x11: {  	[tilespmem:s15+$0x1020 ss:$0x81] =	vst.msk $0xffff, v0;
	s13 =	sshll.u32 s31, $0x12;
	s12 =	sadd.s32 s12, s17;
	s16 =	sshrl.u32 s16, $0x3  }
0x12: {  	[tilespmem:s15+$0x0 ss:$0x81] =	vst.msk $0xffff, v1;
	s13 =	sor.u32 $0x400, s13;
	s12 =	sadd.s32 s16, s12  }
0x13: {  	[hbm4b:s12+s13] =	stream.strided.scatter [tilespmem:s14], [sflag:$0x2], $0x2000, s8, s13, $0x20;
	[tilespmem:$0x8080] =	vst v63  }
.LBB1_5:
0x14: {  	s14 =	sadd.s32 $0x1, s9  }
0x15: {  	s12 =	sadd.s32 $0x1000, s10;
	s16 =	smov.u32 s10;
	p2 =	sgt.s32 s14, $0xC7  }
0x16: {  	s16 =	smov.u32 @p2 s12  }
0x17: {  	s14 =	simm.s32 @p2 $0x0;
	p2 =	sgt.s32 s16, $0xFFF  }
0x18: {  	s16 =	smov.u32 @p2 s2;
	p2 =	sne.s32 s11, s7  }
.Ltmp1:
0x19: {  	p1 =	slt.u32 s11, $0x2;
	(pc) =	sbr.rel @!p2 .LBB1_6-.Ltmp1, $4  }
0x1a: {  	s15 =	simm.s32 @!p1 $0x2  }
0x1b: {  	s13 =	smov.u32 s10;
	p0 =	por !p0, !p0;
	_ =	swait.ge @!p1 [sflag:s15], $0x2000  }
0x1c: {  	s12 =	smov.u32 s9;
	[sflag:s15] =	ssyncset.done @!p1 $0x0;
	s9 =	smov.u32 s14  }
0x1d: {  	s11 =	sadd.s32 $0x1, s11;
	[sflag:s15] =	ssyncadd.s32 @!p1 $0xFFFFE000;
	s10 =	smov.u32 s16  }
.LBB1_1:
0x1e: {  	p1 =	sge.u32 s11, s5  }
0x1f: {  	s14 =	sand.u32 @!p1 $0x1FFFFFF, s9  }
0x20: {  	s15 =	smulhi.u32 @!p1 $0x147AE15, s14;
	_ =	sdelay $0x1  }
0x21: {  	s15 =	smul.u32 @!p1 $0xC8, s15  }
0x22: {  	s16 =	sxor.u32 @!p1 $0xFFFFFFFF, s11;
	s17 =	smul.u32 @!p1 $0xC80, s10  }
0x23: {  	s31 =	sadd.s32 $0xFFFFFFFF, s11;
	s16 =	sshll.u32 @!p1 s16, $0xD;
	s14 =	ssub.s32 @!p1 s14, s15  }
0x24: {  	s15 =	sand.u32 @!p1 $0x2000, s16;
	s16 =	sadd.s32 @!p1 s6, s17;
	s14 =	sshll.u32 @!p1 s14, $0x4  }
0x25: {  	s17 =	simm.s32 @!p1 $0x6400;
	s14 =	sadd.s32 @!p1 s14, s16;
	s16 =	simm.s32 @!p1 $0x40  }
0x26: {  	[tilespmem:s15], [sflag:$0x1] =	stream.strided.gather @!p1 [hbm4b:s14+s16], $0x2000, s17, s16, $0x38;
	[tilespmem:$0x8080] =	vst v63  }
0x27: {  	p1 =	sge.u32 s31, s5  }
.Ltmp2:
0x28: {  	_ = 	snop;
	(pc) =	sbr.rel @p1 .LBB1_5-.Ltmp2, $1  }
0x29: {  	_ =	sdelay $0x3  }
0x2a: {  	s14 =	simm.s32 $0x1  }
0x2b: {  	_ =	swait.ge [sflag:s4], $0x2000;
	s14 =	simm.s32 @!p0 $0x0  }
0x2c: {  	[sflag:s4] =	ssyncset.done $0x0;
	s15 =	sshll.u32 s14, $0xD  }
0x2d: {  	[sflag:s4] =	ssyncadd.s32 $0xFFFFE000;
	s18 =	sor.u32 $0x20, s15  }
0x2e: {  	s14 =	smul.u32 $0x8100, s14;
	v3 =	vld [tilespmem:s18+$0x10]  }
0x2f: {  	s30 =	sand.u32 $0x1, s11;
	v2 =	vld [tilespmem:s18+$0xFFFFFFF0]  }
0x30: {  	s15 =	smul.u32 $0x8100, s30;
	s14 =	sshrl.u32 s14, $0x2;
	v0 =	vld [tilespmem:s18+$0x0]  }
0x31: {  	v1 =	vld [tilespmem:s18+$0xFFFFFFE0];
	s16 =	sor.u32 $0x4000, s14  }
0x32: {  	s31 =	sshrl.u32 s15, $0x2;
	s15 =	sadd.s32 $0x0, s16  }
0x33: {  	s17 =	simm.s32 $0x4;
	s18 =	sadd.s32 $0x40, s18;
	s14 =	sor.u32 $0x4000, s31;
	[tilespmem:s15+$0x1830 ss:$0x81] =	vst.msk $0xffff, v3  }
.LBB1_3:
0x34: {  	v3 =	vld [tilespmem:s18+$0x10];
	p1 =	sne.s32 s17, $0x1FC;
	[tilespmem:s15+$0x810 ss:$0x81] =	vst.msk $0xffff, v2;
	s19 =	smov.u32 s17;
	s17 =	sadd.s32 $0x4, s17  }
.Ltmp3:
0x35: {  	v2 =	vld [tilespmem:s18+$0xFFFFFFF0];
	[tilespmem:s15+$0x1020 ss:$0x81] =	vst.msk $0xffff, v0;
	(pc) =	sbr.rel @p1 .LBB1_3-.Ltmp3, $4  }
0x36: {  	v0 =	vld [tilespmem:s18+$0x0];
	[tilespmem:s15+$0x0 ss:$0x81] =	vst.msk $0xffff, v1  }
0x37: {  	s15 =	sshra.s32 s19, $0x2;
	v1 =	vld [tilespmem:s18+$0xFFFFFFE0]  }
0x38: {  	s15 =	sadd.s32 s15, s16  }
0x39: {  	s18 =	sadd.s32 $0x40, s18;
	[tilespmem:s15+$0x1830 ss:$0x81] =	vst.msk $0xffff, v3  }
.Ltmp4:
0x3a: {  	_ = 	snop;
	(pc) =	sbr.rel .LBB1_4-.Ltmp4, $1  }
0x3b: {  	_ =	sdelay $0x3  }
.LBB1_6:
0x3c: {  	_ =	sfence.sel $0x180000  }
0x3d: {  	s2 =	simm.s32 $0x1;
	[bflag:$0x0] =	sbarrier.arrive $0xFFFF  }
0x3e: {  	s31 =	simm.s32 $0x2;
	[sflag:s2] =	ssyncpa.u1 $0x1  }
0x3f: {  	[sflag:s31] =	ssyncpa.u1 $0x1  }
0x40: {  	p0 =	sne.s32 s0, $0x0;
	_ =	strace $0x9000004A  }
0x41: {  	s0 =	sadd.s32 @!p0 $0x100000, s1;
	[bflag:$0x2] =	sbarrier.arrive $0xFFFF  }
0x42: {  	[sflag:s0] =	ssyncadd.tile.s32 @!p0 $0x1;
	_ =	shalt  }
.Lfunc_end1:
_tile_overlayer_lowered:
.L_overlay_start_2:
0x43: {  	(tag) =	ssettag $0x2  }
0x44: {  	s0 =	rddreg [dreg:$0x0];
	s2 =	stileid.u32  }
0x45: {  	s1 =	rddreg [dreg:$0x1];
	p0 =	sne.s32 s2, $0x0  }
0x46: {  	s3 =	rddreg [dreg:$0x2];
	[bflag:$0x3] =	sbarrier.arrive $0xFFFF;
	s2 =	simm.s32 @!p0 $0x1C01  }
0x47: {  	[timem:s3], [sflag:s2] =	dma.local @!p0 [hbm:s0], s1  }
0x48: {  	s0 =	simm.s32 @!p0 $0x1  }
0x49: {  	_ =	swait.ge @!p0 [sflag:s0], s1  }
0x4a: {  	s1 =	ssub.s32 @!p0 $0x0, s1;
	[sflag:s0] =	ssyncset.done @!p0 $0x0  }
0x4b: {  	[sflag:s0] =	ssyncadd.s32 @!p0 s1  }
0x4c: {  	[bflag:$0x3] =	sbarrier.arrive $0xFFFF  }
0x4d: {  	_ =	shalt  }

</sc_bundles>
